<compile_context>
chip_gen: v7x
topology: tpu7x:2x2x1
jax: 0.10.2.dev20260603
libtpu: 0.0.44.dev20260713+nightly
codegen_flags: <defaults>
</compile_context>

<pallas_src>
import functools

import jax
import jax.numpy as jnp
from jax import lax
from jax.experimental import pallas as pl
from jax.experimental.pallas import tpu as pltpu
from jax.experimental.pallas import tpu_sc as plsc

N = 10000
NPAD = 10240
E = 320000
CHUNK = 128
NCHUNKS = 2560
CPW = NCHUNKS // 32
ROWS_PER_SUB = NPAD // 16

_MESH = plsc.VectorSubcoreMesh(core_axis_name="c", subcore_axis_name="s")
_SC_PARAMS = pltpu.CompilerParams(use_tc_tiling_on_sc=False)



RCHUNKS = E // CHUNK
DEG_CPW = 78
DEG_LAST = RCHUNKS - 31 * DEG_CPW


@functools.partial(
    pl.kernel,
    out_type=jax.ShapeDtypeStruct((NPAD, 128), jnp.float32),
    mesh=_MESH,
    compiler_params=_SC_PARAMS,
    scratch_types=[
        pltpu.VMEM_SHARED((NPAD, 16), jnp.float32),
        pltpu.VMEM((DEG_LAST, CHUNK), jnp.int32),
        pltpu.VMEM((CHUNK, 16), jnp.float32),
    ],
)
def _sc_deg(dst_hbm, ones_hbm, zeros_hbm, out, acc, idx_v, ones_v):
    cid = lax.axis_index("c")
    sid = lax.axis_index("s")
    sl = pl.ds(sid * ROWS_PER_SUB, ROWS_PER_SUB)
    pltpu.sync_copy(zeros_hbm.at[sl], acc.at[sl])
    pltpu.sync_copy(ones_hbm, ones_v)
    w = cid * 16 + sid
    plsc.subcore_barrier()

    @pl.when(w < 31)
    def _():
        pltpu.sync_copy(dst_hbm.at[pl.ds(w * DEG_CPW, DEG_CPW)],
                        idx_v.at[pl.ds(0, DEG_CPW)])

        @pl.loop(0, DEG_CPW)
        def _(i):
            pltpu.sync_copy(ones_v, acc.at[idx_v.at[i]], add=True)

    @pl.when(w == 31)
    def _():
        pltpu.sync_copy(dst_hbm.at[pl.ds(31 * DEG_CPW, DEG_LAST)], idx_v)

        @pl.loop(0, DEG_LAST)
        def _(i):
            pltpu.sync_copy(ones_v, acc.at[idx_v.at[i]], add=True)

    plsc.subcore_barrier()

    @pl.when(cid == 0)
    def _():
        pltpu.sync_copy(acc.at[sl], out.at[sl, pl.ds(0, 16)])

    @pl.when(cid == 1)
    def _():
        pltpu.sync_copy(acc.at[sl], out.at[sl, pl.ds(16, 16)])


BLK = 40
CPW0 = 80
CPW1 = 80


def _make_sc_agg(F, packed):
    out_type = (jax.ShapeDtypeStruct((NPAD, 2 * F), jnp.float32) if packed
                else (jax.ShapeDtypeStruct((NPAD, F), jnp.float32),
                      jax.ShapeDtypeStruct((NPAD, F), jnp.float32)))

    @functools.partial(
        pl.kernel,
        out_type=out_type,
        mesh=_MESH,
        compiler_params=_SC_PARAMS,
        scratch_types=[
            pltpu.VMEM_SHARED((NPAD, F), jnp.float32),
            pltpu.VMEM((BLK, CHUNK), jnp.int32),
            pltpu.VMEM((BLK, CHUNK), jnp.int32),
            pltpu.VMEM((CHUNK, F), jnp.float32),
            pltpu.VMEM((CHUNK, F), jnp.float32),
            pltpu.SemaphoreType.DMA,
            pltpu.SemaphoreType.DMA,
        ],
    )
    def k(tab_hbm, src_hbm, dst_hbm, zeros_hbm, *out_and_scratch):
        if packed:
            (out, acc, si_v, di_v, rows_a, rows_b,
             sem_a, sem_b) = out_and_scratch
        else:
            (out0, out1, acc, si_v, di_v, rows_a, rows_b,
             sem_a, sem_b) = out_and_scratch
        cid = lax.axis_index("c")
        sid = lax.axis_index("s")
        sl = pl.ds(sid * ROWS_PER_SUB, ROWS_PER_SUB)
        pltpu.sync_copy(zeros_hbm.at[sl], acc.at[sl])
        plsc.subcore_barrier()

        def run(worker_base, nblk):
            @pl.loop(0, nblk)
            def _(h):
                base = worker_base + h * BLK
                pltpu.sync_copy(src_hbm.at[pl.ds(base, BLK)], si_v)
                pltpu.sync_copy(dst_hbm.at[pl.ds(base, BLK)], di_v)
                pltpu.async_copy(tab_hbm.at[si_v.at[0]], rows_a, sem_a)

                @pl.loop(0, BLK, step=2)
                def _(i):
                    pltpu.async_copy(tab_hbm.at[si_v.at[i + 1]], rows_b, sem_b)
                    pltpu.make_async_copy(tab_hbm.at[si_v.at[i]], rows_a,
                                          sem_a).wait()
                    pltpu.sync_copy(rows_a, acc.at[di_v.at[i]], add=True)

                    @pl.when(i + 2 < BLK)
                    def _():
                        pltpu.async_copy(tab_hbm.at[si_v.at[i + 2]], rows_a,
                                         sem_a)

                    pltpu.make_async_copy(tab_hbm.at[si_v.at[i + 1]], rows_b,
                                          sem_b).wait()
                    pltpu.sync_copy(rows_b, acc.at[di_v.at[i + 1]], add=True)

        @pl.when(cid == 0)
        def _():
            run(sid * CPW0, CPW0 // BLK)

        @pl.when(cid == 1)
        def _():
            run(16 * CPW0 + sid * CPW1, CPW1 // BLK)

        plsc.subcore_barrier()

        if packed:
            @pl.when(cid == 0)
            def _():
                pltpu.sync_copy(acc.at[sl], out.at[sl, pl.ds(0, F)])

            @pl.when(cid == 1)
            def _():
                pltpu.sync_copy(acc.at[sl], out.at[sl, pl.ds(F, F)])
        else:
            @pl.when(cid == 0)
            def _():
                pltpu.sync_copy(acc.at[sl], out0.at[sl])

            @pl.when(cid == 1)
            def _():
                pltpu.sync_copy(acc.at[sl], out1.at[sl])

    return k


_sc_agg64 = _make_sc_agg(64, packed=True)
_sc_agg128 = _make_sc_agg(128, packed=False)



def _row_mask():
    return lax.broadcasted_iota(jnp.int32, (NPAD, 1), 0) < N


def _bn(z, g, b, mask, eps=1e-5):
    zm = jnp.where(mask, z, 0.0)
    m = jnp.sum(zm, axis=0, keepdims=True) * (1.0 / N)
    d = jnp.where(mask, z - m, 0.0)
    v = jnp.sum(d * d, axis=0, keepdims=True) * (1.0 / N)
    return (z - m) * lax.rsqrt(v + eps) * g + b


def _dot(a, b):
    return jnp.dot(a, b, preferred_element_type=jnp.float32)


def _tc_h0_body(x_ref, w_ref, b_ref, o_ref):
    o_ref[...] = jnp.maximum(_dot(x_ref[...], w_ref[...]) + b_ref[...], 0.0)


def _tc_prep1_body(h0_ref, d_ref, dis_ref, t1_ref):
    deg = d_ref[:, 0:1] + d_ref[:, 16:17] + 1.0
    dis = jnp.where(_row_mask(), lax.rsqrt(deg), 0.0)
    dis_ref[...] = dis
    t1_ref[...] = dis * h0_ref[...]


def _tc_mid1_body(apk, t1, dis_r, w1, b1, g1, be1, w2, t2_ref):
    mask = _row_mask()
    dis = dis_r[...]
    u = dis * (apk[:, :64] + apk[:, 64:] + t1[...])
    z = _dot(u, w1[...]) + b1[...]
    h = jnp.maximum(_bn(z, g1[...], be1[...], mask), 0.0)
    t2_ref[...] = dis * _dot(h, w2[...])


def _tc_mid2_body(a0, a1, t2, dis_r, b2, g2, be2, w3, t3_ref):
    mask = _row_mask()
    dis = dis_r[...]
    z = dis * (a0[...] + a1[...] + t2[...]) + b2[...]
    h = jnp.maximum(_bn(z, g2[...], be2[...], mask), 0.0)
    t3_ref[...] = dis * _dot(h, w3[...])


def _tc_final_body(apk, t3, dis_r, b3, g3, be3, wo, bo, out_ref):
    mask = _row_mask()
    dis = dis_r[...]
    z = dis * (apk[:, :64] + apk[:, 64:] + t3[...]) + b3[...]
    h = jnp.maximum(_bn(z, g3[...], be3[...], mask), 0.0)
    logits = _dot(h, wo[...]) + bo[...]
    m = jnp.max(logits, axis=1, keepdims=True)
    lse = m + jnp.log(jnp.sum(jnp.exp(logits - m), axis=1, keepdims=True))
    out_ref[...] = (logits - lse)[:N]


def _tc_call(body, out_shapes, *args):
    return pl.pallas_call(
        body,
        out_shape=out_shapes,
    )(*args)



def kernel(x, edge_index, W_in, b_in, W1, b1, g1, be1, W2, b2, g2, be2,
           W3, b3, g3, be3, W_out, b_out):
    f32 = jnp.float32
    pad = NCHUNKS * CHUNK - E
    fill = N + (jnp.arange(pad, dtype=jnp.int32) % CHUNK)
    src_p = jnp.concatenate([edge_index[0], fill]).reshape(NCHUNKS, CHUNK)
    dst_p = jnp.concatenate([edge_index[1], fill]).reshape(NCHUNKS, CHUNK)
    x_p = jnp.pad(x, ((0, NPAD - N), (0, 0)))

    ones16 = jnp.ones((CHUNK, 16), f32)
    zeros16 = jnp.zeros((NPAD, 16), f32)
    zeros64 = jnp.zeros((NPAD, 64), f32)
    zeros128 = jnp.zeros((NPAD, 128), f32)

    dst_raw = edge_index[1].reshape(RCHUNKS, CHUNK)
    d = _sc_deg(dst_raw, ones16, zeros16)
    h0 = _tc_call(_tc_h0_body, jax.ShapeDtypeStruct((NPAD, 64), f32),
                  x_p, W_in, b_in.reshape(1, -1))
    dis, t1 = pl.pallas_call(
        _tc_prep1_body,
        out_shape=(jax.ShapeDtypeStruct((NPAD, 1), f32),
                   jax.ShapeDtypeStruct((NPAD, 64), f32)),
        in_specs=[pl.BlockSpec((NPAD, 64), lambda: (0, 0)),
                  pl.BlockSpec((NPAD, 128), lambda: (0, 0))],
    )(h0, d)

    apk = _sc_agg64(t1, src_p, dst_p, zeros64)
    t2 = _tc_call(_tc_mid1_body, jax.ShapeDtypeStruct((NPAD, 128), f32),
                  apk, t1, dis, W1, b1.reshape(1, -1), g1.reshape(1, -1),
                  be1.reshape(1, -1), W2)

    a0, a1 = _sc_agg128(t2, src_p, dst_p, zeros128)
    t3 = _tc_call(_tc_mid2_body, jax.ShapeDtypeStruct((NPAD, 64), f32),
                  a0, a1, t2, dis, b2.reshape(1, -1), g2.reshape(1, -1),
                  be2.reshape(1, -1), W3)

    apk = _sc_agg64(t3, src_p, dst_p, zeros64)
    out = _tc_call(_tc_final_body, jax.ShapeDtypeStruct((N, 40), f32),
                   apk, t3, dis, b3.reshape(1, -1), g3.reshape(1, -1),
                   be3.reshape(1, -1), W_out, b_out.reshape(1, -1))
    return out

# --- scband reference (transcript-rebuilt; emitter-appended) ---
"""Pipeline reference for scband-gcn-12154757447857 (READ-ONLY COPY).

The authoritative reference and input builder live on the scoring server;
editing this copy changes nothing except your own understanding.
"""

import jax, jax.numpy as jnp
import numpy as np

N_NODES = 10000
N_EDGES = 320000
F_IN = 128
N_CLASSES = 40

def setup_inputs(seed: int = 0):
    key = jax.random.key(seed)
    ks = jax.random.split(key, 8)
    x = jax.random.normal(ks[0], (N_NODES, F_IN), dtype=jnp.float32)
    edge_index = jax.random.randint(ks[1], (2, N_EDGES), 0, N_NODES, dtype=jnp.int32)
    def lin(k, fi, fo):
        return jax.random.normal(k, (fi, fo), dtype=jnp.float32) / np.sqrt(fi).astype(np.float32)
    return {
        'x': x,
        'edge_index': edge_index,
        'W_in': lin(ks[2], F_IN, 64), 'b_in': jnp.zeros((64,), jnp.float32),
        'W1': lin(ks[3], 64, 128), 'b1': jnp.zeros((128,), jnp.float32),
        'g1': jnp.ones((128,), jnp.float32), 'be1': jnp.zeros((128,), jnp.float32),
        'W2': lin(ks[4], 128, 128), 'b2': jnp.zeros((128,), jnp.float32),
        'g2': jnp.ones((128,), jnp.float32), 'be2': jnp.zeros((128,), jnp.float32),
        'W3': lin(ks[5], 128, 64), 'b3': jnp.zeros((64,), jnp.float32),
        'g3': jnp.ones((64,), jnp.float32), 'be3': jnp.zeros((64,), jnp.float32),
        'W_out': lin(ks[6], 64, N_CLASSES), 'b_out': jnp.zeros((N_CLASSES,), jnp.float32),
    }

def _gcn_norm(edge_index, n, dtype):
    loop = jnp.arange(n, dtype=edge_index.dtype)
    src = jnp.concatenate([edge_index[0], loop])
    dst = jnp.concatenate([edge_index[1], loop])
    deg = jax.ops.segment_sum(jnp.ones_like(dst, dtype=dtype), dst, num_segments=n)
    dis = jnp.where(deg > 0, 1.0 / jnp.sqrt(deg), 0.0)
    norm = dis[src] * dis[dst]
    return src, dst, norm

def _gcn_conv(x, W, b, src, dst, norm, n):
    h = x @ W
    msg = h[src] * norm[:, None]
    return jax.ops.segment_sum(msg, dst, num_segments=n) + b

def _bn(x, g, b, eps=1e-5):
    m = jnp.mean(x, axis=0)
    v = jnp.var(x, axis=0)
    return (x - m) / jnp.sqrt(v + eps) * g + b

def reference(x, edge_index, W_in, b_in, W1, b1, g1, be1, W2, b2, g2, be2, W3, b3, g3, be3, W_out, b_out):
    n = x.shape[0]
    src, dst, norm = _gcn_norm(edge_index, n, x.dtype)
    h = jax.nn.relu(x @ W_in + b_in)
    h = jax.nn.relu(_bn(_gcn_conv(h, W1, b1, src, dst, norm, n), g1, be1))
    h = jax.nn.relu(_bn(_gcn_conv(h, W2, b2, src, dst, norm, n), g2, be2))
    h = jax.nn.relu(_bn(_gcn_conv(h, W3, b3, src, dst, norm, n), g3, be3))
    logits = h @ W_out + b_out
    return jax.nn.log_softmax(logits, axis=1)

if __name__ == "__main__":
    import jax
    _d = setup_inputs()
    print(jax.jit(kernel)(*tuple(_d.values())))

</pallas_src>

<mosaic_0001>
#map = affine_map<(d0, d1) -> (0, 0)>
module attributes {stable_mosaic.version = 14 : i64} {
  func.func @k(%arg0: i32, %arg1: i32, %arg2: memref<10240x64xf32, #tpu.memory_space<hbm>>, %arg3: memref<2560x128xi32, #tpu.memory_space<hbm>>, %arg4: memref<2560x128xi32, #tpu.memory_space<hbm>>, %arg5: memref<10240x64xf32, #tpu.memory_space<hbm>>, %arg6: memref<10240x128xf32, #tpu.memory_space<hbm>>, %arg7: memref<10240x64xf32, #tpu.memory_space<vmem_shared>>, %arg8: memref<40x128xi32, #tpu.memory_space<vmem>>, %arg9: memref<40x128xi32, #tpu.memory_space<vmem>>, %arg10: memref<128x64xf32, #tpu.memory_space<vmem>>, %arg11: memref<128x64xf32, #tpu.memory_space<vmem>>, %arg12: memref<!tpu.dma_semaphore, #tpu.memory_space<semaphore_mem>>, %arg13: memref<!tpu.dma_semaphore, #tpu.memory_space<semaphore_mem>>) attributes {dimension_semantics = [#tpu.dimension_semantics<core_parallel>, #tpu.dimension_semantics<subcore_parallel>], iteration_bounds = array<i64: 2, 16>, scalar_prefetch = 0 : i64, scratch_operands = 7 : i64, tpu.core_type = #tpu.core_type<sc_vector_subcore>, window_params = [{transform_indices = #map}, {transform_indices = #map}, {transform_indices = #map}, {transform_indices = #map}, {transform_indices = #map}]} {
    %mul3A = arith.constant 640 : i32
    %mul3A_0 = arith.muli %arg1, %mul3A : i32
    "tpu.region"() ({
      %run_scoped3A = tpu.sem_alloc : memref<!tpu.dma_semaphore, #tpu.memory_space<semaphore_mem>>
      %dma_start3A = arith.constant 0 : i32
      %dma_start3A_19 = tpu.memref_slice %arg7[%mul3A_0, %dma_start3A] : memref<10240x64xf32, #tpu.memory_space<vmem_shared>> -> memref<640x64xf32, #tpu.memory_space<vmem_shared>>
      %dma_start3A_20 = arith.constant 0 : i32
      %dma_start3A_21 = tpu.memref_slice %arg5[%mul3A_0, %dma_start3A_20] : memref<10240x64xf32, #tpu.memory_space<hbm>> -> memref<640x64xf32, #tpu.memory_space<hbm>>
      tpu.enqueue_dma source(%dma_start3A_21 : memref<640x64xf32, #tpu.memory_space<hbm>>) target(%dma_start3A_19 : memref<640x64xf32, #tpu.memory_space<vmem_shared>>) target_semaphore(%run_scoped3A : memref<!tpu.dma_semaphore, #tpu.memory_space<semaphore_mem>>)
      %dma_wait3A = arith.constant 0 : i32
      %dma_wait3A_22 = tpu.memref_slice %arg7[%mul3A_0, %dma_wait3A] : memref<10240x64xf32, #tpu.memory_space<vmem_shared>> -> memref<640x64xf32, #tpu.memory_space<vmem_shared>>
      %dma_wait3A_23 = arith.constant 0 : i32
      %dma_wait3A_24 = tpu.memref_slice %arg5[%mul3A_0, %dma_wait3A_23] : memref<10240x64xf32, #tpu.memory_space<hbm>> -> memref<640x64xf32, #tpu.memory_space<hbm>>
      tpu.wait_dma2 semaphore(%run_scoped3A : memref<!tpu.dma_semaphore, #tpu.memory_space<semaphore_mem>>) src(%dma_wait3A_24 : memref<640x64xf32, #tpu.memory_space<hbm>>) dst(%dma_wait3A_22 : memref<640x64xf32, #tpu.memory_space<vmem_shared>>)
      tpu.yield
    }) : () -> ()
    %barrier3A = arith.constant 0 : index
    tpu.barrier barrier_id(%barrier3A)
    %eq3A = arith.constant 0 : i32
    %eq3A_1 = arith.cmpi eq, %arg0, %eq3A : i32
    %convert_element_type3A = arith.extui %eq3A_1 : i1 to i32
    %cond3A = arith.constant 0 : i32
    %cond3A_2 = arith.cmpi ne, %convert_element_type3A, %cond3A : i32
    scf.if %cond3A_2 {
      %mul3A_19 = arith.constant 80 : i32
      %mul3A_20 = arith.muli %arg1, %mul3A_19 : i32
      %scan3A = arith.constant 0 : i32
      %scan3A_21 = arith.constant 2 : i32
      %scan3A_22 = arith.addi %scan3A, %scan3A_21 : i32
      %scan3A_23 = arith.constant 1 : i32
      scf.for %scan3A_25 = %scan3A to %scan3A_22 step %scan3A_23  : i32 {
        %mul3A_26 = arith.constant 1 : i32
        %mul3A_27 = arith.muli %scan3A_25, %mul3A_26 : i32
        %add3A = arith.constant 0 : i32
        %add3A_28 = arith.addi %add3A, %mul3A_27 : i32
        %mul3A_29 = arith.constant 40 : i32
        %mul3A_30 = arith.muli %add3A_28, %mul3A_29 : i32
        %add3A_31 = arith.addi %mul3A_20, %mul3A_30 : i32
        "tpu.region"() ({
          %run_scoped3A = tpu.sem_alloc : memref<!tpu.dma_semaphore, #tpu.memory_space<semaphore_mem>>
          %dma_start3A_43 = arith.constant 0 : i32
          %dma_start3A_44 = tpu.memref_slice %arg3[%add3A_31, %dma_start3A_43] : memref<2560x128xi32, #tpu.memory_space<hbm>> -> memref<40x128xi32, #tpu.memory_space<hbm>>
          %dma_start3A_45 = arith.constant 0 : i32
          %dma_start3A_46 = tpu.memref_slice %arg3[%add3A_31, %dma_start3A_45] : memref<2560x128xi32, #tpu.memory_space<hbm>> -> memref<40x128xi32, #tpu.memory_space<hbm>>
          tpu.enqueue_dma source(%dma_start3A_46 : memref<40x128xi32, #tpu.memory_space<hbm>>) target(%arg8 : memref<40x128xi32, #tpu.memory_space<vmem>>) target_semaphore(%run_scoped3A : memref<!tpu.dma_semaphore, #tpu.memory_space<semaphore_mem>>)
          %dma_wait3A = arith.constant 0 : i32
          %dma_wait3A_47 = tpu.memref_slice %arg3[%add3A_31, %dma_wait3A] : memref<2560x128xi32, #tpu.memory_space<hbm>> -> memref<40x128xi32, #tpu.memory_space<hbm>>
          %dma_wait3A_48 = arith.constant 0 : i32
          %dma_wait3A_49 = tpu.memref_slice %arg3[%add3A_31, %dma_wait3A_48] : memref<2560x128xi32, #tpu.memory_space<hbm>> -> memref<40x128xi32, #tpu.memory_space<hbm>>
          tpu.wait_dma2 semaphore(%run_scoped3A : memref<!tpu.dma_semaphore, #tpu.memory_space<semaphore_mem>>) src(%dma_wait3A_49 : memref<40x128xi32, #tpu.memory_space<hbm>>) dst(%arg8 : memref<40x128xi32, #tpu.memory_space<vmem>>)
          tpu.yield
        }) : () -> ()
        "tpu.region"() ({
          %run_scoped3A = tpu.sem_alloc : memref<!tpu.dma_semaphore, #tpu.memory_space<semaphore_mem>>
          %dma_start3A_43 = arith.constant 0 : i32
          %dma_start3A_44 = tpu.memref_slice %arg4[%add3A_31, %dma_start3A_43] : memref<2560x128xi32, #tpu.memory_space<hbm>> -> memref<40x128xi32, #tpu.memory_space<hbm>>
          %dma_start3A_45 = arith.constant 0 : i32
          %dma_start3A_46 = tpu.memref_slice %arg4[%add3A_31, %dma_start3A_45] : memref<2560x128xi32, #tpu.memory_space<hbm>> -> memref<40x128xi32, #tpu.memory_space<hbm>>
          tpu.enqueue_dma source(%dma_start3A_46 : memref<40x128xi32, #tpu.memory_space<hbm>>) target(%arg9 : memref<40x128xi32, #tpu.memory_space<vmem>>) target_semaphore(%run_scoped3A : memref<!tpu.dma_semaphore, #tpu.memory_space<semaphore_mem>>)
          %dma_wait3A = arith.constant 0 : i32
          %dma_wait3A_47 = tpu.memref_slice %arg4[%add3A_31, %dma_wait3A] : memref<2560x128xi32, #tpu.memory_space<hbm>> -> memref<40x128xi32, #tpu.memory_space<hbm>>
          %dma_wait3A_48 = arith.constant 0 : i32
          %dma_wait3A_49 = tpu.memref_slice %arg4[%add3A_31, %dma_wait3A_48] : memref<2560x128xi32, #tpu.memory_space<hbm>> -> memref<40x128xi32, #tpu.memory_space<hbm>>
          tpu.wait_dma2 semaphore(%run_scoped3A : memref<!tpu.dma_semaphore, #tpu.memory_space<semaphore_mem>>) src(%dma_wait3A_49 : memref<40x128xi32, #tpu.memory_space<hbm>>) dst(%arg9 : memref<40x128xi32, #tpu.memory_space<vmem>>)
          tpu.yield
        }) : () -> ()
        %dma_start3A = arith.constant 0 : i32
        %dma_start3A_32 = arith.constant 0 : i32
        %dma_start3A_33 = tpu.memref_slice %arg8[%dma_start3A, %dma_start3A_32] : memref<40x128xi32, #tpu.memory_space<vmem>> -> memref<1x128xi32, #tpu.memory_space<vmem>>
        %dma_start3A_34 = tpu.memref_squeeze %dma_start3A_33 : memref<1x128xi32, #tpu.memory_space<vmem>> -> memref<128xi32, #tpu.memory_space<vmem>>
        %dma_start3A_35 = arith.constant 0 : i32
        %dma_start3A_36 = arith.constant 0 : i32
        %dma_start3A_37 = tpu.memref_slice %arg2[%dma_start3A_35, %dma_start3A_36] : memref<10240x64xf32, #tpu.memory_space<hbm>> -> memref<10240x64xf32, #tpu.memory_space<hbm>>
        tpu.enqueue_indirect_dma source(%dma_start3A_37 : memref<10240x64xf32, #tpu.memory_space<hbm>>) target(%arg10 : memref<128x64xf32, #tpu.memory_space<vmem>>) offsets(%dma_start3A_34 : memref<128xi32, #tpu.memory_space<vmem>>) semaphore(%arg12 : memref<!tpu.dma_semaphore, #tpu.memory_space<semaphore_mem>>)
        %scan3A_38 = arith.constant 0 : i32
        %scan3A_39 = arith.constant 20 : i32
        %scan3A_40 = arith.addi %scan3A_38, %scan3A_39 : i32
        %scan3A_41 = arith.constant 1 : i32
        scf.for %scan3A_43 = %scan3A_38 to %scan3A_40 step %scan3A_41  : i32 {
          %mul3A_44 = arith.constant 2 : i32
          %mul3A_45 = arith.muli %scan3A_43, %mul3A_44 : i32
          %add3A_46 = arith.constant 0 : i32
          %add3A_47 = arith.addi %add3A_46, %mul3A_45 : i32
          %add3A_48 = arith.constant 1 : i32
          %add3A_49 = arith.addi %add3A_47, %add3A_48 : i32
          %dma_start3A_50 = arith.constant 0 : i32
          %dma_start3A_51 = tpu.memref_slice %arg8[%add3A_49, %dma_start3A_50] : memref<40x128xi32, #tpu.memory_space<vmem>> -> memref<1x128xi32, #tpu.memory_space<vmem>>
          %dma_start3A_52 = tpu.memref_squeeze %dma_start3A_51 : memref<1x128xi32, #tpu.memory_space<vmem>> -> memref<128xi32, #tpu.memory_space<vmem>>
          %dma_start3A_53 = arith.constant 0 : i32
          %dma_start3A_54 = arith.constant 0 : i32
          %dma_start3A_55 = tpu.memref_slice %arg2[%dma_start3A_53, %dma_start3A_54] : memref<10240x64xf32, #tpu.memory_space<hbm>> -> memref<10240x64xf32, #tpu.memory_space<hbm>>
          tpu.enqueue_indirect_dma source(%dma_start3A_55 : memref<10240x64xf32, #tpu.memory_space<hbm>>) target(%arg11 : memref<128x64xf32, #tpu.memory_space<vmem>>) offsets(%dma_start3A_52 : memref<128xi32, #tpu.memory_space<vmem>>) semaphore(%arg13 : memref<!tpu.dma_semaphore, #tpu.memory_space<semaphore_mem>>)
          %dma_wait3A = arith.constant 0 : i32
          %dma_wait3A_56 = tpu.memref_slice %arg8[%add3A_47, %dma_wait3A] : memref<40x128xi32, #tpu.memory_space<vmem>> -> memref<1x128xi32, #tpu.memory_space<vmem>>
          %dma_wait3A_57 = tpu.memref_squeeze %dma_wait3A_56 : memref<1x128xi32, #tpu.memory_space<vmem>> -> memref<128xi32, #tpu.memory_space<vmem>>
          %dma_wait3A_58 = arith.constant 0 : i32
          %dma_wait3A_59 = arith.constant 0 : i32
          %dma_wait3A_60 = tpu.memref_slice %arg2[%dma_wait3A_58, %dma_wait3A_59] : memref<10240x64xf32, #tpu.memory_space<hbm>> -> memref<10240x64xf32, #tpu.memory_space<hbm>>
          tpu.wait_indirect_dma semaphore(%arg12 : memref<!tpu.dma_semaphore, #tpu.memory_space<semaphore_mem>>) src(%dma_wait3A_60 : memref<10240x64xf32, #tpu.memory_space<hbm>>) dst(%arg10 : memref<128x64xf32, #tpu.memory_space<vmem>>)
          "tpu.region"() ({
            %run_scoped3A = tpu.sem_alloc : memref<!tpu.dma_semaphore, #tpu.memory_space<semaphore_mem>>
            %dma_start3A_77 = arith.constant 0 : i32
            %dma_start3A_78 = tpu.memref_slice %arg9[%add3A_47, %dma_start3A_77] : memref<40x128xi32, #tpu.memory_space<vmem>> -> memref<1x128xi32, #tpu.memory_space<vmem>>
            %dma_start3A_79 = tpu.memref_squeeze %dma_start3A_78 : memref<1x128xi32, #tpu.memory_space<vmem>> -> memref<128xi32, #tpu.memory_space<vmem>>
            %dma_start3A_80 = arith.constant 0 : i32
            %dma_start3A_81 = arith.constant 0 : i32
            %dma_start3A_82 = tpu.memref_slice %arg7[%dma_start3A_80, %dma_start3A_81] : memref<10240x64xf32, #tpu.memory_space<vmem_shared>> -> memref<10240x64xf32, #tpu.memory_space<vmem_shared>>
            tpu.enqueue_indirect_dma source(%arg10 : memref<128x64xf32, #tpu.memory_space<vmem>>) target(%dma_start3A_82 : memref<10240x64xf32, #tpu.memory_space<vmem_shared>>) offsets(%dma_start3A_79 : memref<128xi32, #tpu.memory_space<vmem>>) semaphore(%run_scoped3A : memref<!tpu.dma_semaphore, #tpu.memory_space<semaphore_mem>>) {add = true}
            %dma_wait3A_83 = arith.constant 0 : i32
            %dma_wait3A_84 = tpu.memref_slice %arg9[%add3A_47, %dma_wait3A_83] : memref<40x128xi32, #tpu.memory_space<vmem>> -> memref<1x128xi32, #tpu.memory_space<vmem>>
            %dma_wait3A_85 = tpu.memref_squeeze %dma_wait3A_84 : memref<1x128xi32, #tpu.memory_space<vmem>> -> memref<128xi32, #tpu.memory_space<vmem>>
            %dma_wait3A_86 = arith.constant 0 : i32
            %dma_wait3A_87 = arith.constant 0 : i32
            %dma_wait3A_88 = tpu.memref_slice %arg7[%dma_wait3A_86, %dma_wait3A_87] : memref<10240x64xf32, #tpu.memory_space<vmem_shared>> -> memref<10240x64xf32, #tpu.memory_space<vmem_shared>>
            tpu.wait_indirect_dma semaphore(%run_scoped3A : memref<!tpu.dma_semaphore, #tpu.memory_space<semaphore_mem>>) src(%arg10 : memref<128x64xf32, #tpu.memory_space<vmem>>) dst(%dma_wait3A_88 : memref<10240x64xf32, #tpu.memory_space<vmem_shared>>)
            tpu.yield
          }) : () -> ()
          %add3A_61 = arith.constant 2 : i32
          %add3A_62 = arith.addi %add3A_47, %add3A_61 : i32
          %lt3A = arith.constant 40 : i32
          %lt3A_63 = arith.cmpi slt, %add3A_62, %lt3A : i32
          %convert_element_type3A_64 = arith.extui %lt3A_63 : i1 to i32
          %cond3A_65 = arith.constant 0 : i32
          %cond3A_66 = arith.cmpi ne, %convert_element_type3A_64, %cond3A_65 : i32
          scf.if %cond3A_66 {
            %add3A_77 = arith.constant 2 : i32
            %add3A_78 = arith.addi %add3A_47, %add3A_77 : i32
            %dma_start3A_79 = arith.constant 0 : i32
            %dma_start3A_80 = tpu.memref_slice %arg8[%add3A_78, %dma_start3A_79] : memref<40x128xi32, #tpu.memory_space<vmem>> -> memref<1x128xi32, #tpu.memory_space<vmem>>
            %dma_start3A_81 = tpu.memref_squeeze %dma_start3A_80 : memref<1x128xi32, #tpu.memory_space<vmem>> -> memref<128xi32, #tpu.memory_space<vmem>>
            %dma_start3A_82 = arith.constant 0 : i32
            %dma_start3A_83 = arith.constant 0 : i32
            %dma_start3A_84 = tpu.memref_slice %arg2[%dma_start3A_82, %dma_start3A_83] : memref<10240x64xf32, #tpu.memory_space<hbm>> -> memref<10240x64xf32, #tpu.memory_space<hbm>>
            tpu.enqueue_indirect_dma source(%dma_start3A_84 : memref<10240x64xf32, #tpu.memory_space<hbm>>) target(%arg10 : memref<128x64xf32, #tpu.memory_space<vmem>>) offsets(%dma_start3A_81 : memref<128xi32, #tpu.memory_space<vmem>>) semaphore(%arg12 : memref<!tpu.dma_semaphore, #tpu.memory_space<semaphore_mem>>)
          } else {
          }
          %add3A_67 = arith.constant 1 : i32
          %add3A_68 = arith.addi %add3A_47, %add3A_67 : i32
          %dma_wait3A_69 = arith.constant 0 : i32
          %dma_wait3A_70 = tpu.memref_slice %arg8[%add3A_68, %dma_wait3A_69] : memref<40x128xi32, #tpu.memory_space<vmem>> -> memref<1x128xi32, #tpu.memory_space<vmem>>
          %dma_wait3A_71 = tpu.memref_squeeze %dma_wait3A_70 : memref<1x128xi32, #tpu.memory_space<vmem>> -> memref<128xi32, #tpu.memory_space<vmem>>
          %dma_wait3A_72 = arith.constant 0 : i32
          %dma_wait3A_73 = arith.constant 0 : i32
          %dma_wait3A_74 = tpu.memref_slice %arg2[%dma_wait3A_72, %dma_wait3A_73] : memref<10240x64xf32, #tpu.memory_space<hbm>> -> memref<10240x64xf32, #tpu.memory_space<hbm>>
          tpu.wait_indirect_dma semaphore(%arg13 : memref<!tpu.dma_semaphore, #tpu.memory_space<semaphore_mem>>) src(%dma_wait3A_74 : memref<10240x64xf32, #tpu.memory_space<hbm>>) dst(%arg11 : memref<128x64xf32, #tpu.memory_space<vmem>>)
          %add3A_75 = arith.constant 1 : i32
          %add3A_76 = arith.addi %add3A_47, %add3A_75 : i32
          "tpu.region"() ({
            %run_scoped3A = tpu.sem_alloc : memref<!tpu.dma_semaphore, #tpu.memory_space<semaphore_mem>>
            %dma_start3A_77 = arith.constant 0 : i32
            %dma_start3A_78 = tpu.memref_slice %arg9[%add3A_76, %dma_start3A_77] : memref<40x128xi32, #tpu.memory_space<vmem>> -> memref<1x128xi32, #tpu.memory_space<vmem>>
            %dma_start3A_79 = tpu.memref_squeeze %dma_start3A_78 : memref<1x128xi32, #tpu.memory_space<vmem>> -> memref<128xi32, #tpu.memory_space<vmem>>
            %dma_start3A_80 = arith.constant 0 : i32
            %dma_start3A_81 = arith.constant 0 : i32
            %dma_start3A_82 = tpu.memref_slice %arg7[%dma_start3A_80, %dma_start3A_81] : memref<10240x64xf32, #tpu.memory_space<vmem_shared>> -> memref<10240x64xf32, #tpu.memory_space<vmem_shared>>
            tpu.enqueue_indirect_dma source(%arg11 : memref<128x64xf32, #tpu.memory_space<vmem>>) target(%dma_start3A_82 : memref<10240x64xf32, #tpu.memory_space<vmem_shared>>) offsets(%dma_start3A_79 : memref<128xi32, #tpu.memory_space<vmem>>) semaphore(%run_scoped3A : memref<!tpu.dma_semaphore, #tpu.memory_space<semaphore_mem>>) {add = true}
            %dma_wait3A_83 = arith.constant 0 : i32
            %dma_wait3A_84 = tpu.memref_slice %arg9[%add3A_76, %dma_wait3A_83] : memref<40x128xi32, #tpu.memory_space<vmem>> -> memref<1x128xi32, #tpu.memory_space<vmem>>
            %dma_wait3A_85 = tpu.memref_squeeze %dma_wait3A_84 : memref<1x128xi32, #tpu.memory_space<vmem>> -> memref<128xi32, #tpu.memory_space<vmem>>
            %dma_wait3A_86 = arith.constant 0 : i32
            %dma_wait3A_87 = arith.constant 0 : i32
            %dma_wait3A_88 = tpu.memref_slice %arg7[%dma_wait3A_86, %dma_wait3A_87] : memref<10240x64xf32, #tpu.memory_space<vmem_shared>> -> memref<10240x64xf32, #tpu.memory_space<vmem_shared>>
            tpu.wait_indirect_dma semaphore(%run_scoped3A : memref<!tpu.dma_semaphore, #tpu.memory_space<semaphore_mem>>) src(%arg11 : memref<128x64xf32, #tpu.memory_space<vmem>>) dst(%dma_wait3A_88 : memref<10240x64xf32, #tpu.memory_space<vmem_shared>>)
            tpu.yield
          }) : () -> ()
        }
        %scan3A_42 = arith.constant 20 : i32
      }
      %scan3A_24 = arith.constant 2 : i32
    } else {
    }
    %eq3A_3 = arith.constant 1 : i32
    %eq3A_4 = arith.cmpi eq, %arg0, %eq3A_3 : i32
    %convert_element_type3A_5 = arith.extui %eq3A_4 : i1 to i32
    %cond3A_6 = arith.constant 0 : i32
    %cond3A_7 = arith.cmpi ne, %convert_element_type3A_5, %cond3A_6 : i32
    scf.if %cond3A_7 {
      %mul3A_19 = arith.constant 80 : i32
      %mul3A_20 = arith.muli %arg1, %mul3A_19 : i32
      %add3A = arith.constant 1280 : i32
      %add3A_21 = arith.addi %add3A, %mul3A_20 : i32
      %scan3A = arith.constant 0 : i32
      %scan3A_22 = arith.constant 2 : i32
      %scan3A_23 = arith.addi %scan3A, %scan3A_22 : i32
      %scan3A_24 = arith.constant 1 : i32
      scf.for %scan3A_26 = %scan3A to %scan3A_23 step %scan3A_24  : i32 {
        %mul3A_27 = arith.constant 1 : i32
        %mul3A_28 = arith.muli %scan3A_26, %mul3A_27 : i32
        %add3A_29 = arith.constant 0 : i32
        %add3A_30 = arith.addi %add3A_29, %mul3A_28 : i32
        %mul3A_31 = arith.constant 40 : i32
        %mul3A_32 = arith.muli %add3A_30, %mul3A_31 : i32
        %add3A_33 = arith.addi %add3A_21, %mul3A_32 : i32
        "tpu.region"() ({
          %run_scoped3A = tpu.sem_alloc : memref<!tpu.dma_semaphore, #tpu.memory_space<semaphore_mem>>
          %dma_start3A_45 = arith.constant 0 : i32
          %dma_start3A_46 = tpu.memref_slice %arg3[%add3A_33, %dma_start3A_45] : memref<2560x128xi32, #tpu.memory_space<hbm>> -> memref<40x128xi32, #tpu.memory_space<hbm>>
          %dma_start3A_47 = arith.constant 0 : i32
          %dma_start3A_48 = tpu.memref_slice %arg3[%add3A_33, %dma_start3A_47] : memref<2560x128xi32, #tpu.memory_space<hbm>> -> memref<40x128xi32, #tpu.memory_space<hbm>>
          tpu.enqueue_dma source(%dma_start3A_48 : memref<40x128xi32, #tpu.memory_space<hbm>>) target(%arg8 : memref<40x128xi32, #tpu.memory_space<vmem>>) target_semaphore(%run_scoped3A : memref<!tpu.dma_semaphore, #tpu.memory_space<semaphore_mem>>)
          %dma_wait3A = arith.constant 0 : i32
          %dma_wait3A_49 = tpu.memref_slice %arg3[%add3A_33, %dma_wait3A] : memref<2560x128xi32, #tpu.memory_space<hbm>> -> memref<40x128xi32, #tpu.memory_space<hbm>>
          %dma_wait3A_50 = arith.constant 0 : i32
          %dma_wait3A_51 = tpu.memref_slice %arg3[%add3A_33, %dma_wait3A_50] : memref<2560x128xi32, #tpu.memory_space<hbm>> -> memref<40x128xi32, #tpu.memory_space<hbm>>
          tpu.wait_dma2 semaphore(%run_scoped3A : memref<!tpu.dma_semaphore, #tpu.memory_space<semaphore_mem>>) src(%dma_wait3A_51 : memref<40x128xi32, #tpu.memory_space<hbm>>) dst(%arg8 : memref<40x128xi32, #tpu.memory_space<vmem>>)
          tpu.yield
        }) : () -> ()
        "tpu.region"() ({
          %run_scoped3A = tpu.sem_alloc : memref<!tpu.dma_semaphore, #tpu.memory_space<semaphore_mem>>
          %dma_start3A_45 = arith.constant 0 : i32
          %dma_start3A_46 = tpu.memref_slice %arg4[%add3A_33, %dma_start3A_45] : memref<2560x128xi32, #tpu.memory_space<hbm>> -> memref<40x128xi32, #tpu.memory_space<hbm>>
          %dma_start3A_47 = arith.constant 0 : i32
          %dma_start3A_48 = tpu.memref_slice %arg4[%add3A_33, %dma_start3A_47] : memref<2560x128xi32, #tpu.memory_space<hbm>> -> memref<40x128xi32, #tpu.memory_space<hbm>>
          tpu.enqueue_dma source(%dma_start3A_48 : memref<40x128xi32, #tpu.memory_space<hbm>>) target(%arg9 : memref<40x128xi32, #tpu.memory_space<vmem>>) target_semaphore(%run_scoped3A : memref<!tpu.dma_semaphore, #tpu.memory_space<semaphore_mem>>)
          %dma_wait3A = arith.constant 0 : i32
          %dma_wait3A_49 = tpu.memref_slice %arg4[%add3A_33, %dma_wait3A] : memref<2560x128xi32, #tpu.memory_space<hbm>> -> memref<40x128xi32, #tpu.memory_space<hbm>>
          %dma_wait3A_50 = arith.constant 0 : i32
          %dma_wait3A_51 = tpu.memref_slice %arg4[%add3A_33, %dma_wait3A_50] : memref<2560x128xi32, #tpu.memory_space<hbm>> -> memref<40x128xi32, #tpu.memory_space<hbm>>
          tpu.wait_dma2 semaphore(%run_scoped3A : memref<!tpu.dma_semaphore, #tpu.memory_space<semaphore_mem>>) src(%dma_wait3A_51 : memref<40x128xi32, #tpu.memory_space<hbm>>) dst(%arg9 : memref<40x128xi32, #tpu.memory_space<vmem>>)
          tpu.yield
        }) : () -> ()
        %dma_start3A = arith.constant 0 : i32
        %dma_start3A_34 = arith.constant 0 : i32
        %dma_start3A_35 = tpu.memref_slice %arg8[%dma_start3A, %dma_start3A_34] : memref<40x128xi32, #tpu.memory_space<vmem>> -> memref<1x128xi32, #tpu.memory_space<vmem>>
        %dma_start3A_36 = tpu.memref_squeeze %dma_start3A_35 : memref<1x128xi32, #tpu.memory_space<vmem>> -> memref<128xi32, #tpu.memory_space<vmem>>
        %dma_start3A_37 = arith.constant 0 : i32
        %dma_start3A_38 = arith.constant 0 : i32
        %dma_start3A_39 = tpu.memref_slice %arg2[%dma_start3A_37, %dma_start3A_38] : memref<10240x64xf32, #tpu.memory_space<hbm>> -> memref<10240x64xf32, #tpu.memory_space<hbm>>
        tpu.enqueue_indirect_dma source(%dma_start3A_39 : memref<10240x64xf32, #tpu.memory_space<hbm>>) target(%arg10 : memref<128x64xf32, #tpu.memory_space<vmem>>) offsets(%dma_start3A_36 : memref<128xi32, #tpu.memory_space<vmem>>) semaphore(%arg12 : memref<!tpu.dma_semaphore, #tpu.memory_space<semaphore_mem>>)
        %scan3A_40 = arith.constant 0 : i32
        %scan3A_41 = arith.constant 20 : i32
        %scan3A_42 = arith.addi %scan3A_40, %scan3A_41 : i32
        %scan3A_43 = arith.constant 1 : i32
        scf.for %scan3A_45 = %scan3A_40 to %scan3A_42 step %scan3A_43  : i32 {
          %mul3A_46 = arith.constant 2 : i32
          %mul3A_47 = arith.muli %scan3A_45, %mul3A_46 : i32
          %add3A_48 = arith.constant 0 : i32
          %add3A_49 = arith.addi %add3A_48, %mul3A_47 : i32
          %add3A_50 = arith.constant 1 : i32
          %add3A_51 = arith.addi %add3A_49, %add3A_50 : i32
          %dma_start3A_52 = arith.constant 0 : i32
          %dma_start3A_53 = tpu.memref_slice %arg8[%add3A_51, %dma_start3A_52] : memref<40x128xi32, #tpu.memory_space<vmem>> -> memref<1x128xi32, #tpu.memory_space<vmem>>
          %dma_start3A_54 = tpu.memref_squeeze %dma_start3A_53 : memref<1x128xi32, #tpu.memory_space<vmem>> -> memref<128xi32, #tpu.memory_space<vmem>>
          %dma_start3A_55 = arith.constant 0 : i32
          %dma_start3A_56 = arith.constant 0 : i32
          %dma_start3A_57 = tpu.memref_slice %arg2[%dma_start3A_55, %dma_start3A_56] : memref<10240x64xf32, #tpu.memory_space<hbm>> -> memref<10240x64xf32, #tpu.memory_space<hbm>>
          tpu.enqueue_indirect_dma source(%dma_start3A_57 : memref<10240x64xf32, #tpu.memory_space<hbm>>) target(%arg11 : memref<128x64xf32, #tpu.memory_space<vmem>>) offsets(%dma_start3A_54 : memref<128xi32, #tpu.memory_space<vmem>>) semaphore(%arg13 : memref<!tpu.dma_semaphore, #tpu.memory_space<semaphore_mem>>)
          %dma_wait3A = arith.constant 0 : i32
          %dma_wait3A_58 = tpu.memref_slice %arg8[%add3A_49, %dma_wait3A] : memref<40x128xi32, #tpu.memory_space<vmem>> -> memref<1x128xi32, #tpu.memory_space<vmem>>
          %dma_wait3A_59 = tpu.memref_squeeze %dma_wait3A_58 : memref<1x128xi32, #tpu.memory_space<vmem>> -> memref<128xi32, #tpu.memory_space<vmem>>
          %dma_wait3A_60 = arith.constant 0 : i32
          %dma_wait3A_61 = arith.constant 0 : i32
          %dma_wait3A_62 = tpu.memref_slice %arg2[%dma_wait3A_60, %dma_wait3A_61] : memref<10240x64xf32, #tpu.memory_space<hbm>> -> memref<10240x64xf32, #tpu.memory_space<hbm>>
          tpu.wait_indirect_dma semaphore(%arg12 : memref<!tpu.dma_semaphore, #tpu.memory_space<semaphore_mem>>) src(%dma_wait3A_62 : memref<10240x64xf32, #tpu.memory_space<hbm>>) dst(%arg10 : memref<128x64xf32, #tpu.memory_space<vmem>>)
          "tpu.region"() ({
            %run_scoped3A = tpu.sem_alloc : memref<!tpu.dma_semaphore, #tpu.memory_space<semaphore_mem>>
            %dma_start3A_79 = arith.constant 0 : i32
            %dma_start3A_80 = tpu.memref_slice %arg9[%add3A_49, %dma_start3A_79] : memref<40x128xi32, #tpu.memory_space<vmem>> -> memref<1x128xi32, #tpu.memory_space<vmem>>
            %dma_start3A_81 = tpu.memref_squeeze %dma_start3A_80 : memref<1x128xi32, #tpu.memory_space<vmem>> -> memref<128xi32, #tpu.memory_space<vmem>>
            %dma_start3A_82 = arith.constant 0 : i32
            %dma_start3A_83 = arith.constant 0 : i32
            %dma_start3A_84 = tpu.memref_slice %arg7[%dma_start3A_82, %dma_start3A_83] : memref<10240x64xf32, #tpu.memory_space<vmem_shared>> -> memref<10240x64xf32, #tpu.memory_space<vmem_shared>>
            tpu.enqueue_indirect_dma source(%arg10 : memref<128x64xf32, #tpu.memory_space<vmem>>) target(%dma_start3A_84 : memref<10240x64xf32, #tpu.memory_space<vmem_shared>>) offsets(%dma_start3A_81 : memref<128xi32, #tpu.memory_space<vmem>>) semaphore(%run_scoped3A : memref<!tpu.dma_semaphore, #tpu.memory_space<semaphore_mem>>) {add = true}
            %dma_wait3A_85 = arith.constant 0 : i32
            %dma_wait3A_86 = tpu.memref_slice %arg9[%add3A_49, %dma_wait3A_85] : memref<40x128xi32, #tpu.memory_space<vmem>> -> memref<1x128xi32, #tpu.memory_space<vmem>>
            %dma_wait3A_87 = tpu.memref_squeeze %dma_wait3A_86 : memref<1x128xi32, #tpu.memory_space<vmem>> -> memref<128xi32, #tpu.memory_space<vmem>>
            %dma_wait3A_88 = arith.constant 0 : i32
            %dma_wait3A_89 = arith.constant 0 : i32
            %dma_wait3A_90 = tpu.memref_slice %arg7[%dma_wait3A_88, %dma_wait3A_89] : memref<10240x64xf32, #tpu.memory_space<vmem_shared>> -> memref<10240x64xf32, #tpu.memory_space<vmem_shared>>
            tpu.wait_indirect_dma semaphore(%run_scoped3A : memref<!tpu.dma_semaphore, #tpu.memory_space<semaphore_mem>>) src(%arg10 : memref<128x64xf32, #tpu.memory_space<vmem>>) dst(%dma_wait3A_90 : memref<10240x64xf32, #tpu.memory_space<vmem_shared>>)
            tpu.yield
          }) : () -> ()
          %add3A_63 = arith.constant 2 : i32
          %add3A_64 = arith.addi %add3A_49, %add3A_63 : i32
          %lt3A = arith.constant 40 : i32
          %lt3A_65 = arith.cmpi slt, %add3A_64, %lt3A : i32
          %convert_element_type3A_66 = arith.extui %lt3A_65 : i1 to i32
          %cond3A_67 = arith.constant 0 : i32
          %cond3A_68 = arith.cmpi ne, %convert_element_type3A_66, %cond3A_67 : i32
          scf.if %cond3A_68 {
            %add3A_79 = arith.constant 2 : i32
            %add3A_80 = arith.addi %add3A_49, %add3A_79 : i32
            %dma_start3A_81 = arith.constant 0 : i32
            %dma_start3A_82 = tpu.memref_slice %arg8[%add3A_80, %dma_start3A_81] : memref<40x128xi32, #tpu.memory_space<vmem>> -> memref<1x128xi32, #tpu.memory_space<vmem>>
            %dma_start3A_83 = tpu.memref_squeeze %dma_start3A_82 : memref<1x128xi32, #tpu.memory_space<vmem>> -> memref<128xi32, #tpu.memory_space<vmem>>
            %dma_start3A_84 = arith.constant 0 : i32
            %dma_start3A_85 = arith.constant 0 : i32
            %dma_start3A_86 = tpu.memref_slice %arg2[%dma_start3A_84, %dma_start3A_85] : memref<10240x64xf32, #tpu.memory_space<hbm>> -> memref<10240x64xf32, #tpu.memory_space<hbm>>
            tpu.enqueue_indirect_dma source(%dma_start3A_86 : memref<10240x64xf32, #tpu.memory_space<hbm>>) target(%arg10 : memref<128x64xf32, #tpu.memory_space<vmem>>) offsets(%dma_start3A_83 : memref<128xi32, #tpu.memory_space<vmem>>) semaphore(%arg12 : memref<!tpu.dma_semaphore, #tpu.memory_space<semaphore_mem>>)
          } else {
          }
          %add3A_69 = arith.constant 1 : i32
          %add3A_70 = arith.addi %add3A_49, %add3A_69 : i32
          %dma_wait3A_71 = arith.constant 0 : i32
          %dma_wait3A_72 = tpu.memref_slice %arg8[%add3A_70, %dma_wait3A_71] : memref<40x128xi32, #tpu.memory_space<vmem>> -> memref<1x128xi32, #tpu.memory_space<vmem>>
          %dma_wait3A_73 = tpu.memref_squeeze %dma_wait3A_72 : memref<1x128xi32, #tpu.memory_space<vmem>> -> memref<128xi32, #tpu.memory_space<vmem>>
          %dma_wait3A_74 = arith.constant 0 : i32
          %dma_wait3A_75 = arith.constant 0 : i32
          %dma_wait3A_76 = tpu.memref_slice %arg2[%dma_wait3A_74, %dma_wait3A_75] : memref<10240x64xf32, #tpu.memory_space<hbm>> -> memref<10240x64xf32, #tpu.memory_space<hbm>>
          tpu.wait_indirect_dma semaphore(%arg13 : memref<!tpu.dma_semaphore, #tpu.memory_space<semaphore_mem>>) src(%dma_wait3A_76 : memref<10240x64xf32, #tpu.memory_space<hbm>>) dst(%arg11 : memref<128x64xf32, #tpu.memory_space<vmem>>)
          %add3A_77 = arith.constant 1 : i32
          %add3A_78 = arith.addi %add3A_49, %add3A_77 : i32
          "tpu.region"() ({
            %run_scoped3A = tpu.sem_alloc : memref<!tpu.dma_semaphore, #tpu.memory_space<semaphore_mem>>
            %dma_start3A_79 = arith.constant 0 : i32
            %dma_start3A_80 = tpu.memref_slice %arg9[%add3A_78, %dma_start3A_79] : memref<40x128xi32, #tpu.memory_space<vmem>> -> memref<1x128xi32, #tpu.memory_space<vmem>>
            %dma_start3A_81 = tpu.memref_squeeze %dma_start3A_80 : memref<1x128xi32, #tpu.memory_space<vmem>> -> memref<128xi32, #tpu.memory_space<vmem>>
            %dma_start3A_82 = arith.constant 0 : i32
            %dma_start3A_83 = arith.constant 0 : i32
            %dma_start3A_84 = tpu.memref_slice %arg7[%dma_start3A_82, %dma_start3A_83] : memref<10240x64xf32, #tpu.memory_space<vmem_shared>> -> memref<10240x64xf32, #tpu.memory_space<vmem_shared>>
            tpu.enqueue_indirect_dma source(%arg11 : memref<128x64xf32, #tpu.memory_space<vmem>>) target(%dma_start3A_84 : memref<10240x64xf32, #tpu.memory_space<vmem_shared>>) offsets(%dma_start3A_81 : memref<128xi32, #tpu.memory_space<vmem>>) semaphore(%run_scoped3A : memref<!tpu.dma_semaphore, #tpu.memory_space<semaphore_mem>>) {add = true}
            %dma_wait3A_85 = arith.constant 0 : i32
            %dma_wait3A_86 = tpu.memref_slice %arg9[%add3A_78, %dma_wait3A_85] : memref<40x128xi32, #tpu.memory_space<vmem>> -> memref<1x128xi32, #tpu.memory_space<vmem>>
            %dma_wait3A_87 = tpu.memref_squeeze %dma_wait3A_86 : memref<1x128xi32, #tpu.memory_space<vmem>> -> memref<128xi32, #tpu.memory_space<vmem>>
            %dma_wait3A_88 = arith.constant 0 : i32
            %dma_wait3A_89 = arith.constant 0 : i32
            %dma_wait3A_90 = tpu.memref_slice %arg7[%dma_wait3A_88, %dma_wait3A_89] : memref<10240x64xf32, #tpu.memory_space<vmem_shared>> -> memref<10240x64xf32, #tpu.memory_space<vmem_shared>>
            tpu.wait_indirect_dma semaphore(%run_scoped3A : memref<!tpu.dma_semaphore, #tpu.memory_space<semaphore_mem>>) src(%arg11 : memref<128x64xf32, #tpu.memory_space<vmem>>) dst(%dma_wait3A_90 : memref<10240x64xf32, #tpu.memory_space<vmem_shared>>)
            tpu.yield
          }) : () -> ()
        }
        %scan3A_44 = arith.constant 20 : i32
      }
      %scan3A_25 = arith.constant 2 : i32
    } else {
    }
    %barrier3A_8 = arith.constant 0 : index
    tpu.barrier barrier_id(%barrier3A_8)
    %eq3A_9 = arith.constant 0 : i32
    %eq3A_10 = arith.cmpi eq, %arg0, %eq3A_9 : i32
    %convert_element_type3A_11 = arith.extui %eq3A_10 : i1 to i32
    %cond3A_12 = arith.constant 0 : i32
    %cond3A_13 = arith.cmpi ne, %convert_element_type3A_11, %cond3A_12 : i32
    scf.if %cond3A_13 {
      "tpu.region"() ({
        %run_scoped3A = tpu.sem_alloc : memref<!tpu.dma_semaphore, #tpu.memory_space<semaphore_mem>>
        %dma_start3A = arith.constant 0 : i32
        %dma_start3A_19 = tpu.memref_slice %arg6[%mul3A_0, %dma_start3A] : memref<10240x128xf32, #tpu.memory_space<hbm>> -> memref<640x64xf32, #tpu.memory_space<hbm>>
        %dma_start3A_20 = arith.constant 0 : i32
        %dma_start3A_21 = tpu.memref_slice %arg7[%mul3A_0, %dma_start3A_20] : memref<10240x64xf32, #tpu.memory_space<vmem_shared>> -> memref<640x64xf32, #tpu.memory_space<vmem_shared>>
        tpu.enqueue_dma source(%dma_start3A_21 : memref<640x64xf32, #tpu.memory_space<vmem_shared>>) target(%dma_start3A_19 : memref<640x64xf32, #tpu.memory_space<hbm>>) target_semaphore(%run_scoped3A : memref<!tpu.dma_semaphore, #tpu.memory_space<semaphore_mem>>)
        %dma_wait3A = arith.constant 0 : i32
        %dma_wait3A_22 = tpu.memref_slice %arg6[%mul3A_0, %dma_wait3A] : memref<10240x128xf32, #tpu.memory_space<hbm>> -> memref<640x64xf32, #tpu.memory_space<hbm>>
        %dma_wait3A_23 = arith.constant 0 : i32
        %dma_wait3A_24 = tpu.memref_slice %arg7[%mul3A_0, %dma_wait3A_23] : memref<10240x64xf32, #tpu.memory_space<vmem_shared>> -> memref<640x64xf32, #tpu.memory_space<vmem_shared>>
        tpu.wait_dma2 semaphore(%run_scoped3A : memref<!tpu.dma_semaphore, #tpu.memory_space<semaphore_mem>>) src(%dma_wait3A_24 : memref<640x64xf32, #tpu.memory_space<vmem_shared>>) dst(%dma_wait3A_22 : memref<640x64xf32, #tpu.memory_space<hbm>>)
        tpu.yield
      }) : () -> ()
    } else {
    }
    %eq3A_14 = arith.constant 1 : i32
    %eq3A_15 = arith.cmpi eq, %arg0, %eq3A_14 : i32
    %convert_element_type3A_16 = arith.extui %eq3A_15 : i1 to i32
    %cond3A_17 = arith.constant 0 : i32
    %cond3A_18 = arith.cmpi ne, %convert_element_type3A_16, %cond3A_17 : i32
    scf.if %cond3A_18 {
      "tpu.region"() ({
        %run_scoped3A = tpu.sem_alloc : memref<!tpu.dma_semaphore, #tpu.memory_space<semaphore_mem>>
        %dma_start3A = arith.constant 64 : i32
        %dma_start3A_19 = tpu.memref_slice %arg6[%mul3A_0, %dma_start3A] : memref<10240x128xf32, #tpu.memory_space<hbm>> -> memref<640x64xf32, #tpu.memory_space<hbm>>
        %dma_start3A_20 = arith.constant 0 : i32
        %dma_start3A_21 = tpu.memref_slice %arg7[%mul3A_0, %dma_start3A_20] : memref<10240x64xf32, #tpu.memory_space<vmem_shared>> -> memref<640x64xf32, #tpu.memory_space<vmem_shared>>
        tpu.enqueue_dma source(%dma_start3A_21 : memref<640x64xf32, #tpu.memory_space<vmem_shared>>) target(%dma_start3A_19 : memref<640x64xf32, #tpu.memory_space<hbm>>) target_semaphore(%run_scoped3A : memref<!tpu.dma_semaphore, #tpu.memory_space<semaphore_mem>>)
        %dma_wait3A = arith.constant 64 : i32
        %dma_wait3A_22 = tpu.memref_slice %arg6[%mul3A_0, %dma_wait3A] : memref<10240x128xf32, #tpu.memory_space<hbm>> -> memref<640x64xf32, #tpu.memory_space<hbm>>
        %dma_wait3A_23 = arith.constant 0 : i32
        %dma_wait3A_24 = tpu.memref_slice %arg7[%mul3A_0, %dma_wait3A_23] : memref<10240x64xf32, #tpu.memory_space<vmem_shared>> -> memref<640x64xf32, #tpu.memory_space<vmem_shared>>
        tpu.wait_dma2 semaphore(%run_scoped3A : memref<!tpu.dma_semaphore, #tpu.memory_space<semaphore_mem>>) src(%dma_wait3A_24 : memref<640x64xf32, #tpu.memory_space<vmem_shared>>) dst(%dma_wait3A_22 : memref<640x64xf32, #tpu.memory_space<hbm>>)
        tpu.yield
      }) : () -> ()
    } else {
    }
    return
  }
}

#map = affine_map<(d0, d1) -> (0, 0)>
module attributes {stable_mosaic.version = 14 : i64} {
  func.func @_sc_deg(%arg0: i32, %arg1: i32, %arg2: memref<2500x128xi32, #tpu.memory_space<hbm>>, %arg3: memref<128x16xf32, #tpu.memory_space<hbm>>, %arg4: memref<10240x16xf32, #tpu.memory_space<hbm>>, %arg5: memref<10240x128xf32, #tpu.memory_space<hbm>>, %arg6: memref<10240x16xf32, #tpu.memory_space<vmem_shared>>, %arg7: memref<82x128xi32, #tpu.memory_space<vmem>>, %arg8: memref<128x16xf32, #tpu.memory_space<vmem>>) attributes {dimension_semantics = [#tpu.dimension_semantics<core_parallel>, #tpu.dimension_semantics<subcore_parallel>], iteration_bounds = array<i64: 2, 16>, scalar_prefetch = 0 : i64, scratch_operands = 3 : i64, tpu.core_type = #tpu.core_type<sc_vector_subcore>, window_params = [{transform_indices = #map}, {transform_indices = #map}, {transform_indices = #map}, {transform_indices = #map}]} {
    %mul3A = arith.constant 640 : i32
    %mul3A_0 = arith.muli %arg1, %mul3A : i32
    "tpu.region"() ({
      %run_scoped3A = tpu.sem_alloc : memref<!tpu.dma_semaphore, #tpu.memory_space<semaphore_mem>>
      %dma_start3A = arith.constant 0 : i32
      %dma_start3A_20 = tpu.memref_slice %arg6[%mul3A_0, %dma_start3A] : memref<10240x16xf32, #tpu.memory_space<vmem_shared>> -> memref<640x16xf32, #tpu.memory_space<vmem_shared>>
      %dma_start3A_21 = arith.constant 0 : i32
      %dma_start3A_22 = tpu.memref_slice %arg4[%mul3A_0, %dma_start3A_21] : memref<10240x16xf32, #tpu.memory_space<hbm>> -> memref<640x16xf32, #tpu.memory_space<hbm>>
      tpu.enqueue_dma source(%dma_start3A_22 : memref<640x16xf32, #tpu.memory_space<hbm>>) target(%dma_start3A_20 : memref<640x16xf32, #tpu.memory_space<vmem_shared>>) target_semaphore(%run_scoped3A : memref<!tpu.dma_semaphore, #tpu.memory_space<semaphore_mem>>)
      %dma_wait3A = arith.constant 0 : i32
      %dma_wait3A_23 = tpu.memref_slice %arg6[%mul3A_0, %dma_wait3A] : memref<10240x16xf32, #tpu.memory_space<vmem_shared>> -> memref<640x16xf32, #tpu.memory_space<vmem_shared>>
      %dma_wait3A_24 = arith.constant 0 : i32
      %dma_wait3A_25 = tpu.memref_slice %arg4[%mul3A_0, %dma_wait3A_24] : memref<10240x16xf32, #tpu.memory_space<hbm>> -> memref<640x16xf32, #tpu.memory_space<hbm>>
      tpu.wait_dma2 semaphore(%run_scoped3A : memref<!tpu.dma_semaphore, #tpu.memory_space<semaphore_mem>>) src(%dma_wait3A_25 : memref<640x16xf32, #tpu.memory_space<hbm>>) dst(%dma_wait3A_23 : memref<640x16xf32, #tpu.memory_space<vmem_shared>>)
      tpu.yield
    }) : () -> ()
    "tpu.region"() ({
      %run_scoped3A = tpu.sem_alloc : memref<!tpu.dma_semaphore, #tpu.memory_space<semaphore_mem>>
      tpu.enqueue_dma source(%arg3 : memref<128x16xf32, #tpu.memory_space<hbm>>) target(%arg8 : memref<128x16xf32, #tpu.memory_space<vmem>>) target_semaphore(%run_scoped3A : memref<!tpu.dma_semaphore, #tpu.memory_space<semaphore_mem>>)
      tpu.wait_dma2 semaphore(%run_scoped3A : memref<!tpu.dma_semaphore, #tpu.memory_space<semaphore_mem>>) src(%arg3 : memref<128x16xf32, #tpu.memory_space<hbm>>) dst(%arg8 : memref<128x16xf32, #tpu.memory_space<vmem>>)
      tpu.yield
    }) : () -> ()
    %mul3A_1 = arith.constant 16 : i32
    %mul3A_2 = arith.muli %arg0, %mul3A_1 : i32
    %add3A = arith.addi %mul3A_2, %arg1 : i32
    %barrier3A = arith.constant 0 : index
    tpu.barrier barrier_id(%barrier3A)
    %lt3A = arith.constant 31 : i32
    %lt3A_3 = arith.cmpi slt, %add3A, %lt3A : i32
    %convert_element_type3A = arith.extui %lt3A_3 : i1 to i32
    %cond3A = arith.constant 0 : i32
    %cond3A_4 = arith.cmpi ne, %convert_element_type3A, %cond3A : i32
    scf.if %cond3A_4 {
      %mul3A_20 = arith.constant 78 : i32
      %mul3A_21 = arith.muli %add3A, %mul3A_20 : i32
      "tpu.region"() ({
        %run_scoped3A = tpu.sem_alloc : memref<!tpu.dma_semaphore, #tpu.memory_space<semaphore_mem>>
        %dma_start3A = arith.constant 0 : i32
        %dma_start3A_26 = arith.constant 0 : i32
        %dma_start3A_27 = tpu.memref_slice %arg7[%dma_start3A, %dma_start3A_26] : memref<82x128xi32, #tpu.memory_space<vmem>> -> memref<78x128xi32, #tpu.memory_space<vmem>>
        %dma_start3A_28 = arith.constant 0 : i32
        %dma_start3A_29 = tpu.memref_slice %arg2[%mul3A_21, %dma_start3A_28] : memref<2500x128xi32, #tpu.memory_space<hbm>> -> memref<78x128xi32, #tpu.memory_space<hbm>>
        %dma_start3A_30 = arith.constant 0 : i32
        %dma_start3A_31 = arith.constant 0 : i32
        %dma_start3A_32 = tpu.memref_slice %arg7[%dma_start3A_30, %dma_start3A_31] : memref<82x128xi32, #tpu.memory_space<vmem>> -> memref<78x128xi32, #tpu.memory_space<vmem>>
        %dma_start3A_33 = arith.constant 0 : i32
        %dma_start3A_34 = tpu.memref_slice %arg2[%mul3A_21, %dma_start3A_33] : memref<2500x128xi32, #tpu.memory_space<hbm>> -> memref<78x128xi32, #tpu.memory_space<hbm>>
        tpu.enqueue_dma source(%dma_start3A_34 : memref<78x128xi32, #tpu.memory_space<hbm>>) target(%dma_start3A_32 : memref<78x128xi32, #tpu.memory_space<vmem>>) target_semaphore(%run_scoped3A : memref<!tpu.dma_semaphore, #tpu.memory_space<semaphore_mem>>)
        %dma_wait3A = arith.constant 0 : i32
        %dma_wait3A_35 = arith.constant 0 : i32
        %dma_wait3A_36 = tpu.memref_slice %arg7[%dma_wait3A, %dma_wait3A_35] : memref<82x128xi32, #tpu.memory_space<vmem>> -> memref<78x128xi32, #tpu.memory_space<vmem>>
        %dma_wait3A_37 = arith.constant 0 : i32
        %dma_wait3A_38 = tpu.memref_slice %arg2[%mul3A_21, %dma_wait3A_37] : memref<2500x128xi32, #tpu.memory_space<hbm>> -> memref<78x128xi32, #tpu.memory_space<hbm>>
        %dma_wait3A_39 = arith.constant 0 : i32
        %dma_wait3A_40 = arith.constant 0 : i32
        %dma_wait3A_41 = tpu.memref_slice %arg7[%dma_wait3A_39, %dma_wait3A_40] : memref<82x128xi32, #tpu.memory_space<vmem>> -> memref<78x128xi32, #tpu.memory_space<vmem>>
        %dma_wait3A_42 = arith.constant 0 : i32
        %dma_wait3A_43 = tpu.memref_slice %arg2[%mul3A_21, %dma_wait3A_42] : memref<2500x128xi32, #tpu.memory_space<hbm>> -> memref<78x128xi32, #tpu.memory_space<hbm>>
        tpu.wait_dma2 semaphore(%run_scoped3A : memref<!tpu.dma_semaphore, #tpu.memory_space<semaphore_mem>>) src(%dma_wait3A_43 : memref<78x128xi32, #tpu.memory_space<hbm>>) dst(%dma_wait3A_41 : memref<78x128xi32, #tpu.memory_space<vmem>>)
        tpu.yield
      }) : () -> ()
      %scan3A = arith.constant 0 : i32
      %scan3A_22 = arith.constant 78 : i32
      %scan3A_23 = arith.addi %scan3A, %scan3A_22 : i32
      %scan3A_24 = arith.constant 1 : i32
      scf.for %scan3A_26 = %scan3A to %scan3A_23 step %scan3A_24  : i32 {
        %mul3A_27 = arith.constant 1 : i32
        %mul3A_28 = arith.muli %scan3A_26, %mul3A_27 : i32
        %add3A_29 = arith.constant 0 : i32
        %add3A_30 = arith.addi %add3A_29, %mul3A_28 : i32
        "tpu.region"() ({
          %run_scoped3A = tpu.sem_alloc : memref<!tpu.dma_semaphore, #tpu.memory_space<semaphore_mem>>
          %dma_start3A = arith.constant 0 : i32
          %dma_start3A_31 = tpu.memref_slice %arg7[%add3A_30, %dma_start3A] : memref<82x128xi32, #tpu.memory_space<vmem>> -> memref<1x128xi32, #tpu.memory_space<vmem>>
          %dma_start3A_32 = tpu.memref_squeeze %dma_start3A_31 : memref<1x128xi32, #tpu.memory_space<vmem>> -> memref<128xi32, #tpu.memory_space<vmem>>
          %dma_start3A_33 = arith.constant 0 : i32
          %dma_start3A_34 = arith.constant 0 : i32
          %dma_start3A_35 = tpu.memref_slice %arg6[%dma_start3A_33, %dma_start3A_34] : memref<10240x16xf32, #tpu.memory_space<vmem_shared>> -> memref<10240x16xf32, #tpu.memory_space<vmem_shared>>
          tpu.enqueue_indirect_dma source(%arg8 : memref<128x16xf32, #tpu.memory_space<vmem>>) target(%dma_start3A_35 : memref<10240x16xf32, #tpu.memory_space<vmem_shared>>) offsets(%dma_start3A_32 : memref<128xi32, #tpu.memory_space<vmem>>) semaphore(%run_scoped3A : memref<!tpu.dma_semaphore, #tpu.memory_space<semaphore_mem>>) {add = true}
          %dma_wait3A = arith.constant 0 : i32
          %dma_wait3A_36 = tpu.memref_slice %arg7[%add3A_30, %dma_wait3A] : memref<82x128xi32, #tpu.memory_space<vmem>> -> memref<1x128xi32, #tpu.memory_space<vmem>>
          %dma_wait3A_37 = tpu.memref_squeeze %dma_wait3A_36 : memref<1x128xi32, #tpu.memory_space<vmem>> -> memref<128xi32, #tpu.memory_space<vmem>>
          %dma_wait3A_38 = arith.constant 0 : i32
          %dma_wait3A_39 = arith.constant 0 : i32
          %dma_wait3A_40 = tpu.memref_slice %arg6[%dma_wait3A_38, %dma_wait3A_39] : memref<10240x16xf32, #tpu.memory_space<vmem_shared>> -> memref<10240x16xf32, #tpu.memory_space<vmem_shared>>
          tpu.wait_indirect_dma semaphore(%run_scoped3A : memref<!tpu.dma_semaphore, #tpu.memory_space<semaphore_mem>>) src(%arg8 : memref<128x16xf32, #tpu.memory_space<vmem>>) dst(%dma_wait3A_40 : memref<10240x16xf32, #tpu.memory_space<vmem_shared>>)
          tpu.yield
        }) : () -> ()
      }
      %scan3A_25 = arith.constant 78 : i32
    } else {
    }
    %eq3A = arith.constant 31 : i32
    %eq3A_5 = arith.cmpi eq, %add3A, %eq3A : i32
    %convert_element_type3A_6 = arith.extui %eq3A_5 : i1 to i32
    %cond3A_7 = arith.constant 0 : i32
    %cond3A_8 = arith.cmpi ne, %convert_element_type3A_6, %cond3A_7 : i32
    scf.if %cond3A_8 {
      "tpu.region"() ({
        %run_scoped3A = tpu.sem_alloc : memref<!tpu.dma_semaphore, #tpu.memory_space<semaphore_mem>>
        %dma_start3A = arith.constant 2418 : i32
        %dma_start3A_24 = arith.constant 0 : i32
        %dma_start3A_25 = tpu.memref_slice %arg2[%dma_start3A, %dma_start3A_24] : memref<2500x128xi32, #tpu.memory_space<hbm>> -> memref<82x128xi32, #tpu.memory_space<hbm>>
        %dma_start3A_26 = arith.constant 2418 : i32
        %dma_start3A_27 = arith.constant 0 : i32
        %dma_start3A_28 = tpu.memref_slice %arg2[%dma_start3A_26, %dma_start3A_27] : memref<2500x128xi32, #tpu.memory_space<hbm>> -> memref<82x128xi32, #tpu.memory_space<hbm>>
        tpu.enqueue_dma source(%dma_start3A_28 : memref<82x128xi32, #tpu.memory_space<hbm>>) target(%arg7 : memref<82x128xi32, #tpu.memory_space<vmem>>) target_semaphore(%run_scoped3A : memref<!tpu.dma_semaphore, #tpu.memory_space<semaphore_mem>>)
        %dma_wait3A = arith.constant 2418 : i32
        %dma_wait3A_29 = arith.constant 0 : i32
        %dma_wait3A_30 = tpu.memref_slice %arg2[%dma_wait3A, %dma_wait3A_29] : memref<2500x128xi32, #tpu.memory_space<hbm>> -> memref<82x128xi32, #tpu.memory_space<hbm>>
        %dma_wait3A_31 = arith.constant 2418 : i32
        %dma_wait3A_32 = arith.constant 0 : i32
        %dma_wait3A_33 = tpu.memref_slice %arg2[%dma_wait3A_31, %dma_wait3A_32] : memref<2500x128xi32, #tpu.memory_space<hbm>> -> memref<82x128xi32, #tpu.memory_space<hbm>>
        tpu.wait_dma2 semaphore(%run_scoped3A : memref<!tpu.dma_semaphore, #tpu.memory_space<semaphore_mem>>) src(%dma_wait3A_33 : memref<82x128xi32, #tpu.memory_space<hbm>>) dst(%arg7 : memref<82x128xi32, #tpu.memory_space<vmem>>)
        tpu.yield
      }) : () -> ()
      %scan3A = arith.constant 0 : i32
      %scan3A_20 = arith.constant 82 : i32
      %scan3A_21 = arith.addi %scan3A, %scan3A_20 : i32
      %scan3A_22 = arith.constant 1 : i32
      scf.for %scan3A_24 = %scan3A to %scan3A_21 step %scan3A_22  : i32 {
        %mul3A_25 = arith.constant 1 : i32
        %mul3A_26 = arith.muli %scan3A_24, %mul3A_25 : i32
        %add3A_27 = arith.constant 0 : i32
        %add3A_28 = arith.addi %add3A_27, %mul3A_26 : i32
        "tpu.region"() ({
          %run_scoped3A = tpu.sem_alloc : memref<!tpu.dma_semaphore, #tpu.memory_space<semaphore_mem>>
          %dma_start3A = arith.constant 0 : i32
          %dma_start3A_29 = tpu.memref_slice %arg7[%add3A_28, %dma_start3A] : memref<82x128xi32, #tpu.memory_space<vmem>> -> memref<1x128xi32, #tpu.memory_space<vmem>>
          %dma_start3A_30 = tpu.memref_squeeze %dma_start3A_29 : memref<1x128xi32, #tpu.memory_space<vmem>> -> memref<128xi32, #tpu.memory_space<vmem>>
          %dma_start3A_31 = arith.constant 0 : i32
          %dma_start3A_32 = arith.constant 0 : i32
          %dma_start3A_33 = tpu.memref_slice %arg6[%dma_start3A_31, %dma_start3A_32] : memref<10240x16xf32, #tpu.memory_space<vmem_shared>> -> memref<10240x16xf32, #tpu.memory_space<vmem_shared>>
          tpu.enqueue_indirect_dma source(%arg8 : memref<128x16xf32, #tpu.memory_space<vmem>>) target(%dma_start3A_33 : memref<10240x16xf32, #tpu.memory_space<vmem_shared>>) offsets(%dma_start3A_30 : memref<128xi32, #tpu.memory_space<vmem>>) semaphore(%run_scoped3A : memref<!tpu.dma_semaphore, #tpu.memory_space<semaphore_mem>>) {add = true}
          %dma_wait3A = arith.constant 0 : i32
          %dma_wait3A_34 = tpu.memref_slice %arg7[%add3A_28, %dma_wait3A] : memref<82x128xi32, #tpu.memory_space<vmem>> -> memref<1x128xi32, #tpu.memory_space<vmem>>
          %dma_wait3A_35 = tpu.memref_squeeze %dma_wait3A_34 : memref<1x128xi32, #tpu.memory_space<vmem>> -> memref<128xi32, #tpu.memory_space<vmem>>
          %dma_wait3A_36 = arith.constant 0 : i32
          %dma_wait3A_37 = arith.constant 0 : i32
          %dma_wait3A_38 = tpu.memref_slice %arg6[%dma_wait3A_36, %dma_wait3A_37] : memref<10240x16xf32, #tpu.memory_space<vmem_shared>> -> memref<10240x16xf32, #tpu.memory_space<vmem_shared>>
          tpu.wait_indirect_dma semaphore(%run_scoped3A : memref<!tpu.dma_semaphore, #tpu.memory_space<semaphore_mem>>) src(%arg8 : memref<128x16xf32, #tpu.memory_space<vmem>>) dst(%dma_wait3A_38 : memref<10240x16xf32, #tpu.memory_space<vmem_shared>>)
          tpu.yield
        }) : () -> ()
      }
      %scan3A_23 = arith.constant 82 : i32
    } else {
    }
    %barrier3A_9 = arith.constant 0 : index
    tpu.barrier barrier_id(%barrier3A_9)
    %eq3A_10 = arith.constant 0 : i32
    %eq3A_11 = arith.cmpi eq, %arg0, %eq3A_10 : i32
    %convert_element_type3A_12 = arith.extui %eq3A_11 : i1 to i32
    %cond3A_13 = arith.constant 0 : i32
    %cond3A_14 = arith.cmpi ne, %convert_element_type3A_12, %cond3A_13 : i32
    scf.if %cond3A_14 {
      "tpu.region"() ({
        %run_scoped3A = tpu.sem_alloc : memref<!tpu.dma_semaphore, #tpu.memory_space<semaphore_mem>>
        %dma_start3A = arith.constant 0 : i32
        %dma_start3A_20 = tpu.memref_slice %arg5[%mul3A_0, %dma_start3A] : memref<10240x128xf32, #tpu.memory_space<hbm>> -> memref<640x16xf32, #tpu.memory_space<hbm>>
        %dma_start3A_21 = arith.constant 0 : i32
        %dma_start3A_22 = tpu.memref_slice %arg6[%mul3A_0, %dma_start3A_21] : memref<10240x16xf32, #tpu.memory_space<vmem_shared>> -> memref<640x16xf32, #tpu.memory_space<vmem_shared>>
        tpu.enqueue_dma source(%dma_start3A_22 : memref<640x16xf32, #tpu.memory_space<vmem_shared>>) target(%dma_start3A_20 : memref<640x16xf32, #tpu.memory_space<hbm>>) target_semaphore(%run_scoped3A : memref<!tpu.dma_semaphore, #tpu.memory_space<semaphore_mem>>)
        %dma_wait3A = arith.constant 0 : i32
        %dma_wait3A_23 = tpu.memref_slice %arg5[%mul3A_0, %dma_wait3A] : memref<10240x128xf32, #tpu.memory_space<hbm>> -> memref<640x16xf32, #tpu.memory_space<hbm>>
        %dma_wait3A_24 = arith.constant 0 : i32
        %dma_wait3A_25 = tpu.memref_slice %arg6[%mul3A_0, %dma_wait3A_24] : memref<10240x16xf32, #tpu.memory_space<vmem_shared>> -> memref<640x16xf32, #tpu.memory_space<vmem_shared>>
        tpu.wait_dma2 semaphore(%run_scoped3A : memref<!tpu.dma_semaphore, #tpu.memory_space<semaphore_mem>>) src(%dma_wait3A_25 : memref<640x16xf32, #tpu.memory_space<vmem_shared>>) dst(%dma_wait3A_23 : memref<640x16xf32, #tpu.memory_space<hbm>>)
        tpu.yield
      }) : () -> ()
    } else {
    }
    %eq3A_15 = arith.constant 1 : i32
    %eq3A_16 = arith.cmpi eq, %arg0, %eq3A_15 : i32
    %convert_element_type3A_17 = arith.extui %eq3A_16 : i1 to i32
    %cond3A_18 = arith.constant 0 : i32
    %cond3A_19 = arith.cmpi ne, %convert_element_type3A_17, %cond3A_18 : i32
    scf.if %cond3A_19 {
      "tpu.region"() ({
        %run_scoped3A = tpu.sem_alloc : memref<!tpu.dma_semaphore, #tpu.memory_space<semaphore_mem>>
        %dma_start3A = arith.constant 16 : i32
        %dma_start3A_20 = tpu.memref_slice %arg5[%mul3A_0, %dma_start3A] : memref<10240x128xf32, #tpu.memory_space<hbm>> -> memref<640x16xf32, #tpu.memory_space<hbm>>
        %dma_start3A_21 = arith.constant 0 : i32
        %dma_start3A_22 = tpu.memref_slice %arg6[%mul3A_0, %dma_start3A_21] : memref<10240x16xf32, #tpu.memory_space<vmem_shared>> -> memref<640x16xf32, #tpu.memory_space<vmem_shared>>
        tpu.enqueue_dma source(%dma_start3A_22 : memref<640x16xf32, #tpu.memory_space<vmem_shared>>) target(%dma_start3A_20 : memref<640x16xf32, #tpu.memory_space<hbm>>) target_semaphore(%run_scoped3A : memref<!tpu.dma_semaphore, #tpu.memory_space<semaphore_mem>>)
        %dma_wait3A = arith.constant 16 : i32
        %dma_wait3A_23 = tpu.memref_slice %arg5[%mul3A_0, %dma_wait3A] : memref<10240x128xf32, #tpu.memory_space<hbm>> -> memref<640x16xf32, #tpu.memory_space<hbm>>
        %dma_wait3A_24 = arith.constant 0 : i32
        %dma_wait3A_25 = tpu.memref_slice %arg6[%mul3A_0, %dma_wait3A_24] : memref<10240x16xf32, #tpu.memory_space<vmem_shared>> -> memref<640x16xf32, #tpu.memory_space<vmem_shared>>
        tpu.wait_dma2 semaphore(%run_scoped3A : memref<!tpu.dma_semaphore, #tpu.memory_space<semaphore_mem>>) src(%dma_wait3A_25 : memref<640x16xf32, #tpu.memory_space<vmem_shared>>) dst(%dma_wait3A_23 : memref<640x16xf32, #tpu.memory_space<hbm>>)
        tpu.yield
      }) : () -> ()
    } else {
    }
    return
  }
}

#map = affine_map<(d0, d1) -> (0, 0)>
module attributes {stable_mosaic.version = 14 : i64} {
  func.func @k(%arg0: i32, %arg1: i32, %arg2: memref<10240x64xf32, #tpu.memory_space<hbm>>, %arg3: memref<2560x128xi32, #tpu.memory_space<hbm>>, %arg4: memref<2560x128xi32, #tpu.memory_space<hbm>>, %arg5: memref<10240x64xf32, #tpu.memory_space<hbm>>, %arg6: memref<10240x128xf32, #tpu.memory_space<hbm>>, %arg7: memref<10240x64xf32, #tpu.memory_space<vmem_shared>>, %arg8: memref<40x128xi32, #tpu.memory_space<vmem>>, %arg9: memref<40x128xi32, #tpu.memory_space<vmem>>, %arg10: memref<128x64xf32, #tpu.memory_space<vmem>>, %arg11: memref<128x64xf32, #tpu.memory_space<vmem>>, %arg12: memref<!tpu.dma_semaphore, #tpu.memory_space<semaphore_mem>>, %arg13: memref<!tpu.dma_semaphore, #tpu.memory_space<semaphore_mem>>) attributes {dimension_semantics = [#tpu.dimension_semantics<core_parallel>, #tpu.dimension_semantics<subcore_parallel>], iteration_bounds = array<i64: 2, 16>, scalar_prefetch = 0 : i64, scratch_operands = 7 : i64, tpu.core_type = #tpu.core_type<sc_vector_subcore>, window_params = [{transform_indices = #map}, {transform_indices = #map}, {transform_indices = #map}, {transform_indices = #map}, {transform_indices = #map}]} {
    %mul3A = arith.constant 640 : i32
    %mul3A_0 = arith.muli %arg1, %mul3A : i32
    "tpu.region"() ({
      %run_scoped3A = tpu.sem_alloc : memref<!tpu.dma_semaphore, #tpu.memory_space<semaphore_mem>>
      %dma_start3A = arith.constant 0 : i32
      %dma_start3A_19 = tpu.memref_slice %arg7[%mul3A_0, %dma_start3A] : memref<10240x64xf32, #tpu.memory_space<vmem_shared>> -> memref<640x64xf32, #tpu.memory_space<vmem_shared>>
      %dma_start3A_20 = arith.constant 0 : i32
      %dma_start3A_21 = tpu.memref_slice %arg5[%mul3A_0, %dma_start3A_20] : memref<10240x64xf32, #tpu.memory_space<hbm>> -> memref<640x64xf32, #tpu.memory_space<hbm>>
      tpu.enqueue_dma source(%dma_start3A_21 : memref<640x64xf32, #tpu.memory_space<hbm>>) target(%dma_start3A_19 : memref<640x64xf32, #tpu.memory_space<vmem_shared>>) target_semaphore(%run_scoped3A : memref<!tpu.dma_semaphore, #tpu.memory_space<semaphore_mem>>)
      %dma_wait3A = arith.constant 0 : i32
      %dma_wait3A_22 = tpu.memref_slice %arg7[%mul3A_0, %dma_wait3A] : memref<10240x64xf32, #tpu.memory_space<vmem_shared>> -> memref<640x64xf32, #tpu.memory_space<vmem_shared>>
      %dma_wait3A_23 = arith.constant 0 : i32
      %dma_wait3A_24 = tpu.memref_slice %arg5[%mul3A_0, %dma_wait3A_23] : memref<10240x64xf32, #tpu.memory_space<hbm>> -> memref<640x64xf32, #tpu.memory_space<hbm>>
      tpu.wait_dma2 semaphore(%run_scoped3A : memref<!tpu.dma_semaphore, #tpu.memory_space<semaphore_mem>>) src(%dma_wait3A_24 : memref<640x64xf32, #tpu.memory_space<hbm>>) dst(%dma_wait3A_22 : memref<640x64xf32, #tpu.memory_space<vmem_shared>>)
      tpu.yield
    }) : () -> ()
    %barrier3A = arith.constant 0 : index
    tpu.barrier barrier_id(%barrier3A)
    %eq3A = arith.constant 0 : i32
    %eq3A_1 = arith.cmpi eq, %arg0, %eq3A : i32
    %convert_element_type3A = arith.extui %eq3A_1 : i1 to i32
    %cond3A = arith.constant 0 : i32
    %cond3A_2 = arith.cmpi ne, %convert_element_type3A, %cond3A : i32
    scf.if %cond3A_2 {
      %mul3A_19 = arith.constant 80 : i32
      %mul3A_20 = arith.muli %arg1, %mul3A_19 : i32
      %scan3A = arith.constant 0 : i32
      %scan3A_21 = arith.constant 2 : i32
      %scan3A_22 = arith.addi %scan3A, %scan3A_21 : i32
      %scan3A_23 = arith.constant 1 : i32
      scf.for %scan3A_25 = %scan3A to %scan3A_22 step %scan3A_23  : i32 {
        %mul3A_26 = arith.constant 1 : i32
        %mul3A_27 = arith.muli %scan3A_25, %mul3A_26 : i32
        %add3A = arith.constant 0 : i32
        %add3A_28 = arith.addi %add3A, %mul3A_27 : i32
        %mul3A_29 = arith.constant 40 : i32
        %mul3A_30 = arith.muli %add3A_28, %mul3A_29 : i32
        %add3A_31 = arith.addi %mul3A_20, %mul3A_30 : i32
        "tpu.region"() ({
          %run_scoped3A = tpu.sem_alloc : memref<!tpu.dma_semaphore, #tpu.memory_space<semaphore_mem>>
          %dma_start3A_43 = arith.constant 0 : i32
          %dma_start3A_44 = tpu.memref_slice %arg3[%add3A_31, %dma_start3A_43] : memref<2560x128xi32, #tpu.memory_space<hbm>> -> memref<40x128xi32, #tpu.memory_space<hbm>>
          %dma_start3A_45 = arith.constant 0 : i32
          %dma_start3A_46 = tpu.memref_slice %arg3[%add3A_31, %dma_start3A_45] : memref<2560x128xi32, #tpu.memory_space<hbm>> -> memref<40x128xi32, #tpu.memory_space<hbm>>
          tpu.enqueue_dma source(%dma_start3A_46 : memref<40x128xi32, #tpu.memory_space<hbm>>) target(%arg8 : memref<40x128xi32, #tpu.memory_space<vmem>>) target_semaphore(%run_scoped3A : memref<!tpu.dma_semaphore, #tpu.memory_space<semaphore_mem>>)
          %dma_wait3A = arith.constant 0 : i32
          %dma_wait3A_47 = tpu.memref_slice %arg3[%add3A_31, %dma_wait3A] : memref<2560x128xi32, #tpu.memory_space<hbm>> -> memref<40x128xi32, #tpu.memory_space<hbm>>
          %dma_wait3A_48 = arith.constant 0 : i32
          %dma_wait3A_49 = tpu.memref_slice %arg3[%add3A_31, %dma_wait3A_48] : memref<2560x128xi32, #tpu.memory_space<hbm>> -> memref<40x128xi32, #tpu.memory_space<hbm>>
          tpu.wait_dma2 semaphore(%run_scoped3A : memref<!tpu.dma_semaphore, #tpu.memory_space<semaphore_mem>>) src(%dma_wait3A_49 : memref<40x128xi32, #tpu.memory_space<hbm>>) dst(%arg8 : memref<40x128xi32, #tpu.memory_space<vmem>>)
          tpu.yield
        }) : () -> ()
        "tpu.region"() ({
          %run_scoped3A = tpu.sem_alloc : memref<!tpu.dma_semaphore, #tpu.memory_space<semaphore_mem>>
          %dma_start3A_43 = arith.constant 0 : i32
          %dma_start3A_44 = tpu.memref_slice %arg4[%add3A_31, %dma_start3A_43] : memref<2560x128xi32, #tpu.memory_space<hbm>> -> memref<40x128xi32, #tpu.memory_space<hbm>>
          %dma_start3A_45 = arith.constant 0 : i32
          %dma_start3A_46 = tpu.memref_slice %arg4[%add3A_31, %dma_start3A_45] : memref<2560x128xi32, #tpu.memory_space<hbm>> -> memref<40x128xi32, #tpu.memory_space<hbm>>
          tpu.enqueue_dma source(%dma_start3A_46 : memref<40x128xi32, #tpu.memory_space<hbm>>) target(%arg9 : memref<40x128xi32, #tpu.memory_space<vmem>>) target_semaphore(%run_scoped3A : memref<!tpu.dma_semaphore, #tpu.memory_space<semaphore_mem>>)
          %dma_wait3A = arith.constant 0 : i32
          %dma_wait3A_47 = tpu.memref_slice %arg4[%add3A_31, %dma_wait3A] : memref<2560x128xi32, #tpu.memory_space<hbm>> -> memref<40x128xi32, #tpu.memory_space<hbm>>
          %dma_wait3A_48 = arith.constant 0 : i32
          %dma_wait3A_49 = tpu.memref_slice %arg4[%add3A_31, %dma_wait3A_48] : memref<2560x128xi32, #tpu.memory_space<hbm>> -> memref<40x128xi32, #tpu.memory_space<hbm>>
          tpu.wait_dma2 semaphore(%run_scoped3A : memref<!tpu.dma_semaphore, #tpu.memory_space<semaphore_mem>>) src(%dma_wait3A_49 : memref<40x128xi32, #tpu.memory_space<hbm>>) dst(%arg9 : memref<40x128xi32, #tpu.memory_space<vmem>>)
          tpu.yield
        }) : () -> ()
        %dma_start3A = arith.constant 0 : i32
        %dma_start3A_32 = arith.constant 0 : i32
        %dma_start3A_33 = tpu.memref_slice %arg8[%dma_start3A, %dma_start3A_32] : memref<40x128xi32, #tpu.memory_space<vmem>> -> memref<1x128xi32, #tpu.memory_space<vmem>>
        %dma_start3A_34 = tpu.memref_squeeze %dma_start3A_33 : memref<1x128xi32, #tpu.memory_space<vmem>> -> memref<128xi32, #tpu.memory_space<vmem>>
        %dma_start3A_35 = arith.constant 0 : i32
        %dma_start3A_36 = arith.constant 0 : i32
        %dma_start3A_37 = tpu.memref_slice %arg2[%dma_start3A_35, %dma_start3A_36] : memref<10240x64xf32, #tpu.memory_space<hbm>> -> memref<10240x64xf32, #tpu.memory_space<hbm>>
        tpu.enqueue_indirect_dma source(%dma_start3A_37 : memref<10240x64xf32, #tpu.memory_space<hbm>>) target(%arg10 : memref<128x64xf32, #tpu.memory_space<vmem>>) offsets(%dma_start3A_34 : memref<128xi32, #tpu.memory_space<vmem>>) semaphore(%arg12 : memref<!tpu.dma_semaphore, #tpu.memory_space<semaphore_mem>>)
        %scan3A_38 = arith.constant 0 : i32
        %scan3A_39 = arith.constant 20 : i32
        %scan3A_40 = arith.addi %scan3A_38, %scan3A_39 : i32
        %scan3A_41 = arith.constant 1 : i32
        scf.for %scan3A_43 = %scan3A_38 to %scan3A_40 step %scan3A_41  : i32 {
          %mul3A_44 = arith.constant 2 : i32
          %mul3A_45 = arith.muli %scan3A_43, %mul3A_44 : i32
          %add3A_46 = arith.constant 0 : i32
          %add3A_47 = arith.addi %add3A_46, %mul3A_45 : i32
          %add3A_48 = arith.constant 1 : i32
          %add3A_49 = arith.addi %add3A_47, %add3A_48 : i32
          %dma_start3A_50 = arith.constant 0 : i32
          %dma_start3A_51 = tpu.memref_slice %arg8[%add3A_49, %dma_start3A_50] : memref<40x128xi32, #tpu.memory_space<vmem>> -> memref<1x128xi32, #tpu.memory_space<vmem>>
          %dma_start3A_52 = tpu.memref_squeeze %dma_start3A_51 : memref<1x128xi32, #tpu.memory_space<vmem>> -> memref<128xi32, #tpu.memory_space<vmem>>
          %dma_start3A_53 = arith.constant 0 : i32
          %dma_start3A_54 = arith.constant 0 : i32
          %dma_start3A_55 = tpu.memref_slice %arg2[%dma_start3A_53, %dma_start3A_54] : memref<10240x64xf32, #tpu.memory_space<hbm>> -> memref<10240x64xf32, #tpu.memory_space<hbm>>
          tpu.enqueue_indirect_dma source(%dma_start3A_55 : memref<10240x64xf32, #tpu.memory_space<hbm>>) target(%arg11 : memref<128x64xf32, #tpu.memory_space<vmem>>) offsets(%dma_start3A_52 : memref<128xi32, #tpu.memory_space<vmem>>) semaphore(%arg13 : memref<!tpu.dma_semaphore, #tpu.memory_space<semaphore_mem>>)
          %dma_wait3A = arith.constant 0 : i32
          %dma_wait3A_56 = tpu.memref_slice %arg8[%add3A_47, %dma_wait3A] : memref<40x128xi32, #tpu.memory_space<vmem>> -> memref<1x128xi32, #tpu.memory_space<vmem>>
          %dma_wait3A_57 = tpu.memref_squeeze %dma_wait3A_56 : memref<1x128xi32, #tpu.memory_space<vmem>> -> memref<128xi32, #tpu.memory_space<vmem>>
          %dma_wait3A_58 = arith.constant 0 : i32
          %dma_wait3A_59 = arith.constant 0 : i32
          %dma_wait3A_60 = tpu.memref_slice %arg2[%dma_wait3A_58, %dma_wait3A_59] : memref<10240x64xf32, #tpu.memory_space<hbm>> -> memref<10240x64xf32, #tpu.memory_space<hbm>>
          tpu.wait_indirect_dma semaphore(%arg12 : memref<!tpu.dma_semaphore, #tpu.memory_space<semaphore_mem>>) src(%dma_wait3A_60 : memref<10240x64xf32, #tpu.memory_space<hbm>>) dst(%arg10 : memref<128x64xf32, #tpu.memory_space<vmem>>)
          "tpu.region"() ({
            %run_scoped3A = tpu.sem_alloc : memref<!tpu.dma_semaphore, #tpu.memory_space<semaphore_mem>>
            %dma_start3A_77 = arith.constant 0 : i32
            %dma_start3A_78 = tpu.memref_slice %arg9[%add3A_47, %dma_start3A_77] : memref<40x128xi32, #tpu.memory_space<vmem>> -> memref<1x128xi32, #tpu.memory_space<vmem>>
            %dma_start3A_79 = tpu.memref_squeeze %dma_start3A_78 : memref<1x128xi32, #tpu.memory_space<vmem>> -> memref<128xi32, #tpu.memory_space<vmem>>
            %dma_start3A_80 = arith.constant 0 : i32
            %dma_start3A_81 = arith.constant 0 : i32
            %dma_start3A_82 = tpu.memref_slice %arg7[%dma_start3A_80, %dma_start3A_81] : memref<10240x64xf32, #tpu.memory_space<vmem_shared>> -> memref<10240x64xf32, #tpu.memory_space<vmem_shared>>
            tpu.enqueue_indirect_dma source(%arg10 : memref<128x64xf32, #tpu.memory_space<vmem>>) target(%dma_start3A_82 : memref<10240x64xf32, #tpu.memory_space<vmem_shared>>) offsets(%dma_start3A_79 : memref<128xi32, #tpu.memory_space<vmem>>) semaphore(%run_scoped3A : memref<!tpu.dma_semaphore, #tpu.memory_space<semaphore_mem>>) {add = true}
            %dma_wait3A_83 = arith.constant 0 : i32
            %dma_wait3A_84 = tpu.memref_slice %arg9[%add3A_47, %dma_wait3A_83] : memref<40x128xi32, #tpu.memory_space<vmem>> -> memref<1x128xi32, #tpu.memory_space<vmem>>
            %dma_wait3A_85 = tpu.memref_squeeze %dma_wait3A_84 : memref<1x128xi32, #tpu.memory_space<vmem>> -> memref<128xi32, #tpu.memory_space<vmem>>
            %dma_wait3A_86 = arith.constant 0 : i32
            %dma_wait3A_87 = arith.constant 0 : i32
            %dma_wait3A_88 = tpu.memref_slice %arg7[%dma_wait3A_86, %dma_wait3A_87] : memref<10240x64xf32, #tpu.memory_space<vmem_shared>> -> memref<10240x64xf32, #tpu.memory_space<vmem_shared>>
            tpu.wait_indirect_dma semaphore(%run_scoped3A : memref<!tpu.dma_semaphore, #tpu.memory_space<semaphore_mem>>) src(%arg10 : memref<128x64xf32, #tpu.memory_space<vmem>>) dst(%dma_wait3A_88 : memref<10240x64xf32, #tpu.memory_space<vmem_shared>>)
            tpu.yield
          }) : () -> ()
          %add3A_61 = arith.constant 2 : i32
          %add3A_62 = arith.addi %add3A_47, %add3A_61 : i32
          %lt3A = arith.constant 40 : i32
          %lt3A_63 = arith.cmpi slt, %add3A_62, %lt3A : i32
          %convert_element_type3A_64 = arith.extui %lt3A_63 : i1 to i32
          %cond3A_65 = arith.constant 0 : i32
          %cond3A_66 = arith.cmpi ne, %convert_element_type3A_64, %cond3A_65 : i32
          scf.if %cond3A_66 {
            %add3A_77 = arith.constant 2 : i32
            %add3A_78 = arith.addi %add3A_47, %add3A_77 : i32
            %dma_start3A_79 = arith.constant 0 : i32
            %dma_start3A_80 = tpu.memref_slice %arg8[%add3A_78, %dma_start3A_79] : memref<40x128xi32, #tpu.memory_space<vmem>> -> memref<1x128xi32, #tpu.memory_space<vmem>>
            %dma_start3A_81 = tpu.memref_squeeze %dma_start3A_80 : memref<1x128xi32, #tpu.memory_space<vmem>> -> memref<128xi32, #tpu.memory_space<vmem>>
            %dma_start3A_82 = arith.constant 0 : i32
            %dma_start3A_83 = arith.constant 0 : i32
            %dma_start3A_84 = tpu.memref_slice %arg2[%dma_start3A_82, %dma_start3A_83] : memref<10240x64xf32, #tpu.memory_space<hbm>> -> memref<10240x64xf32, #tpu.memory_space<hbm>>
            tpu.enqueue_indirect_dma source(%dma_start3A_84 : memref<10240x64xf32, #tpu.memory_space<hbm>>) target(%arg10 : memref<128x64xf32, #tpu.memory_space<vmem>>) offsets(%dma_start3A_81 : memref<128xi32, #tpu.memory_space<vmem>>) semaphore(%arg12 : memref<!tpu.dma_semaphore, #tpu.memory_space<semaphore_mem>>)
          } else {
          }
          %add3A_67 = arith.constant 1 : i32
          %add3A_68 = arith.addi %add3A_47, %add3A_67 : i32
          %dma_wait3A_69 = arith.constant 0 : i32
          %dma_wait3A_70 = tpu.memref_slice %arg8[%add3A_68, %dma_wait3A_69] : memref<40x128xi32, #tpu.memory_space<vmem>> -> memref<1x128xi32, #tpu.memory_space<vmem>>
          %dma_wait3A_71 = tpu.memref_squeeze %dma_wait3A_70 : memref<1x128xi32, #tpu.memory_space<vmem>> -> memref<128xi32, #tpu.memory_space<vmem>>
          %dma_wait3A_72 = arith.constant 0 : i32
          %dma_wait3A_73 = arith.constant 0 : i32
          %dma_wait3A_74 = tpu.memref_slice %arg2[%dma_wait3A_72, %dma_wait3A_73] : memref<10240x64xf32, #tpu.memory_space<hbm>> -> memref<10240x64xf32, #tpu.memory_space<hbm>>
          tpu.wait_indirect_dma semaphore(%arg13 : memref<!tpu.dma_semaphore, #tpu.memory_space<semaphore_mem>>) src(%dma_wait3A_74 : memref<10240x64xf32, #tpu.memory_space<hbm>>) dst(%arg11 : memref<128x64xf32, #tpu.memory_space<vmem>>)
          %add3A_75 = arith.constant 1 : i32
          %add3A_76 = arith.addi %add3A_47, %add3A_75 : i32
          "tpu.region"() ({
            %run_scoped3A = tpu.sem_alloc : memref<!tpu.dma_semaphore, #tpu.memory_space<semaphore_mem>>
            %dma_start3A_77 = arith.constant 0 : i32
            %dma_start3A_78 = tpu.memref_slice %arg9[%add3A_76, %dma_start3A_77] : memref<40x128xi32, #tpu.memory_space<vmem>> -> memref<1x128xi32, #tpu.memory_space<vmem>>
            %dma_start3A_79 = tpu.memref_squeeze %dma_start3A_78 : memref<1x128xi32, #tpu.memory_space<vmem>> -> memref<128xi32, #tpu.memory_space<vmem>>
            %dma_start3A_80 = arith.constant 0 : i32
            %dma_start3A_81 = arith.constant 0 : i32
            %dma_start3A_82 = tpu.memref_slice %arg7[%dma_start3A_80, %dma_start3A_81] : memref<10240x64xf32, #tpu.memory_space<vmem_shared>> -> memref<10240x64xf32, #tpu.memory_space<vmem_shared>>
            tpu.enqueue_indirect_dma source(%arg11 : memref<128x64xf32, #tpu.memory_space<vmem>>) target(%dma_start3A_82 : memref<10240x64xf32, #tpu.memory_space<vmem_shared>>) offsets(%dma_start3A_79 : memref<128xi32, #tpu.memory_space<vmem>>) semaphore(%run_scoped3A : memref<!tpu.dma_semaphore, #tpu.memory_space<semaphore_mem>>) {add = true}
            %dma_wait3A_83 = arith.constant 0 : i32
            %dma_wait3A_84 = tpu.memref_slice %arg9[%add3A_76, %dma_wait3A_83] : memref<40x128xi32, #tpu.memory_space<vmem>> -> memref<1x128xi32, #tpu.memory_space<vmem>>
            %dma_wait3A_85 = tpu.memref_squeeze %dma_wait3A_84 : memref<1x128xi32, #tpu.memory_space<vmem>> -> memref<128xi32, #tpu.memory_space<vmem>>
            %dma_wait3A_86 = arith.constant 0 : i32
            %dma_wait3A_87 = arith.constant 0 : i32
            %dma_wait3A_88 = tpu.memref_slice %arg7[%dma_wait3A_86, %dma_wait3A_87] : memref<10240x64xf32, #tpu.memory_space<vmem_shared>> -> memref<10240x64xf32, #tpu.memory_space<vmem_shared>>
            tpu.wait_indirect_dma semaphore(%run_scoped3A : memref<!tpu.dma_semaphore, #tpu.memory_space<semaphore_mem>>) src(%arg11 : memref<128x64xf32, #tpu.memory_space<vmem>>) dst(%dma_wait3A_88 : memref<10240x64xf32, #tpu.memory_space<vmem_shared>>)
            tpu.yield
          }) : () -> ()
        }
        %scan3A_42 = arith.constant 20 : i32
      }
      %scan3A_24 = arith.constant 2 : i32
    } else {
    }
    %eq3A_3 = arith.constant 1 : i32
    %eq3A_4 = arith.cmpi eq, %arg0, %eq3A_3 : i32
    %convert_element_type3A_5 = arith.extui %eq3A_4 : i1 to i32
    %cond3A_6 = arith.constant 0 : i32
    %cond3A_7 = arith.cmpi ne, %convert_element_type3A_5, %cond3A_6 : i32
    scf.if %cond3A_7 {
      %mul3A_19 = arith.constant 80 : i32
      %mul3A_20 = arith.muli %arg1, %mul3A_19 : i32
      %add3A = arith.constant 1280 : i32
      %add3A_21 = arith.addi %add3A, %mul3A_20 : i32
      %scan3A = arith.constant 0 : i32
      %scan3A_22 = arith.constant 2 : i32
      %scan3A_23 = arith.addi %scan3A, %scan3A_22 : i32
      %scan3A_24 = arith.constant 1 : i32
      scf.for %scan3A_26 = %scan3A to %scan3A_23 step %scan3A_24  : i32 {
        %mul3A_27 = arith.constant 1 : i32
        %mul3A_28 = arith.muli %scan3A_26, %mul3A_27 : i32
        %add3A_29 = arith.constant 0 : i32
        %add3A_30 = arith.addi %add3A_29, %mul3A_28 : i32
        %mul3A_31 = arith.constant 40 : i32
        %mul3A_32 = arith.muli %add3A_30, %mul3A_31 : i32
        %add3A_33 = arith.addi %add3A_21, %mul3A_32 : i32
        "tpu.region"() ({
          %run_scoped3A = tpu.sem_alloc : memref<!tpu.dma_semaphore, #tpu.memory_space<semaphore_mem>>
          %dma_start3A_45 = arith.constant 0 : i32
          %dma_start3A_46 = tpu.memref_slice %arg3[%add3A_33, %dma_start3A_45] : memref<2560x128xi32, #tpu.memory_space<hbm>> -> memref<40x128xi32, #tpu.memory_space<hbm>>
          %dma_start3A_47 = arith.constant 0 : i32
          %dma_start3A_48 = tpu.memref_slice %arg3[%add3A_33, %dma_start3A_47] : memref<2560x128xi32, #tpu.memory_space<hbm>> -> memref<40x128xi32, #tpu.memory_space<hbm>>
          tpu.enqueue_dma source(%dma_start3A_48 : memref<40x128xi32, #tpu.memory_space<hbm>>) target(%arg8 : memref<40x128xi32, #tpu.memory_space<vmem>>) target_semaphore(%run_scoped3A : memref<!tpu.dma_semaphore, #tpu.memory_space<semaphore_mem>>)
          %dma_wait3A = arith.constant 0 : i32
          %dma_wait3A_49 = tpu.memref_slice %arg3[%add3A_33, %dma_wait3A] : memref<2560x128xi32, #tpu.memory_space<hbm>> -> memref<40x128xi32, #tpu.memory_space<hbm>>
          %dma_wait3A_50 = arith.constant 0 : i32
          %dma_wait3A_51 = tpu.memref_slice %arg3[%add3A_33, %dma_wait3A_50] : memref<2560x128xi32, #tpu.memory_space<hbm>> -> memref<40x128xi32, #tpu.memory_space<hbm>>
          tpu.wait_dma2 semaphore(%run_scoped3A : memref<!tpu.dma_semaphore, #tpu.memory_space<semaphore_mem>>) src(%dma_wait3A_51 : memref<40x128xi32, #tpu.memory_space<hbm>>) dst(%arg8 : memref<40x128xi32, #tpu.memory_space<vmem>>)
          tpu.yield
        }) : () -> ()
        "tpu.region"() ({
          %run_scoped3A = tpu.sem_alloc : memref<!tpu.dma_semaphore, #tpu.memory_space<semaphore_mem>>
          %dma_start3A_45 = arith.constant 0 : i32
          %dma_start3A_46 = tpu.memref_slice %arg4[%add3A_33, %dma_start3A_45] : memref<2560x128xi32, #tpu.memory_space<hbm>> -> memref<40x128xi32, #tpu.memory_space<hbm>>
          %dma_start3A_47 = arith.constant 0 : i32
          %dma_start3A_48 = tpu.memref_slice %arg4[%add3A_33, %dma_start3A_47] : memref<2560x128xi32, #tpu.memory_space<hbm>> -> memref<40x128xi32, #tpu.memory_space<hbm>>
          tpu.enqueue_dma source(%dma_start3A_48 : memref<40x128xi32, #tpu.memory_space<hbm>>) target(%arg9 : memref<40x128xi32, #tpu.memory_space<vmem>>) target_semaphore(%run_scoped3A : memref<!tpu.dma_semaphore, #tpu.memory_space<semaphore_mem>>)
          %dma_wait3A = arith.constant 0 : i32
          %dma_wait3A_49 = tpu.memref_slice %arg4[%add3A_33, %dma_wait3A] : memref<2560x128xi32, #tpu.memory_space<hbm>> -> memref<40x128xi32, #tpu.memory_space<hbm>>
          %dma_wait3A_50 = arith.constant 0 : i32
          %dma_wait3A_51 = tpu.memref_slice %arg4[%add3A_33, %dma_wait3A_50] : memref<2560x128xi32, #tpu.memory_space<hbm>> -> memref<40x128xi32, #tpu.memory_space<hbm>>
          tpu.wait_dma2 semaphore(%run_scoped3A : memref<!tpu.dma_semaphore, #tpu.memory_space<semaphore_mem>>) src(%dma_wait3A_51 : memref<40x128xi32, #tpu.memory_space<hbm>>) dst(%arg9 : memref<40x128xi32, #tpu.memory_space<vmem>>)
          tpu.yield
        }) : () -> ()
        %dma_start3A = arith.constant 0 : i32
        %dma_start3A_34 = arith.constant 0 : i32
        %dma_start3A_35 = tpu.memref_slice %arg8[%dma_start3A, %dma_start3A_34] : memref<40x128xi32, #tpu.memory_space<vmem>> -> memref<1x128xi32, #tpu.memory_space<vmem>>
        %dma_start3A_36 = tpu.memref_squeeze %dma_start3A_35 : memref<1x128xi32, #tpu.memory_space<vmem>> -> memref<128xi32, #tpu.memory_space<vmem>>
        %dma_start3A_37 = arith.constant 0 : i32
        %dma_start3A_38 = arith.constant 0 : i32
        %dma_start3A_39 = tpu.memref_slice %arg2[%dma_start3A_37, %dma_start3A_38] : memref<10240x64xf32, #tpu.memory_space<hbm>> -> memref<10240x64xf32, #tpu.memory_space<hbm>>
        tpu.enqueue_indirect_dma source(%dma_start3A_39 : memref<10240x64xf32, #tpu.memory_space<hbm>>) target(%arg10 : memref<128x64xf32, #tpu.memory_space<vmem>>) offsets(%dma_start3A_36 : memref<128xi32, #tpu.memory_space<vmem>>) semaphore(%arg12 : memref<!tpu.dma_semaphore, #tpu.memory_space<semaphore_mem>>)
        %scan3A_40 = arith.constant 0 : i32
        %scan3A_41 = arith.constant 20 : i32
        %scan3A_42 = arith.addi %scan3A_40, %scan3A_41 : i32
        %scan3A_43 = arith.constant 1 : i32
        scf.for %scan3A_45 = %scan3A_40 to %scan3A_42 step %scan3A_43  : i32 {
          %mul3A_46 = arith.constant 2 : i32
          %mul3A_47 = arith.muli %scan3A_45, %mul3A_46 : i32
          %add3A_48 = arith.constant 0 : i32
          %add3A_49 = arith.addi %add3A_48, %mul3A_47 : i32
          %add3A_50 = arith.constant 1 : i32
          %add3A_51 = arith.addi %add3A_49, %add3A_50 : i32
          %dma_start3A_52 = arith.constant 0 : i32
          %dma_start3A_53 = tpu.memref_slice %arg8[%add3A_51, %dma_start3A_52] : memref<40x128xi32, #tpu.memory_space<vmem>> -> memref<1x128xi32, #tpu.memory_space<vmem>>
          %dma_start3A_54 = tpu.memref_squeeze %dma_start3A_53 : memref<1x128xi32, #tpu.memory_space<vmem>> -> memref<128xi32, #tpu.memory_space<vmem>>
          %dma_start3A_55 = arith.constant 0 : i32
          %dma_start3A_56 = arith.constant 0 : i32
          %dma_start3A_57 = tpu.memref_slice %arg2[%dma_start3A_55, %dma_start3A_56] : memref<10240x64xf32, #tpu.memory_space<hbm>> -> memref<10240x64xf32, #tpu.memory_space<hbm>>
          tpu.enqueue_indirect_dma source(%dma_start3A_57 : memref<10240x64xf32, #tpu.memory_space<hbm>>) target(%arg11 : memref<128x64xf32, #tpu.memory_space<vmem>>) offsets(%dma_start3A_54 : memref<128xi32, #tpu.memory_space<vmem>>) semaphore(%arg13 : memref<!tpu.dma_semaphore, #tpu.memory_space<semaphore_mem>>)
          %dma_wait3A = arith.constant 0 : i32
          %dma_wait3A_58 = tpu.memref_slice %arg8[%add3A_49, %dma_wait3A] : memref<40x128xi32, #tpu.memory_space<vmem>> -> memref<1x128xi32, #tpu.memory_space<vmem>>
          %dma_wait3A_59 = tpu.memref_squeeze %dma_wait3A_58 : memref<1x128xi32, #tpu.memory_space<vmem>> -> memref<128xi32, #tpu.memory_space<vmem>>
          %dma_wait3A_60 = arith.constant 0 : i32
          %dma_wait3A_61 = arith.constant 0 : i32
          %dma_wait3A_62 = tpu.memref_slice %arg2[%dma_wait3A_60, %dma_wait3A_61] : memref<10240x64xf32, #tpu.memory_space<hbm>> -> memref<10240x64xf32, #tpu.memory_space<hbm>>
          tpu.wait_indirect_dma semaphore(%arg12 : memref<!tpu.dma_semaphore, #tpu.memory_space<semaphore_mem>>) src(%dma_wait3A_62 : memref<10240x64xf32, #tpu.memory_space<hbm>>) dst(%arg10 : memref<128x64xf32, #tpu.memory_space<vmem>>)
          "tpu.region"() ({
            %run_scoped3A = tpu.sem_alloc : memref<!tpu.dma_semaphore, #tpu.memory_space<semaphore_mem>>
            %dma_start3A_79 = arith.constant 0 : i32
            %dma_start3A_80 = tpu.memref_slice %arg9[%add3A_49, %dma_start3A_79] : memref<40x128xi32, #tpu.memory_space<vmem>> -> memref<1x128xi32, #tpu.memory_space<vmem>>
            %dma_start3A_81 = tpu.memref_squeeze %dma_start3A_80 : memref<1x128xi32, #tpu.memory_space<vmem>> -> memref<128xi32, #tpu.memory_space<vmem>>
            %dma_start3A_82 = arith.constant 0 : i32
            %dma_start3A_83 = arith.constant 0 : i32
            %dma_start3A_84 = tpu.memref_slice %arg7[%dma_start3A_82, %dma_start3A_83] : memref<10240x64xf32, #tpu.memory_space<vmem_shared>> -> memref<10240x64xf32, #tpu.memory_space<vmem_shared>>
            tpu.enqueue_indirect_dma source(%arg10 : memref<128x64xf32, #tpu.memory_space<vmem>>) target(%dma_start3A_84 : memref<10240x64xf32, #tpu.memory_space<vmem_shared>>) offsets(%dma_start3A_81 : memref<128xi32, #tpu.memory_space<vmem>>) semaphore(%run_scoped3A : memref<!tpu.dma_semaphore, #tpu.memory_space<semaphore_mem>>) {add = true}
            %dma_wait3A_85 = arith.constant 0 : i32
            %dma_wait3A_86 = tpu.memref_slice %arg9[%add3A_49, %dma_wait3A_85] : memref<40x128xi32, #tpu.memory_space<vmem>> -> memref<1x128xi32, #tpu.memory_space<vmem>>
            %dma_wait3A_87 = tpu.memref_squeeze %dma_wait3A_86 : memref<1x128xi32, #tpu.memory_space<vmem>> -> memref<128xi32, #tpu.memory_space<vmem>>
            %dma_wait3A_88 = arith.constant 0 : i32
            %dma_wait3A_89 = arith.constant 0 : i32
            %dma_wait3A_90 = tpu.memref_slice %arg7[%dma_wait3A_88, %dma_wait3A_89] : memref<10240x64xf32, #tpu.memory_space<vmem_shared>> -> memref<10240x64xf32, #tpu.memory_space<vmem_shared>>
            tpu.wait_indirect_dma semaphore(%run_scoped3A : memref<!tpu.dma_semaphore, #tpu.memory_space<semaphore_mem>>) src(%arg10 : memref<128x64xf32, #tpu.memory_space<vmem>>) dst(%dma_wait3A_90 : memref<10240x64xf32, #tpu.memory_space<vmem_shared>>)
            tpu.yield
          }) : () -> ()
          %add3A_63 = arith.constant 2 : i32
          %add3A_64 = arith.addi %add3A_49, %add3A_63 : i32
          %lt3A = arith.constant 40 : i32
          %lt3A_65 = arith.cmpi slt, %add3A_64, %lt3A : i32
          %convert_element_type3A_66 = arith.extui %lt3A_65 : i1 to i32
          %cond3A_67 = arith.constant 0 : i32
          %cond3A_68 = arith.cmpi ne, %convert_element_type3A_66, %cond3A_67 : i32
          scf.if %cond3A_68 {
            %add3A_79 = arith.constant 2 : i32
            %add3A_80 = arith.addi %add3A_49, %add3A_79 : i32
            %dma_start3A_81 = arith.constant 0 : i32
            %dma_start3A_82 = tpu.memref_slice %arg8[%add3A_80, %dma_start3A_81] : memref<40x128xi32, #tpu.memory_space<vmem>> -> memref<1x128xi32, #tpu.memory_space<vmem>>
            %dma_start3A_83 = tpu.memref_squeeze %dma_start3A_82 : memref<1x128xi32, #tpu.memory_space<vmem>> -> memref<128xi32, #tpu.memory_space<vmem>>
            %dma_start3A_84 = arith.constant 0 : i32
            %dma_start3A_85 = arith.constant 0 : i32
            %dma_start3A_86 = tpu.memref_slice %arg2[%dma_start3A_84, %dma_start3A_85] : memref<10240x64xf32, #tpu.memory_space<hbm>> -> memref<10240x64xf32, #tpu.memory_space<hbm>>
            tpu.enqueue_indirect_dma source(%dma_start3A_86 : memref<10240x64xf32, #tpu.memory_space<hbm>>) target(%arg10 : memref<128x64xf32, #tpu.memory_space<vmem>>) offsets(%dma_start3A_83 : memref<128xi32, #tpu.memory_space<vmem>>) semaphore(%arg12 : memref<!tpu.dma_semaphore, #tpu.memory_space<semaphore_mem>>)
          } else {
          }
          %add3A_69 = arith.constant 1 : i32
          %add3A_70 = arith.addi %add3A_49, %add3A_69 : i32
          %dma_wait3A_71 = arith.constant 0 : i32
          %dma_wait3A_72 = tpu.memref_slice %arg8[%add3A_70, %dma_wait3A_71] : memref<40x128xi32, #tpu.memory_space<vmem>> -> memref<1x128xi32, #tpu.memory_space<vmem>>
          %dma_wait3A_73 = tpu.memref_squeeze %dma_wait3A_72 : memref<1x128xi32, #tpu.memory_space<vmem>> -> memref<128xi32, #tpu.memory_space<vmem>>
          %dma_wait3A_74 = arith.constant 0 : i32
          %dma_wait3A_75 = arith.constant 0 : i32
          %dma_wait3A_76 = tpu.memref_slice %arg2[%dma_wait3A_74, %dma_wait3A_75] : memref<10240x64xf32, #tpu.memory_space<hbm>> -> memref<10240x64xf32, #tpu.memory_space<hbm>>
          tpu.wait_indirect_dma semaphore(%arg13 : memref<!tpu.dma_semaphore, #tpu.memory_space<semaphore_mem>>) src(%dma_wait3A_76 : memref<10240x64xf32, #tpu.memory_space<hbm>>) dst(%arg11 : memref<128x64xf32, #tpu.memory_space<vmem>>)
          %add3A_77 = arith.constant 1 : i32
          %add3A_78 = arith.addi %add3A_49, %add3A_77 : i32
          "tpu.region"() ({
            %run_scoped3A = tpu.sem_alloc : memref<!tpu.dma_semaphore, #tpu.memory_space<semaphore_mem>>
            %dma_start3A_79 = arith.constant 0 : i32
            %dma_start3A_80 = tpu.memref_slice %arg9[%add3A_78, %dma_start3A_79] : memref<40x128xi32, #tpu.memory_space<vmem>> -> memref<1x128xi32, #tpu.memory_space<vmem>>
            %dma_start3A_81 = tpu.memref_squeeze %dma_start3A_80 : memref<1x128xi32, #tpu.memory_space<vmem>> -> memref<128xi32, #tpu.memory_space<vmem>>
            %dma_start3A_82 = arith.constant 0 : i32
            %dma_start3A_83 = arith.constant 0 : i32
            %dma_start3A_84 = tpu.memref_slice %arg7[%dma_start3A_82, %dma_start3A_83] : memref<10240x64xf32, #tpu.memory_space<vmem_shared>> -> memref<10240x64xf32, #tpu.memory_space<vmem_shared>>
            tpu.enqueue_indirect_dma source(%arg11 : memref<128x64xf32, #tpu.memory_space<vmem>>) target(%dma_start3A_84 : memref<10240x64xf32, #tpu.memory_space<vmem_shared>>) offsets(%dma_start3A_81 : memref<128xi32, #tpu.memory_space<vmem>>) semaphore(%run_scoped3A : memref<!tpu.dma_semaphore, #tpu.memory_space<semaphore_mem>>) {add = true}
            %dma_wait3A_85 = arith.constant 0 : i32
            %dma_wait3A_86 = tpu.memref_slice %arg9[%add3A_78, %dma_wait3A_85] : memref<40x128xi32, #tpu.memory_space<vmem>> -> memref<1x128xi32, #tpu.memory_space<vmem>>
            %dma_wait3A_87 = tpu.memref_squeeze %dma_wait3A_86 : memref<1x128xi32, #tpu.memory_space<vmem>> -> memref<128xi32, #tpu.memory_space<vmem>>
            %dma_wait3A_88 = arith.constant 0 : i32
            %dma_wait3A_89 = arith.constant 0 : i32
            %dma_wait3A_90 = tpu.memref_slice %arg7[%dma_wait3A_88, %dma_wait3A_89] : memref<10240x64xf32, #tpu.memory_space<vmem_shared>> -> memref<10240x64xf32, #tpu.memory_space<vmem_shared>>
            tpu.wait_indirect_dma semaphore(%run_scoped3A : memref<!tpu.dma_semaphore, #tpu.memory_space<semaphore_mem>>) src(%arg11 : memref<128x64xf32, #tpu.memory_space<vmem>>) dst(%dma_wait3A_90 : memref<10240x64xf32, #tpu.memory_space<vmem_shared>>)
            tpu.yield
          }) : () -> ()
        }
        %scan3A_44 = arith.constant 20 : i32
      }
      %scan3A_25 = arith.constant 2 : i32
    } else {
    }
    %barrier3A_8 = arith.constant 0 : index
    tpu.barrier barrier_id(%barrier3A_8)
    %eq3A_9 = arith.constant 0 : i32
    %eq3A_10 = arith.cmpi eq, %arg0, %eq3A_9 : i32
    %convert_element_type3A_11 = arith.extui %eq3A_10 : i1 to i32
    %cond3A_12 = arith.constant 0 : i32
    %cond3A_13 = arith.cmpi ne, %convert_element_type3A_11, %cond3A_12 : i32
    scf.if %cond3A_13 {
      "tpu.region"() ({
        %run_scoped3A = tpu.sem_alloc : memref<!tpu.dma_semaphore, #tpu.memory_space<semaphore_mem>>
        %dma_start3A = arith.constant 0 : i32
        %dma_start3A_19 = tpu.memref_slice %arg6[%mul3A_0, %dma_start3A] : memref<10240x128xf32, #tpu.memory_space<hbm>> -> memref<640x64xf32, #tpu.memory_space<hbm>>
        %dma_start3A_20 = arith.constant 0 : i32
        %dma_start3A_21 = tpu.memref_slice %arg7[%mul3A_0, %dma_start3A_20] : memref<10240x64xf32, #tpu.memory_space<vmem_shared>> -> memref<640x64xf32, #tpu.memory_space<vmem_shared>>
        tpu.enqueue_dma source(%dma_start3A_21 : memref<640x64xf32, #tpu.memory_space<vmem_shared>>) target(%dma_start3A_19 : memref<640x64xf32, #tpu.memory_space<hbm>>) target_semaphore(%run_scoped3A : memref<!tpu.dma_semaphore, #tpu.memory_space<semaphore_mem>>)
        %dma_wait3A = arith.constant 0 : i32
        %dma_wait3A_22 = tpu.memref_slice %arg6[%mul3A_0, %dma_wait3A] : memref<10240x128xf32, #tpu.memory_space<hbm>> -> memref<640x64xf32, #tpu.memory_space<hbm>>
        %dma_wait3A_23 = arith.constant 0 : i32
        %dma_wait3A_24 = tpu.memref_slice %arg7[%mul3A_0, %dma_wait3A_23] : memref<10240x64xf32, #tpu.memory_space<vmem_shared>> -> memref<640x64xf32, #tpu.memory_space<vmem_shared>>
        tpu.wait_dma2 semaphore(%run_scoped3A : memref<!tpu.dma_semaphore, #tpu.memory_space<semaphore_mem>>) src(%dma_wait3A_24 : memref<640x64xf32, #tpu.memory_space<vmem_shared>>) dst(%dma_wait3A_22 : memref<640x64xf32, #tpu.memory_space<hbm>>)
        tpu.yield
      }) : () -> ()
    } else {
    }
    %eq3A_14 = arith.constant 1 : i32
    %eq3A_15 = arith.cmpi eq, %arg0, %eq3A_14 : i32
    %convert_element_type3A_16 = arith.extui %eq3A_15 : i1 to i32
    %cond3A_17 = arith.constant 0 : i32
    %cond3A_18 = arith.cmpi ne, %convert_element_type3A_16, %cond3A_17 : i32
    scf.if %cond3A_18 {
      "tpu.region"() ({
        %run_scoped3A = tpu.sem_alloc : memref<!tpu.dma_semaphore, #tpu.memory_space<semaphore_mem>>
        %dma_start3A = arith.constant 64 : i32
        %dma_start3A_19 = tpu.memref_slice %arg6[%mul3A_0, %dma_start3A] : memref<10240x128xf32, #tpu.memory_space<hbm>> -> memref<640x64xf32, #tpu.memory_space<hbm>>
        %dma_start3A_20 = arith.constant 0 : i32
        %dma_start3A_21 = tpu.memref_slice %arg7[%mul3A_0, %dma_start3A_20] : memref<10240x64xf32, #tpu.memory_space<vmem_shared>> -> memref<640x64xf32, #tpu.memory_space<vmem_shared>>
        tpu.enqueue_dma source(%dma_start3A_21 : memref<640x64xf32, #tpu.memory_space<vmem_shared>>) target(%dma_start3A_19 : memref<640x64xf32, #tpu.memory_space<hbm>>) target_semaphore(%run_scoped3A : memref<!tpu.dma_semaphore, #tpu.memory_space<semaphore_mem>>)
        %dma_wait3A = arith.constant 64 : i32
        %dma_wait3A_22 = tpu.memref_slice %arg6[%mul3A_0, %dma_wait3A] : memref<10240x128xf32, #tpu.memory_space<hbm>> -> memref<640x64xf32, #tpu.memory_space<hbm>>
        %dma_wait3A_23 = arith.constant 0 : i32
        %dma_wait3A_24 = tpu.memref_slice %arg7[%mul3A_0, %dma_wait3A_23] : memref<10240x64xf32, #tpu.memory_space<vmem_shared>> -> memref<640x64xf32, #tpu.memory_space<vmem_shared>>
        tpu.wait_dma2 semaphore(%run_scoped3A : memref<!tpu.dma_semaphore, #tpu.memory_space<semaphore_mem>>) src(%dma_wait3A_24 : memref<640x64xf32, #tpu.memory_space<vmem_shared>>) dst(%dma_wait3A_22 : memref<640x64xf32, #tpu.memory_space<hbm>>)
        tpu.yield
      }) : () -> ()
    } else {
    }
    return
  }
}

#map = affine_map<(d0, d1) -> (0, 0)>
module attributes {stable_mosaic.version = 14 : i64} {
  func.func @k(%arg0: i32, %arg1: i32, %arg2: memref<10240x128xf32, #tpu.memory_space<hbm>>, %arg3: memref<2560x128xi32, #tpu.memory_space<hbm>>, %arg4: memref<2560x128xi32, #tpu.memory_space<hbm>>, %arg5: memref<10240x128xf32, #tpu.memory_space<hbm>>, %arg6: memref<10240x128xf32, #tpu.memory_space<hbm>>, %arg7: memref<10240x128xf32, #tpu.memory_space<hbm>>, %arg8: memref<10240x128xf32, #tpu.memory_space<vmem_shared>>, %arg9: memref<40x128xi32, #tpu.memory_space<vmem>>, %arg10: memref<40x128xi32, #tpu.memory_space<vmem>>, %arg11: memref<128x128xf32, #tpu.memory_space<vmem>>, %arg12: memref<128x128xf32, #tpu.memory_space<vmem>>, %arg13: memref<!tpu.dma_semaphore, #tpu.memory_space<semaphore_mem>>, %arg14: memref<!tpu.dma_semaphore, #tpu.memory_space<semaphore_mem>>) attributes {dimension_semantics = [#tpu.dimension_semantics<core_parallel>, #tpu.dimension_semantics<subcore_parallel>], iteration_bounds = array<i64: 2, 16>, scalar_prefetch = 0 : i64, scratch_operands = 7 : i64, tpu.core_type = #tpu.core_type<sc_vector_subcore>, window_params = [{transform_indices = #map}, {transform_indices = #map}, {transform_indices = #map}, {transform_indices = #map}, {transform_indices = #map}, {transform_indices = #map}]} {
    %mul3A = arith.constant 640 : i32
    %mul3A_0 = arith.muli %arg1, %mul3A : i32
    "tpu.region"() ({
      %run_scoped3A = tpu.sem_alloc : memref<!tpu.dma_semaphore, #tpu.memory_space<semaphore_mem>>
      %dma_start3A = arith.constant 0 : i32
      %dma_start3A_19 = tpu.memref_slice %arg8[%mul3A_0, %dma_start3A] : memref<10240x128xf32, #tpu.memory_space<vmem_shared>> -> memref<640x128xf32, #tpu.memory_space<vmem_shared>>
      %dma_start3A_20 = arith.constant 0 : i32
      %dma_start3A_21 = tpu.memref_slice %arg5[%mul3A_0, %dma_start3A_20] : memref<10240x128xf32, #tpu.memory_space<hbm>> -> memref<640x128xf32, #tpu.memory_space<hbm>>
      tpu.enqueue_dma source(%dma_start3A_21 : memref<640x128xf32, #tpu.memory_space<hbm>>) target(%dma_start3A_19 : memref<640x128xf32, #tpu.memory_space<vmem_shared>>) target_semaphore(%run_scoped3A : memref<!tpu.dma_semaphore, #tpu.memory_space<semaphore_mem>>)
      %dma_wait3A = arith.constant 0 : i32
      %dma_wait3A_22 = tpu.memref_slice %arg8[%mul3A_0, %dma_wait3A] : memref<10240x128xf32, #tpu.memory_space<vmem_shared>> -> memref<640x128xf32, #tpu.memory_space<vmem_shared>>
      %dma_wait3A_23 = arith.constant 0 : i32
      %dma_wait3A_24 = tpu.memref_slice %arg5[%mul3A_0, %dma_wait3A_23] : memref<10240x128xf32, #tpu.memory_space<hbm>> -> memref<640x128xf32, #tpu.memory_space<hbm>>
      tpu.wait_dma2 semaphore(%run_scoped3A : memref<!tpu.dma_semaphore, #tpu.memory_space<semaphore_mem>>) src(%dma_wait3A_24 : memref<640x128xf32, #tpu.memory_space<hbm>>) dst(%dma_wait3A_22 : memref<640x128xf32, #tpu.memory_space<vmem_shared>>)
      tpu.yield
    }) : () -> ()
    %barrier3A = arith.constant 0 : index
    tpu.barrier barrier_id(%barrier3A)
    %eq3A = arith.constant 0 : i32
    %eq3A_1 = arith.cmpi eq, %arg0, %eq3A : i32
    %convert_element_type3A = arith.extui %eq3A_1 : i1 to i32
    %cond3A = arith.constant 0 : i32
    %cond3A_2 = arith.cmpi ne, %convert_element_type3A, %cond3A : i32
    scf.if %cond3A_2 {
      %mul3A_19 = arith.constant 80 : i32
      %mul3A_20 = arith.muli %arg1, %mul3A_19 : i32
      %scan3A = arith.constant 0 : i32
      %scan3A_21 = arith.constant 2 : i32
      %scan3A_22 = arith.addi %scan3A, %scan3A_21 : i32
      %scan3A_23 = arith.constant 1 : i32
      scf.for %scan3A_25 = %scan3A to %scan3A_22 step %scan3A_23  : i32 {
        %mul3A_26 = arith.constant 1 : i32
        %mul3A_27 = arith.muli %scan3A_25, %mul3A_26 : i32
        %add3A = arith.constant 0 : i32
        %add3A_28 = arith.addi %add3A, %mul3A_27 : i32
        %mul3A_29 = arith.constant 40 : i32
        %mul3A_30 = arith.muli %add3A_28, %mul3A_29 : i32
        %add3A_31 = arith.addi %mul3A_20, %mul3A_30 : i32
        "tpu.region"() ({
          %run_scoped3A = tpu.sem_alloc : memref<!tpu.dma_semaphore, #tpu.memory_space<semaphore_mem>>
          %dma_start3A_43 = arith.constant 0 : i32
          %dma_start3A_44 = tpu.memref_slice %arg3[%add3A_31, %dma_start3A_43] : memref<2560x128xi32, #tpu.memory_space<hbm>> -> memref<40x128xi32, #tpu.memory_space<hbm>>
          %dma_start3A_45 = arith.constant 0 : i32
          %dma_start3A_46 = tpu.memref_slice %arg3[%add3A_31, %dma_start3A_45] : memref<2560x128xi32, #tpu.memory_space<hbm>> -> memref<40x128xi32, #tpu.memory_space<hbm>>
          tpu.enqueue_dma source(%dma_start3A_46 : memref<40x128xi32, #tpu.memory_space<hbm>>) target(%arg9 : memref<40x128xi32, #tpu.memory_space<vmem>>) target_semaphore(%run_scoped3A : memref<!tpu.dma_semaphore, #tpu.memory_space<semaphore_mem>>)
          %dma_wait3A = arith.constant 0 : i32
          %dma_wait3A_47 = tpu.memref_slice %arg3[%add3A_31, %dma_wait3A] : memref<2560x128xi32, #tpu.memory_space<hbm>> -> memref<40x128xi32, #tpu.memory_space<hbm>>
          %dma_wait3A_48 = arith.constant 0 : i32
          %dma_wait3A_49 = tpu.memref_slice %arg3[%add3A_31, %dma_wait3A_48] : memref<2560x128xi32, #tpu.memory_space<hbm>> -> memref<40x128xi32, #tpu.memory_space<hbm>>
          tpu.wait_dma2 semaphore(%run_scoped3A : memref<!tpu.dma_semaphore, #tpu.memory_space<semaphore_mem>>) src(%dma_wait3A_49 : memref<40x128xi32, #tpu.memory_space<hbm>>) dst(%arg9 : memref<40x128xi32, #tpu.memory_space<vmem>>)
          tpu.yield
        }) : () -> ()
        "tpu.region"() ({
          %run_scoped3A = tpu.sem_alloc : memref<!tpu.dma_semaphore, #tpu.memory_space<semaphore_mem>>
          %dma_start3A_43 = arith.constant 0 : i32
          %dma_start3A_44 = tpu.memref_slice %arg4[%add3A_31, %dma_start3A_43] : memref<2560x128xi32, #tpu.memory_space<hbm>> -> memref<40x128xi32, #tpu.memory_space<hbm>>
          %dma_start3A_45 = arith.constant 0 : i32
          %dma_start3A_46 = tpu.memref_slice %arg4[%add3A_31, %dma_start3A_45] : memref<2560x128xi32, #tpu.memory_space<hbm>> -> memref<40x128xi32, #tpu.memory_space<hbm>>
          tpu.enqueue_dma source(%dma_start3A_46 : memref<40x128xi32, #tpu.memory_space<hbm>>) target(%arg10 : memref<40x128xi32, #tpu.memory_space<vmem>>) target_semaphore(%run_scoped3A : memref<!tpu.dma_semaphore, #tpu.memory_space<semaphore_mem>>)
          %dma_wait3A = arith.constant 0 : i32
          %dma_wait3A_47 = tpu.memref_slice %arg4[%add3A_31, %dma_wait3A] : memref<2560x128xi32, #tpu.memory_space<hbm>> -> memref<40x128xi32, #tpu.memory_space<hbm>>
          %dma_wait3A_48 = arith.constant 0 : i32
          %dma_wait3A_49 = tpu.memref_slice %arg4[%add3A_31, %dma_wait3A_48] : memref<2560x128xi32, #tpu.memory_space<hbm>> -> memref<40x128xi32, #tpu.memory_space<hbm>>
          tpu.wait_dma2 semaphore(%run_scoped3A : memref<!tpu.dma_semaphore, #tpu.memory_space<semaphore_mem>>) src(%dma_wait3A_49 : memref<40x128xi32, #tpu.memory_space<hbm>>) dst(%arg10 : memref<40x128xi32, #tpu.memory_space<vmem>>)
          tpu.yield
        }) : () -> ()
        %dma_start3A = arith.constant 0 : i32
        %dma_start3A_32 = arith.constant 0 : i32
        %dma_start3A_33 = tpu.memref_slice %arg9[%dma_start3A, %dma_start3A_32] : memref<40x128xi32, #tpu.memory_space<vmem>> -> memref<1x128xi32, #tpu.memory_space<vmem>>
        %dma_start3A_34 = tpu.memref_squeeze %dma_start3A_33 : memref<1x128xi32, #tpu.memory_space<vmem>> -> memref<128xi32, #tpu.memory_space<vmem>>
        %dma_start3A_35 = arith.constant 0 : i32
        %dma_start3A_36 = arith.constant 0 : i32
        %dma_start3A_37 = tpu.memref_slice %arg2[%dma_start3A_35, %dma_start3A_36] : memref<10240x128xf32, #tpu.memory_space<hbm>> -> memref<10240x128xf32, #tpu.memory_space<hbm>>
        tpu.enqueue_indirect_dma source(%dma_start3A_37 : memref<10240x128xf32, #tpu.memory_space<hbm>>) target(%arg11 : memref<128x128xf32, #tpu.memory_space<vmem>>) offsets(%dma_start3A_34 : memref<128xi32, #tpu.memory_space<vmem>>) semaphore(%arg13 : memref<!tpu.dma_semaphore, #tpu.memory_space<semaphore_mem>>)
        %scan3A_38 = arith.constant 0 : i32
        %scan3A_39 = arith.constant 20 : i32
        %scan3A_40 = arith.addi %scan3A_38, %scan3A_39 : i32
        %scan3A_41 = arith.constant 1 : i32
        scf.for %scan3A_43 = %scan3A_38 to %scan3A_40 step %scan3A_41  : i32 {
          %mul3A_44 = arith.constant 2 : i32
          %mul3A_45 = arith.muli %scan3A_43, %mul3A_44 : i32
          %add3A_46 = arith.constant 0 : i32
          %add3A_47 = arith.addi %add3A_46, %mul3A_45 : i32
          %add3A_48 = arith.constant 1 : i32
          %add3A_49 = arith.addi %add3A_47, %add3A_48 : i32
          %dma_start3A_50 = arith.constant 0 : i32
          %dma_start3A_51 = tpu.memref_slice %arg9[%add3A_49, %dma_start3A_50] : memref<40x128xi32, #tpu.memory_space<vmem>> -> memref<1x128xi32, #tpu.memory_space<vmem>>
          %dma_start3A_52 = tpu.memref_squeeze %dma_start3A_51 : memref<1x128xi32, #tpu.memory_space<vmem>> -> memref<128xi32, #tpu.memory_space<vmem>>
          %dma_start3A_53 = arith.constant 0 : i32
          %dma_start3A_54 = arith.constant 0 : i32
          %dma_start3A_55 = tpu.memref_slice %arg2[%dma_start3A_53, %dma_start3A_54] : memref<10240x128xf32, #tpu.memory_space<hbm>> -> memref<10240x128xf32, #tpu.memory_space<hbm>>
          tpu.enqueue_indirect_dma source(%dma_start3A_55 : memref<10240x128xf32, #tpu.memory_space<hbm>>) target(%arg12 : memref<128x128xf32, #tpu.memory_space<vmem>>) offsets(%dma_start3A_52 : memref<128xi32, #tpu.memory_space<vmem>>) semaphore(%arg14 : memref<!tpu.dma_semaphore, #tpu.memory_space<semaphore_mem>>)
          %dma_wait3A = arith.constant 0 : i32
          %dma_wait3A_56 = tpu.memref_slice %arg9[%add3A_47, %dma_wait3A] : memref<40x128xi32, #tpu.memory_space<vmem>> -> memref<1x128xi32, #tpu.memory_space<vmem>>
          %dma_wait3A_57 = tpu.memref_squeeze %dma_wait3A_56 : memref<1x128xi32, #tpu.memory_space<vmem>> -> memref<128xi32, #tpu.memory_space<vmem>>
          %dma_wait3A_58 = arith.constant 0 : i32
          %dma_wait3A_59 = arith.constant 0 : i32
          %dma_wait3A_60 = tpu.memref_slice %arg2[%dma_wait3A_58, %dma_wait3A_59] : memref<10240x128xf32, #tpu.memory_space<hbm>> -> memref<10240x128xf32, #tpu.memory_space<hbm>>
          tpu.wait_indirect_dma semaphore(%arg13 : memref<!tpu.dma_semaphore, #tpu.memory_space<semaphore_mem>>) src(%dma_wait3A_60 : memref<10240x128xf32, #tpu.memory_space<hbm>>) dst(%arg11 : memref<128x128xf32, #tpu.memory_space<vmem>>)
          "tpu.region"() ({
            %run_scoped3A = tpu.sem_alloc : memref<!tpu.dma_semaphore, #tpu.memory_space<semaphore_mem>>
            %dma_start3A_77 = arith.constant 0 : i32
            %dma_start3A_78 = tpu.memref_slice %arg10[%add3A_47, %dma_start3A_77] : memref<40x128xi32, #tpu.memory_space<vmem>> -> memref<1x128xi32, #tpu.memory_space<vmem>>
            %dma_start3A_79 = tpu.memref_squeeze %dma_start3A_78 : memref<1x128xi32, #tpu.memory_space<vmem>> -> memref<128xi32, #tpu.memory_space<vmem>>
            %dma_start3A_80 = arith.constant 0 : i32
            %dma_start3A_81 = arith.constant 0 : i32
            %dma_start3A_82 = tpu.memref_slice %arg8[%dma_start3A_80, %dma_start3A_81] : memref<10240x128xf32, #tpu.memory_space<vmem_shared>> -> memref<10240x128xf32, #tpu.memory_space<vmem_shared>>
            tpu.enqueue_indirect_dma source(%arg11 : memref<128x128xf32, #tpu.memory_space<vmem>>) target(%dma_start3A_82 : memref<10240x128xf32, #tpu.memory_space<vmem_shared>>) offsets(%dma_start3A_79 : memref<128xi32, #tpu.memory_space<vmem>>) semaphore(%run_scoped3A : memref<!tpu.dma_semaphore, #tpu.memory_space<semaphore_mem>>) {add = true}
            %dma_wait3A_83 = arith.constant 0 : i32
            %dma_wait3A_84 = tpu.memref_slice %arg10[%add3A_47, %dma_wait3A_83] : memref<40x128xi32, #tpu.memory_space<vmem>> -> memref<1x128xi32, #tpu.memory_space<vmem>>
            %dma_wait3A_85 = tpu.memref_squeeze %dma_wait3A_84 : memref<1x128xi32, #tpu.memory_space<vmem>> -> memref<128xi32, #tpu.memory_space<vmem>>
            %dma_wait3A_86 = arith.constant 0 : i32
            %dma_wait3A_87 = arith.constant 0 : i32
            %dma_wait3A_88 = tpu.memref_slice %arg8[%dma_wait3A_86, %dma_wait3A_87] : memref<10240x128xf32, #tpu.memory_space<vmem_shared>> -> memref<10240x128xf32, #tpu.memory_space<vmem_shared>>
            tpu.wait_indirect_dma semaphore(%run_scoped3A : memref<!tpu.dma_semaphore, #tpu.memory_space<semaphore_mem>>) src(%arg11 : memref<128x128xf32, #tpu.memory_space<vmem>>) dst(%dma_wait3A_88 : memref<10240x128xf32, #tpu.memory_space<vmem_shared>>)
            tpu.yield
          }) : () -> ()
          %add3A_61 = arith.constant 2 : i32
          %add3A_62 = arith.addi %add3A_47, %add3A_61 : i32
          %lt3A = arith.constant 40 : i32
          %lt3A_63 = arith.cmpi slt, %add3A_62, %lt3A : i32
          %convert_element_type3A_64 = arith.extui %lt3A_63 : i1 to i32
          %cond3A_65 = arith.constant 0 : i32
          %cond3A_66 = arith.cmpi ne, %convert_element_type3A_64, %cond3A_65 : i32
          scf.if %cond3A_66 {
            %add3A_77 = arith.constant 2 : i32
            %add3A_78 = arith.addi %add3A_47, %add3A_77 : i32
            %dma_start3A_79 = arith.constant 0 : i32
            %dma_start3A_80 = tpu.memref_slice %arg9[%add3A_78, %dma_start3A_79] : memref<40x128xi32, #tpu.memory_space<vmem>> -> memref<1x128xi32, #tpu.memory_space<vmem>>
            %dma_start3A_81 = tpu.memref_squeeze %dma_start3A_80 : memref<1x128xi32, #tpu.memory_space<vmem>> -> memref<128xi32, #tpu.memory_space<vmem>>
            %dma_start3A_82 = arith.constant 0 : i32
            %dma_start3A_83 = arith.constant 0 : i32
            %dma_start3A_84 = tpu.memref_slice %arg2[%dma_start3A_82, %dma_start3A_83] : memref<10240x128xf32, #tpu.memory_space<hbm>> -> memref<10240x128xf32, #tpu.memory_space<hbm>>
            tpu.enqueue_indirect_dma source(%dma_start3A_84 : memref<10240x128xf32, #tpu.memory_space<hbm>>) target(%arg11 : memref<128x128xf32, #tpu.memory_space<vmem>>) offsets(%dma_start3A_81 : memref<128xi32, #tpu.memory_space<vmem>>) semaphore(%arg13 : memref<!tpu.dma_semaphore, #tpu.memory_space<semaphore_mem>>)
          } else {
          }
          %add3A_67 = arith.constant 1 : i32
          %add3A_68 = arith.addi %add3A_47, %add3A_67 : i32
          %dma_wait3A_69 = arith.constant 0 : i32
          %dma_wait3A_70 = tpu.memref_slice %arg9[%add3A_68, %dma_wait3A_69] : memref<40x128xi32, #tpu.memory_space<vmem>> -> memref<1x128xi32, #tpu.memory_space<vmem>>
          %dma_wait3A_71 = tpu.memref_squeeze %dma_wait3A_70 : memref<1x128xi32, #tpu.memory_space<vmem>> -> memref<128xi32, #tpu.memory_space<vmem>>
          %dma_wait3A_72 = arith.constant 0 : i32
          %dma_wait3A_73 = arith.constant 0 : i32
          %dma_wait3A_74 = tpu.memref_slice %arg2[%dma_wait3A_72, %dma_wait3A_73] : memref<10240x128xf32, #tpu.memory_space<hbm>> -> memref<10240x128xf32, #tpu.memory_space<hbm>>
          tpu.wait_indirect_dma semaphore(%arg14 : memref<!tpu.dma_semaphore, #tpu.memory_space<semaphore_mem>>) src(%dma_wait3A_74 : memref<10240x128xf32, #tpu.memory_space<hbm>>) dst(%arg12 : memref<128x128xf32, #tpu.memory_space<vmem>>)
          %add3A_75 = arith.constant 1 : i32
          %add3A_76 = arith.addi %add3A_47, %add3A_75 : i32
          "tpu.region"() ({
            %run_scoped3A = tpu.sem_alloc : memref<!tpu.dma_semaphore, #tpu.memory_space<semaphore_mem>>
            %dma_start3A_77 = arith.constant 0 : i32
            %dma_start3A_78 = tpu.memref_slice %arg10[%add3A_76, %dma_start3A_77] : memref<40x128xi32, #tpu.memory_space<vmem>> -> memref<1x128xi32, #tpu.memory_space<vmem>>
            %dma_start3A_79 = tpu.memref_squeeze %dma_start3A_78 : memref<1x128xi32, #tpu.memory_space<vmem>> -> memref<128xi32, #tpu.memory_space<vmem>>
            %dma_start3A_80 = arith.constant 0 : i32
            %dma_start3A_81 = arith.constant 0 : i32
            %dma_start3A_82 = tpu.memref_slice %arg8[%dma_start3A_80, %dma_start3A_81] : memref<10240x128xf32, #tpu.memory_space<vmem_shared>> -> memref<10240x128xf32, #tpu.memory_space<vmem_shared>>
            tpu.enqueue_indirect_dma source(%arg12 : memref<128x128xf32, #tpu.memory_space<vmem>>) target(%dma_start3A_82 : memref<10240x128xf32, #tpu.memory_space<vmem_shared>>) offsets(%dma_start3A_79 : memref<128xi32, #tpu.memory_space<vmem>>) semaphore(%run_scoped3A : memref<!tpu.dma_semaphore, #tpu.memory_space<semaphore_mem>>) {add = true}
            %dma_wait3A_83 = arith.constant 0 : i32
            %dma_wait3A_84 = tpu.memref_slice %arg10[%add3A_76, %dma_wait3A_83] : memref<40x128xi32, #tpu.memory_space<vmem>> -> memref<1x128xi32, #tpu.memory_space<vmem>>
            %dma_wait3A_85 = tpu.memref_squeeze %dma_wait3A_84 : memref<1x128xi32, #tpu.memory_space<vmem>> -> memref<128xi32, #tpu.memory_space<vmem>>
            %dma_wait3A_86 = arith.constant 0 : i32
            %dma_wait3A_87 = arith.constant 0 : i32
            %dma_wait3A_88 = tpu.memref_slice %arg8[%dma_wait3A_86, %dma_wait3A_87] : memref<10240x128xf32, #tpu.memory_space<vmem_shared>> -> memref<10240x128xf32, #tpu.memory_space<vmem_shared>>
            tpu.wait_indirect_dma semaphore(%run_scoped3A : memref<!tpu.dma_semaphore, #tpu.memory_space<semaphore_mem>>) src(%arg12 : memref<128x128xf32, #tpu.memory_space<vmem>>) dst(%dma_wait3A_88 : memref<10240x128xf32, #tpu.memory_space<vmem_shared>>)
            tpu.yield
          }) : () -> ()
        }
        %scan3A_42 = arith.constant 20 : i32
      }
      %scan3A_24 = arith.constant 2 : i32
    } else {
    }
    %eq3A_3 = arith.constant 1 : i32
    %eq3A_4 = arith.cmpi eq, %arg0, %eq3A_3 : i32
    %convert_element_type3A_5 = arith.extui %eq3A_4 : i1 to i32
    %cond3A_6 = arith.constant 0 : i32
    %cond3A_7 = arith.cmpi ne, %convert_element_type3A_5, %cond3A_6 : i32
    scf.if %cond3A_7 {
      %mul3A_19 = arith.constant 80 : i32
      %mul3A_20 = arith.muli %arg1, %mul3A_19 : i32
      %add3A = arith.constant 1280 : i32
      %add3A_21 = arith.addi %add3A, %mul3A_20 : i32
      %scan3A = arith.constant 0 : i32
      %scan3A_22 = arith.constant 2 : i32
      %scan3A_23 = arith.addi %scan3A, %scan3A_22 : i32
      %scan3A_24 = arith.constant 1 : i32
      scf.for %scan3A_26 = %scan3A to %scan3A_23 step %scan3A_24  : i32 {
        %mul3A_27 = arith.constant 1 : i32
        %mul3A_28 = arith.muli %scan3A_26, %mul3A_27 : i32
        %add3A_29 = arith.constant 0 : i32
        %add3A_30 = arith.addi %add3A_29, %mul3A_28 : i32
        %mul3A_31 = arith.constant 40 : i32
        %mul3A_32 = arith.muli %add3A_30, %mul3A_31 : i32
        %add3A_33 = arith.addi %add3A_21, %mul3A_32 : i32
        "tpu.region"() ({
          %run_scoped3A = tpu.sem_alloc : memref<!tpu.dma_semaphore, #tpu.memory_space<semaphore_mem>>
          %dma_start3A_45 = arith.constant 0 : i32
          %dma_start3A_46 = tpu.memref_slice %arg3[%add3A_33, %dma_start3A_45] : memref<2560x128xi32, #tpu.memory_space<hbm>> -> memref<40x128xi32, #tpu.memory_space<hbm>>
          %dma_start3A_47 = arith.constant 0 : i32
          %dma_start3A_48 = tpu.memref_slice %arg3[%add3A_33, %dma_start3A_47] : memref<2560x128xi32, #tpu.memory_space<hbm>> -> memref<40x128xi32, #tpu.memory_space<hbm>>
          tpu.enqueue_dma source(%dma_start3A_48 : memref<40x128xi32, #tpu.memory_space<hbm>>) target(%arg9 : memref<40x128xi32, #tpu.memory_space<vmem>>) target_semaphore(%run_scoped3A : memref<!tpu.dma_semaphore, #tpu.memory_space<semaphore_mem>>)
          %dma_wait3A = arith.constant 0 : i32
          %dma_wait3A_49 = tpu.memref_slice %arg3[%add3A_33, %dma_wait3A] : memref<2560x128xi32, #tpu.memory_space<hbm>> -> memref<40x128xi32, #tpu.memory_space<hbm>>
          %dma_wait3A_50 = arith.constant 0 : i32
          %dma_wait3A_51 = tpu.memref_slice %arg3[%add3A_33, %dma_wait3A_50] : memref<2560x128xi32, #tpu.memory_space<hbm>> -> memref<40x128xi32, #tpu.memory_space<hbm>>
          tpu.wait_dma2 semaphore(%run_scoped3A : memref<!tpu.dma_semaphore, #tpu.memory_space<semaphore_mem>>) src(%dma_wait3A_51 : memref<40x128xi32, #tpu.memory_space<hbm>>) dst(%arg9 : memref<40x128xi32, #tpu.memory_space<vmem>>)
          tpu.yield
        }) : () -> ()
        "tpu.region"() ({
          %run_scoped3A = tpu.sem_alloc : memref<!tpu.dma_semaphore, #tpu.memory_space<semaphore_mem>>
          %dma_start3A_45 = arith.constant 0 : i32
          %dma_start3A_46 = tpu.memref_slice %arg4[%add3A_33, %dma_start3A_45] : memref<2560x128xi32, #tpu.memory_space<hbm>> -> memref<40x128xi32, #tpu.memory_space<hbm>>
          %dma_start3A_47 = arith.constant 0 : i32
          %dma_start3A_48 = tpu.memref_slice %arg4[%add3A_33, %dma_start3A_47] : memref<2560x128xi32, #tpu.memory_space<hbm>> -> memref<40x128xi32, #tpu.memory_space<hbm>>
          tpu.enqueue_dma source(%dma_start3A_48 : memref<40x128xi32, #tpu.memory_space<hbm>>) target(%arg10 : memref<40x128xi32, #tpu.memory_space<vmem>>) target_semaphore(%run_scoped3A : memref<!tpu.dma_semaphore, #tpu.memory_space<semaphore_mem>>)
          %dma_wait3A = arith.constant 0 : i32
          %dma_wait3A_49 = tpu.memref_slice %arg4[%add3A_33, %dma_wait3A] : memref<2560x128xi32, #tpu.memory_space<hbm>> -> memref<40x128xi32, #tpu.memory_space<hbm>>
          %dma_wait3A_50 = arith.constant 0 : i32
          %dma_wait3A_51 = tpu.memref_slice %arg4[%add3A_33, %dma_wait3A_50] : memref<2560x128xi32, #tpu.memory_space<hbm>> -> memref<40x128xi32, #tpu.memory_space<hbm>>
          tpu.wait_dma2 semaphore(%run_scoped3A : memref<!tpu.dma_semaphore, #tpu.memory_space<semaphore_mem>>) src(%dma_wait3A_51 : memref<40x128xi32, #tpu.memory_space<hbm>>) dst(%arg10 : memref<40x128xi32, #tpu.memory_space<vmem>>)
          tpu.yield
        }) : () -> ()
        %dma_start3A = arith.constant 0 : i32
        %dma_start3A_34 = arith.constant 0 : i32
        %dma_start3A_35 = tpu.memref_slice %arg9[%dma_start3A, %dma_start3A_34] : memref<40x128xi32, #tpu.memory_space<vmem>> -> memref<1x128xi32, #tpu.memory_space<vmem>>
        %dma_start3A_36 = tpu.memref_squeeze %dma_start3A_35 : memref<1x128xi32, #tpu.memory_space<vmem>> -> memref<128xi32, #tpu.memory_space<vmem>>
        %dma_start3A_37 = arith.constant 0 : i32
        %dma_start3A_38 = arith.constant 0 : i32
        %dma_start3A_39 = tpu.memref_slice %arg2[%dma_start3A_37, %dma_start3A_38] : memref<10240x128xf32, #tpu.memory_space<hbm>> -> memref<10240x128xf32, #tpu.memory_space<hbm>>
        tpu.enqueue_indirect_dma source(%dma_start3A_39 : memref<10240x128xf32, #tpu.memory_space<hbm>>) target(%arg11 : memref<128x128xf32, #tpu.memory_space<vmem>>) offsets(%dma_start3A_36 : memref<128xi32, #tpu.memory_space<vmem>>) semaphore(%arg13 : memref<!tpu.dma_semaphore, #tpu.memory_space<semaphore_mem>>)
        %scan3A_40 = arith.constant 0 : i32
        %scan3A_41 = arith.constant 20 : i32
        %scan3A_42 = arith.addi %scan3A_40, %scan3A_41 : i32
        %scan3A_43 = arith.constant 1 : i32
        scf.for %scan3A_45 = %scan3A_40 to %scan3A_42 step %scan3A_43  : i32 {
          %mul3A_46 = arith.constant 2 : i32
          %mul3A_47 = arith.muli %scan3A_45, %mul3A_46 : i32
          %add3A_48 = arith.constant 0 : i32
          %add3A_49 = arith.addi %add3A_48, %mul3A_47 : i32
          %add3A_50 = arith.constant 1 : i32
          %add3A_51 = arith.addi %add3A_49, %add3A_50 : i32
          %dma_start3A_52 = arith.constant 0 : i32
          %dma_start3A_53 = tpu.memref_slice %arg9[%add3A_51, %dma_start3A_52] : memref<40x128xi32, #tpu.memory_space<vmem>> -> memref<1x128xi32, #tpu.memory_space<vmem>>
          %dma_start3A_54 = tpu.memref_squeeze %dma_start3A_53 : memref<1x128xi32, #tpu.memory_space<vmem>> -> memref<128xi32, #tpu.memory_space<vmem>>
          %dma_start3A_55 = arith.constant 0 : i32
          %dma_start3A_56 = arith.constant 0 : i32
          %dma_start3A_57 = tpu.memref_slice %arg2[%dma_start3A_55, %dma_start3A_56] : memref<10240x128xf32, #tpu.memory_space<hbm>> -> memref<10240x128xf32, #tpu.memory_space<hbm>>
          tpu.enqueue_indirect_dma source(%dma_start3A_57 : memref<10240x128xf32, #tpu.memory_space<hbm>>) target(%arg12 : memref<128x128xf32, #tpu.memory_space<vmem>>) offsets(%dma_start3A_54 : memref<128xi32, #tpu.memory_space<vmem>>) semaphore(%arg14 : memref<!tpu.dma_semaphore, #tpu.memory_space<semaphore_mem>>)
          %dma_wait3A = arith.constant 0 : i32
          %dma_wait3A_58 = tpu.memref_slice %arg9[%add3A_49, %dma_wait3A] : memref<40x128xi32, #tpu.memory_space<vmem>> -> memref<1x128xi32, #tpu.memory_space<vmem>>
          %dma_wait3A_59 = tpu.memref_squeeze %dma_wait3A_58 : memref<1x128xi32, #tpu.memory_space<vmem>> -> memref<128xi32, #tpu.memory_space<vmem>>
          %dma_wait3A_60 = arith.constant 0 : i32
          %dma_wait3A_61 = arith.constant 0 : i32
          %dma_wait3A_62 = tpu.memref_slice %arg2[%dma_wait3A_60, %dma_wait3A_61] : memref<10240x128xf32, #tpu.memory_space<hbm>> -> memref<10240x128xf32, #tpu.memory_space<hbm>>
          tpu.wait_indirect_dma semaphore(%arg13 : memref<!tpu.dma_semaphore, #tpu.memory_space<semaphore_mem>>) src(%dma_wait3A_62 : memref<10240x128xf32, #tpu.memory_space<hbm>>) dst(%arg11 : memref<128x128xf32, #tpu.memory_space<vmem>>)
          "tpu.region"() ({
            %run_scoped3A = tpu.sem_alloc : memref<!tpu.dma_semaphore, #tpu.memory_space<semaphore_mem>>
            %dma_start3A_79 = arith.constant 0 : i32
            %dma_start3A_80 = tpu.memref_slice %arg10[%add3A_49, %dma_start3A_79] : memref<40x128xi32, #tpu.memory_space<vmem>> -> memref<1x128xi32, #tpu.memory_space<vmem>>
            %dma_start3A_81 = tpu.memref_squeeze %dma_start3A_80 : memref<1x128xi32, #tpu.memory_space<vmem>> -> memref<128xi32, #tpu.memory_space<vmem>>
            %dma_start3A_82 = arith.constant 0 : i32
            %dma_start3A_83 = arith.constant 0 : i32
            %dma_start3A_84 = tpu.memref_slice %arg8[%dma_start3A_82, %dma_start3A_83] : memref<10240x128xf32, #tpu.memory_space<vmem_shared>> -> memref<10240x128xf32, #tpu.memory_space<vmem_shared>>
            tpu.enqueue_indirect_dma source(%arg11 : memref<128x128xf32, #tpu.memory_space<vmem>>) target(%dma_start3A_84 : memref<10240x128xf32, #tpu.memory_space<vmem_shared>>) offsets(%dma_start3A_81 : memref<128xi32, #tpu.memory_space<vmem>>) semaphore(%run_scoped3A : memref<!tpu.dma_semaphore, #tpu.memory_space<semaphore_mem>>) {add = true}
            %dma_wait3A_85 = arith.constant 0 : i32
            %dma_wait3A_86 = tpu.memref_slice %arg10[%add3A_49, %dma_wait3A_85] : memref<40x128xi32, #tpu.memory_space<vmem>> -> memref<1x128xi32, #tpu.memory_space<vmem>>
            %dma_wait3A_87 = tpu.memref_squeeze %dma_wait3A_86 : memref<1x128xi32, #tpu.memory_space<vmem>> -> memref<128xi32, #tpu.memory_space<vmem>>
            %dma_wait3A_88 = arith.constant 0 : i32
            %dma_wait3A_89 = arith.constant 0 : i32
            %dma_wait3A_90 = tpu.memref_slice %arg8[%dma_wait3A_88, %dma_wait3A_89] : memref<10240x128xf32, #tpu.memory_space<vmem_shared>> -> memref<10240x128xf32, #tpu.memory_space<vmem_shared>>
            tpu.wait_indirect_dma semaphore(%run_scoped3A : memref<!tpu.dma_semaphore, #tpu.memory_space<semaphore_mem>>) src(%arg11 : memref<128x128xf32, #tpu.memory_space<vmem>>) dst(%dma_wait3A_90 : memref<10240x128xf32, #tpu.memory_space<vmem_shared>>)
            tpu.yield
          }) : () -> ()
          %add3A_63 = arith.constant 2 : i32
          %add3A_64 = arith.addi %add3A_49, %add3A_63 : i32
          %lt3A = arith.constant 40 : i32
          %lt3A_65 = arith.cmpi slt, %add3A_64, %lt3A : i32
          %convert_element_type3A_66 = arith.extui %lt3A_65 : i1 to i32
          %cond3A_67 = arith.constant 0 : i32
          %cond3A_68 = arith.cmpi ne, %convert_element_type3A_66, %cond3A_67 : i32
          scf.if %cond3A_68 {
            %add3A_79 = arith.constant 2 : i32
            %add3A_80 = arith.addi %add3A_49, %add3A_79 : i32
            %dma_start3A_81 = arith.constant 0 : i32
            %dma_start3A_82 = tpu.memref_slice %arg9[%add3A_80, %dma_start3A_81] : memref<40x128xi32, #tpu.memory_space<vmem>> -> memref<1x128xi32, #tpu.memory_space<vmem>>
            %dma_start3A_83 = tpu.memref_squeeze %dma_start3A_82 : memref<1x128xi32, #tpu.memory_space<vmem>> -> memref<128xi32, #tpu.memory_space<vmem>>
            %dma_start3A_84 = arith.constant 0 : i32
            %dma_start3A_85 = arith.constant 0 : i32
            %dma_start3A_86 = tpu.memref_slice %arg2[%dma_start3A_84, %dma_start3A_85] : memref<10240x128xf32, #tpu.memory_space<hbm>> -> memref<10240x128xf32, #tpu.memory_space<hbm>>
            tpu.enqueue_indirect_dma source(%dma_start3A_86 : memref<10240x128xf32, #tpu.memory_space<hbm>>) target(%arg11 : memref<128x128xf32, #tpu.memory_space<vmem>>) offsets(%dma_start3A_83 : memref<128xi32, #tpu.memory_space<vmem>>) semaphore(%arg13 : memref<!tpu.dma_semaphore, #tpu.memory_space<semaphore_mem>>)
          } else {
          }
          %add3A_69 = arith.constant 1 : i32
          %add3A_70 = arith.addi %add3A_49, %add3A_69 : i32
          %dma_wait3A_71 = arith.constant 0 : i32
          %dma_wait3A_72 = tpu.memref_slice %arg9[%add3A_70, %dma_wait3A_71] : memref<40x128xi32, #tpu.memory_space<vmem>> -> memref<1x128xi32, #tpu.memory_space<vmem>>
          %dma_wait3A_73 = tpu.memref_squeeze %dma_wait3A_72 : memref<1x128xi32, #tpu.memory_space<vmem>> -> memref<128xi32, #tpu.memory_space<vmem>>
          %dma_wait3A_74 = arith.constant 0 : i32
          %dma_wait3A_75 = arith.constant 0 : i32
          %dma_wait3A_76 = tpu.memref_slice %arg2[%dma_wait3A_74, %dma_wait3A_75] : memref<10240x128xf32, #tpu.memory_space<hbm>> -> memref<10240x128xf32, #tpu.memory_space<hbm>>
          tpu.wait_indirect_dma semaphore(%arg14 : memref<!tpu.dma_semaphore, #tpu.memory_space<semaphore_mem>>) src(%dma_wait3A_76 : memref<10240x128xf32, #tpu.memory_space<hbm>>) dst(%arg12 : memref<128x128xf32, #tpu.memory_space<vmem>>)
          %add3A_77 = arith.constant 1 : i32
          %add3A_78 = arith.addi %add3A_49, %add3A_77 : i32
          "tpu.region"() ({
            %run_scoped3A = tpu.sem_alloc : memref<!tpu.dma_semaphore, #tpu.memory_space<semaphore_mem>>
            %dma_start3A_79 = arith.constant 0 : i32
            %dma_start3A_80 = tpu.memref_slice %arg10[%add3A_78, %dma_start3A_79] : memref<40x128xi32, #tpu.memory_space<vmem>> -> memref<1x128xi32, #tpu.memory_space<vmem>>
            %dma_start3A_81 = tpu.memref_squeeze %dma_start3A_80 : memref<1x128xi32, #tpu.memory_space<vmem>> -> memref<128xi32, #tpu.memory_space<vmem>>
            %dma_start3A_82 = arith.constant 0 : i32
            %dma_start3A_83 = arith.constant 0 : i32
            %dma_start3A_84 = tpu.memref_slice %arg8[%dma_start3A_82, %dma_start3A_83] : memref<10240x128xf32, #tpu.memory_space<vmem_shared>> -> memref<10240x128xf32, #tpu.memory_space<vmem_shared>>
            tpu.enqueue_indirect_dma source(%arg12 : memref<128x128xf32, #tpu.memory_space<vmem>>) target(%dma_start3A_84 : memref<10240x128xf32, #tpu.memory_space<vmem_shared>>) offsets(%dma_start3A_81 : memref<128xi32, #tpu.memory_space<vmem>>) semaphore(%run_scoped3A : memref<!tpu.dma_semaphore, #tpu.memory_space<semaphore_mem>>) {add = true}
            %dma_wait3A_85 = arith.constant 0 : i32
            %dma_wait3A_86 = tpu.memref_slice %arg10[%add3A_78, %dma_wait3A_85] : memref<40x128xi32, #tpu.memory_space<vmem>> -> memref<1x128xi32, #tpu.memory_space<vmem>>
            %dma_wait3A_87 = tpu.memref_squeeze %dma_wait3A_86 : memref<1x128xi32, #tpu.memory_space<vmem>> -> memref<128xi32, #tpu.memory_space<vmem>>
            %dma_wait3A_88 = arith.constant 0 : i32
            %dma_wait3A_89 = arith.constant 0 : i32
            %dma_wait3A_90 = tpu.memref_slice %arg8[%dma_wait3A_88, %dma_wait3A_89] : memref<10240x128xf32, #tpu.memory_space<vmem_shared>> -> memref<10240x128xf32, #tpu.memory_space<vmem_shared>>
            tpu.wait_indirect_dma semaphore(%run_scoped3A : memref<!tpu.dma_semaphore, #tpu.memory_space<semaphore_mem>>) src(%arg12 : memref<128x128xf32, #tpu.memory_space<vmem>>) dst(%dma_wait3A_90 : memref<10240x128xf32, #tpu.memory_space<vmem_shared>>)
            tpu.yield
          }) : () -> ()
        }
        %scan3A_44 = arith.constant 20 : i32
      }
      %scan3A_25 = arith.constant 2 : i32
    } else {
    }
    %barrier3A_8 = arith.constant 0 : index
    tpu.barrier barrier_id(%barrier3A_8)
    %eq3A_9 = arith.constant 0 : i32
    %eq3A_10 = arith.cmpi eq, %arg0, %eq3A_9 : i32
    %convert_element_type3A_11 = arith.extui %eq3A_10 : i1 to i32
    %cond3A_12 = arith.constant 0 : i32
    %cond3A_13 = arith.cmpi ne, %convert_element_type3A_11, %cond3A_12 : i32
    scf.if %cond3A_13 {
      "tpu.region"() ({
        %run_scoped3A = tpu.sem_alloc : memref<!tpu.dma_semaphore, #tpu.memory_space<semaphore_mem>>
        %dma_start3A = arith.constant 0 : i32
        %dma_start3A_19 = tpu.memref_slice %arg6[%mul3A_0, %dma_start3A] : memref<10240x128xf32, #tpu.memory_space<hbm>> -> memref<640x128xf32, #tpu.memory_space<hbm>>
        %dma_start3A_20 = arith.constant 0 : i32
        %dma_start3A_21 = tpu.memref_slice %arg8[%mul3A_0, %dma_start3A_20] : memref<10240x128xf32, #tpu.memory_space<vmem_shared>> -> memref<640x128xf32, #tpu.memory_space<vmem_shared>>
        tpu.enqueue_dma source(%dma_start3A_21 : memref<640x128xf32, #tpu.memory_space<vmem_shared>>) target(%dma_start3A_19 : memref<640x128xf32, #tpu.memory_space<hbm>>) target_semaphore(%run_scoped3A : memref<!tpu.dma_semaphore, #tpu.memory_space<semaphore_mem>>)
        %dma_wait3A = arith.constant 0 : i32
        %dma_wait3A_22 = tpu.memref_slice %arg6[%mul3A_0, %dma_wait3A] : memref<10240x128xf32, #tpu.memory_space<hbm>> -> memref<640x128xf32, #tpu.memory_space<hbm>>
        %dma_wait3A_23 = arith.constant 0 : i32
        %dma_wait3A_24 = tpu.memref_slice %arg8[%mul3A_0, %dma_wait3A_23] : memref<10240x128xf32, #tpu.memory_space<vmem_shared>> -> memref<640x128xf32, #tpu.memory_space<vmem_shared>>
        tpu.wait_dma2 semaphore(%run_scoped3A : memref<!tpu.dma_semaphore, #tpu.memory_space<semaphore_mem>>) src(%dma_wait3A_24 : memref<640x128xf32, #tpu.memory_space<vmem_shared>>) dst(%dma_wait3A_22 : memref<640x128xf32, #tpu.memory_space<hbm>>)
        tpu.yield
      }) : () -> ()
    } else {
    }
    %eq3A_14 = arith.constant 1 : i32
    %eq3A_15 = arith.cmpi eq, %arg0, %eq3A_14 : i32
    %convert_element_type3A_16 = arith.extui %eq3A_15 : i1 to i32
    %cond3A_17 = arith.constant 0 : i32
    %cond3A_18 = arith.cmpi ne, %convert_element_type3A_16, %cond3A_17 : i32
    scf.if %cond3A_18 {
      "tpu.region"() ({
        %run_scoped3A = tpu.sem_alloc : memref<!tpu.dma_semaphore, #tpu.memory_space<semaphore_mem>>
        %dma_start3A = arith.constant 0 : i32
        %dma_start3A_19 = tpu.memref_slice %arg7[%mul3A_0, %dma_start3A] : memref<10240x128xf32, #tpu.memory_space<hbm>> -> memref<640x128xf32, #tpu.memory_space<hbm>>
        %dma_start3A_20 = arith.constant 0 : i32
        %dma_start3A_21 = tpu.memref_slice %arg8[%mul3A_0, %dma_start3A_20] : memref<10240x128xf32, #tpu.memory_space<vmem_shared>> -> memref<640x128xf32, #tpu.memory_space<vmem_shared>>
        tpu.enqueue_dma source(%dma_start3A_21 : memref<640x128xf32, #tpu.memory_space<vmem_shared>>) target(%dma_start3A_19 : memref<640x128xf32, #tpu.memory_space<hbm>>) target_semaphore(%run_scoped3A : memref<!tpu.dma_semaphore, #tpu.memory_space<semaphore_mem>>)
        %dma_wait3A = arith.constant 0 : i32
        %dma_wait3A_22 = tpu.memref_slice %arg7[%mul3A_0, %dma_wait3A] : memref<10240x128xf32, #tpu.memory_space<hbm>> -> memref<640x128xf32, #tpu.memory_space<hbm>>
        %dma_wait3A_23 = arith.constant 0 : i32
        %dma_wait3A_24 = tpu.memref_slice %arg8[%mul3A_0, %dma_wait3A_23] : memref<10240x128xf32, #tpu.memory_space<vmem_shared>> -> memref<640x128xf32, #tpu.memory_space<vmem_shared>>
        tpu.wait_dma2 semaphore(%run_scoped3A : memref<!tpu.dma_semaphore, #tpu.memory_space<semaphore_mem>>) src(%dma_wait3A_24 : memref<640x128xf32, #tpu.memory_space<vmem_shared>>) dst(%dma_wait3A_22 : memref<640x128xf32, #tpu.memory_space<hbm>>)
        tpu.yield
      }) : () -> ()
    } else {
    }
    return
  }
}

module attributes {stable_mosaic.version = 14 : i64} {
  func.func @_tc_h0_body(%arg0: memref<10240x128xf32, #tpu.memory_space<vmem>>, %arg1: memref<128x64xf32, #tpu.memory_space<vmem>>, %arg2: memref<1x64xf32, #tpu.memory_space<vmem>>, %arg3: memref<10240x64xf32, #tpu.memory_space<vmem>>) attributes {dimension_semantics = [], scalar_prefetch = 0 : i64, scratch_operands = 0 : i64, tpu.core_type = #tpu.core_type<tc>} {
    %get3A = arith.constant 0 : index
    %get3A_0 = arith.constant 0 : index
    %get3A_1 = vector.load %arg0[%get3A, %get3A_0] : memref<10240x128xf32, #tpu.memory_space<vmem>>, vector<10240x128xf32>
    %get3A_2 = arith.constant 0 : index
    %get3A_3 = arith.constant 0 : index
    %get3A_4 = vector.load %arg1[%get3A_2, %get3A_3] : memref<128x64xf32, #tpu.memory_space<vmem>>, vector<128x64xf32>
    %dot_general3A = arith.constant dense<0.000000e+00> : vector<10240x64xf32>
    %dot_general3A_5 = tpu.matmul %get3A_1, %get3A_4, %dot_general3A {dimension_numbers = #tpu.dot_dimension_numbers<[1], [0], [0], [1], [0, 0, 1, 1], [], []>, transpose_lhs_hint = false} : vector<10240x128xf32>, vector<128x64xf32>, vector<10240x64xf32> -> vector<10240x64xf32>
    %get3A_6 = arith.constant 0 : index
    %get3A_7 = arith.constant 0 : index
    %get3A_8 = vector.load %arg2[%get3A_6, %get3A_7] : memref<1x64xf32, #tpu.memory_space<vmem>>, vector<1x64xf32>
    %add3A = vector.broadcast %get3A_8 : vector<1x64xf32> to vector<10240x64xf32>
    %add3A_9 = arith.addf %dot_general3A_5, %add3A : vector<10240x64xf32>
    %max3A = arith.constant 0.000000e+00 : f32
    %max3A_10 = vector.broadcast %max3A : f32 to vector<10240x64xf32>
    %max3A_11 = arith.maximumf %add3A_9, %max3A_10 : vector<10240x64xf32>
    %swap3A = arith.constant 0 : index
    %swap3A_12 = arith.constant 0 : index
    %swap3A_13 = vector.load %arg3[%swap3A, %swap3A_12] : memref<10240x64xf32, #tpu.memory_space<vmem>>, vector<10240x64xf32>
    tpu.vector_store %arg3[%swap3A, %swap3A_12], %max3A_11 {strides = array<i32>} : memref<10240x64xf32, #tpu.memory_space<vmem>>, vector<10240x64xf32>,
    return
  }
}

module attributes {stable_mosaic.version = 14 : i64} {
  func.func @_tc_prep1_body(%arg0: memref<10240x64xf32, #tpu.memory_space<vmem>>, %arg1: memref<10240x128xf32, #tpu.memory_space<vmem>>, %arg2: memref<10240x1xf32, #tpu.memory_space<vmem>>, %arg3: memref<10240x64xf32, #tpu.memory_space<vmem>>) attributes {dimension_semantics = [], scalar_prefetch = 0 : i64, scratch_operands = 0 : i64, tpu.core_type = #tpu.core_type<tc>} {
    %get3A = arith.constant 0 : index
    %get3A_0 = arith.constant 0 : index
    %get3A_1 = vector.load %arg1[%get3A, %get3A_0] : memref<10240x128xf32, #tpu.memory_space<vmem>>, vector<10240x1xf32>
    %get3A_2 = arith.constant 0 : index
    %get3A_3 = arith.constant 16 : index
    %get3A_4 = vector.load %arg1[%get3A_2, %get3A_3] : memref<10240x128xf32, #tpu.memory_space<vmem>>, vector<10240x1xf32>
    %add3A = arith.addf %get3A_1, %get3A_4 : vector<10240x1xf32>
    %add3A_5 = arith.constant 1.000000e+00 : f32
    %add3A_6 = vector.broadcast %add3A_5 : f32 to vector<10240x1xf32>
    %add3A_7 = arith.addf %add3A, %add3A_6 : vector<10240x1xf32>
    %iota3A = tpu.iota {dimensions = array<i32: 0>} : vector<10240x1xi32>
    %lt3A = arith.constant 10000 : i32
    %lt3A_8 = vector.broadcast %lt3A : i32 to vector<10240x1xi32>
    %lt3A_9 = arith.cmpi slt, %iota3A, %lt3A_8 : vector<10240x1xi32>
    %rsqrt3A = math.rsqrt %add3A_7 : vector<10240x1xf32>
    %jit3A = arith.constant 0.000000e+00 : f32
    %broadcast_in_dim3A = vector.broadcast %jit3A : f32 to vector<10240x1xf32>
    %select_n3A = arith.select %lt3A_9, %rsqrt3A, %broadcast_in_dim3A : vector<10240x1xi1>, vector<10240x1xf32>
    %swap3A = arith.constant 0 : index
    %swap3A_10 = arith.constant 0 : index
    %swap3A_11 = vector.load %arg2[%swap3A, %swap3A_10] : memref<10240x1xf32, #tpu.memory_space<vmem>>, vector<10240x1xf32>
    tpu.vector_store %arg2[%swap3A, %swap3A_10], %select_n3A {strides = array<i32>} : memref<10240x1xf32, #tpu.memory_space<vmem>>, vector<10240x1xf32>,
    %get3A_12 = arith.constant 0 : index
    %get3A_13 = arith.constant 0 : index
    %get3A_14 = vector.load %arg0[%get3A_12, %get3A_13] : memref<10240x64xf32, #tpu.memory_space<vmem>>, vector<10240x64xf32>
    %mul3A = vector.broadcast %select_n3A : vector<10240x1xf32> to vector<10240x64xf32>
    %mul3A_15 = arith.mulf %mul3A, %get3A_14 : vector<10240x64xf32>
    %swap3A_16 = arith.constant 0 : index
    %swap3A_17 = arith.constant 0 : index
    %swap3A_18 = vector.load %arg3[%swap3A_16, %swap3A_17] : memref<10240x64xf32, #tpu.memory_space<vmem>>, vector<10240x64xf32>
    tpu.vector_store %arg3[%swap3A_16, %swap3A_17], %mul3A_15 {strides = array<i32>} : memref<10240x64xf32, #tpu.memory_space<vmem>>, vector<10240x64xf32>,
    return
  }
}

module attributes {stable_mosaic.version = 14 : i64} {
  func.func @_tc_mid1_body(%arg0: memref<10240x128xf32, #tpu.memory_space<vmem>>, %arg1: memref<10240x64xf32, #tpu.memory_space<vmem>>, %arg2: memref<10240x1xf32, #tpu.memory_space<vmem>>, %arg3: memref<64x128xf32, #tpu.memory_space<vmem>>, %arg4: memref<1x128xf32, #tpu.memory_space<vmem>>, %arg5: memref<1x128xf32, #tpu.memory_space<vmem>>, %arg6: memref<1x128xf32, #tpu.memory_space<vmem>>, %arg7: memref<128x128xf32, #tpu.memory_space<vmem>>, %arg8: memref<10240x128xf32, #tpu.memory_space<vmem>>) attributes {dimension_semantics = [], scalar_prefetch = 0 : i64, scratch_operands = 0 : i64, tpu.core_type = #tpu.core_type<tc>} {
    %iota3A = tpu.iota {dimensions = array<i32: 0>} : vector<10240x1xi32>
    %lt3A = arith.constant 10000 : i32
    %lt3A_0 = vector.broadcast %lt3A : i32 to vector<10240x1xi32>
    %lt3A_1 = arith.cmpi slt, %iota3A, %lt3A_0 : vector<10240x1xi32>
    %get3A = arith.constant 0 : index
    %get3A_2 = arith.constant 0 : index
    %get3A_3 = vector.load %arg2[%get3A, %get3A_2] : memref<10240x1xf32, #tpu.memory_space<vmem>>, vector<10240x1xf32>
    %get3A_4 = arith.constant 0 : index
    %get3A_5 = arith.constant 0 : index
    %get3A_6 = vector.load %arg0[%get3A_4, %get3A_5] : memref<10240x128xf32, #tpu.memory_space<vmem>>, vector<10240x64xf32>
    %get3A_7 = arith.constant 0 : index
    %get3A_8 = arith.constant 64 : index
    %get3A_9 = vector.load %arg0[%get3A_7, %get3A_8] : memref<10240x128xf32, #tpu.memory_space<vmem>>, vector<10240x64xf32>
    %add3A = arith.addf %get3A_6, %get3A_9 : vector<10240x64xf32>
    %get3A_10 = arith.constant 0 : index
    %get3A_11 = arith.constant 0 : index
    %get3A_12 = vector.load %arg1[%get3A_10, %get3A_11] : memref<10240x64xf32, #tpu.memory_space<vmem>>, vector<10240x64xf32>
    %add3A_13 = arith.addf %add3A, %get3A_12 : vector<10240x64xf32>
    %mul3A = vector.broadcast %get3A_3 : vector<10240x1xf32> to vector<10240x64xf32>
    %mul3A_14 = arith.mulf %mul3A, %add3A_13 : vector<10240x64xf32>
    %get3A_15 = arith.constant 0 : index
    %get3A_16 = arith.constant 0 : index
    %get3A_17 = vector.load %arg3[%get3A_15, %get3A_16] : memref<64x128xf32, #tpu.memory_space<vmem>>, vector<64x128xf32>
    %dot_general3A = arith.constant dense<0.000000e+00> : vector<10240x128xf32>
    %dot_general3A_18 = tpu.matmul %mul3A_14, %get3A_17, %dot_general3A {dimension_numbers = #tpu.dot_dimension_numbers<[1], [0], [0], [1], [0, 0, 1, 1], [], []>, transpose_lhs_hint = false} : vector<10240x64xf32>, vector<64x128xf32>, vector<10240x128xf32> -> vector<10240x128xf32>
    %get3A_19 = arith.constant 0 : index
    %get3A_20 = arith.constant 0 : index
    %get3A_21 = vector.load %arg4[%get3A_19, %get3A_20] : memref<1x128xf32, #tpu.memory_space<vmem>>, vector<1x128xf32>
    %add3A_22 = vector.broadcast %get3A_21 : vector<1x128xf32> to vector<10240x128xf32>
    %add3A_23 = arith.addf %dot_general3A_18, %add3A_22 : vector<10240x128xf32>
    %get3A_24 = arith.constant 0 : index
    %get3A_25 = arith.constant 0 : index
    %get3A_26 = vector.load %arg5[%get3A_24, %get3A_25] : memref<1x128xf32, #tpu.memory_space<vmem>>, vector<1x128xf32>
    %get3A_27 = arith.constant 0 : index
    %get3A_28 = arith.constant 0 : index
    %get3A_29 = vector.load %arg6[%get3A_27, %get3A_28] : memref<1x128xf32, #tpu.memory_space<vmem>>, vector<1x128xf32>
    %reduce_sum3A = arith.constant dense<0.000000e+00> : vector<128xf32>
    %reduce_sum3A_30 = vector.multi_reduction <add>, %add3A_23, %reduce_sum3A [0] : vector<10240x128xf32> to vector<128xf32>
    %div3A = arith.constant 1.024000e+04 : f32
    %div3A_31 = vector.broadcast %div3A : f32 to vector<128xf32>
    %div3A_32 = arith.divf %reduce_sum3A_30, %div3A_31 : vector<128xf32>
    %jit3A = arith.constant 0 : i32
    %reduce_sum3A_33 = arith.constant dense<0.000000e+00> : vector<128xf32>
    %reduce_sum3A_34 = vector.multi_reduction <add>, %add3A_23, %reduce_sum3A_33 [0] : vector<10240x128xf32> to vector<128xf32>
    %broadcast_in_dim3A = vector.shape_cast %reduce_sum3A_34 : vector<128xf32> to vector<1x128xf32>
    %div3A_35 = arith.constant 1.024000e+04 : f32
    %div3A_36 = vector.broadcast %div3A_35 : f32 to vector<1x128xf32>
    %div3A_37 = arith.divf %broadcast_in_dim3A, %div3A_36 : vector<1x128xf32>
    %sub3A = vector.broadcast %div3A_37 : vector<1x128xf32> to vector<10240x128xf32>
    %sub3A_38 = arith.subf %add3A_23, %sub3A : vector<10240x128xf32>
    %square3A = arith.mulf %sub3A_38, %sub3A_38 : vector<10240x128xf32>
    %convert_element_type3A = arith.sitofp %jit3A : i32 to f32
    %sub3A_39 = arith.constant 1.024000e+04 : f32
    %sub3A_40 = arith.subf %sub3A_39, %convert_element_type3A : f32
    %reduce_sum3A_41 = arith.constant dense<0.000000e+00> : vector<128xf32>
    %reduce_sum3A_42 = vector.multi_reduction <add>, %square3A, %reduce_sum3A_41 [0] : vector<10240x128xf32> to vector<128xf32>
    %div3A_43 = vector.broadcast %sub3A_40 : f32 to vector<128xf32>
    %div3A_44 = arith.divf %reduce_sum3A_42, %div3A_43 : vector<128xf32>
    %gt3A = arith.constant 0.000000e+00 : f32
    %gt3A_45 = arith.cmpf ogt, %sub3A_40, %gt3A : f32
    %jit3A_46 = arith.constant 0x7FC00000 : f32
    %broadcast_in_dim3A_47 = vector.broadcast %jit3A_46 : f32 to vector<128xf32>
    %select_n3A = arith.select %gt3A_45, %div3A_44, %broadcast_in_dim3A_47 : vector<128xf32>
    %broadcast_in_dim3A_48 = vector.shape_cast %div3A_32 : vector<128xf32> to vector<1x128xf32>
    %sub3A_49 = vector.broadcast %broadcast_in_dim3A_48 : vector<1x128xf32> to vector<10240x128xf32>
    %sub3A_50 = arith.subf %add3A_23, %sub3A_49 : vector<10240x128xf32>
    %convert_element_type3A_51 = arith.extui %lt3A_1 : vector<10240x1xi1> to vector<10240x1xi32>
    %convert_element_type3A_52 = arith.sitofp %convert_element_type3A_51 : vector<10240x1xi32> to vector<10240x1xf32>
    %broadcast_in_dim3A_53 = vector.shape_cast %select_n3A : vector<128xf32> to vector<1x128xf32>
    %add3A_54 = vector.broadcast %broadcast_in_dim3A_53 : vector<1x128xf32> to vector<10240x128xf32>
    %add3A_55 = vector.broadcast %convert_element_type3A_52 : vector<10240x1xf32> to vector<10240x128xf32>
    %add3A_56 = arith.addf %add3A_54, %add3A_55 : vector<10240x128xf32>
    %sqrt3A = math.sqrt %add3A_56 : vector<10240x128xf32>
    %div3A_57 = arith.divf %sub3A_50, %sqrt3A : vector<10240x128xf32>
    %mul3A_58 = vector.broadcast %get3A_26 : vector<1x128xf32> to vector<10240x128xf32>
    %mul3A_59 = arith.mulf %div3A_57, %mul3A_58 : vector<10240x128xf32>
    %add3A_60 = vector.broadcast %get3A_29 : vector<1x128xf32> to vector<10240x128xf32>
    %add3A_61 = arith.addf %mul3A_59, %add3A_60 : vector<10240x128xf32>
    %max3A = arith.constant 0.000000e+00 : f32
    %max3A_62 = vector.broadcast %max3A : f32 to vector<10240x128xf32>
    %max3A_63 = arith.maximumf %add3A_61, %max3A_62 : vector<10240x128xf32>
    %get3A_64 = arith.constant 0 : index
    %get3A_65 = arith.constant 0 : index
    %get3A_66 = vector.load %arg7[%get3A_64, %get3A_65] : memref<128x128xf32, #tpu.memory_space<vmem>>, vector<128x128xf32>
    %dot_general3A_67 = arith.constant dense<0.000000e+00> : vector<10240x128xf32>
    %dot_general3A_68 = tpu.matmul %max3A_63, %get3A_66, %dot_general3A_67 {dimension_numbers = #tpu.dot_dimension_numbers<[1], [0], [0], [1], [0, 0, 1, 1], [], []>, transpose_lhs_hint = false} : vector<10240x128xf32>, vector<128x128xf32>, vector<10240x128xf32> -> vector<10240x128xf32>
    %mul3A_69 = vector.broadcast %get3A_3 : vector<10240x1xf32> to vector<10240x128xf32>
    %mul3A_70 = arith.mulf %mul3A_69, %dot_general3A_68 : vector<10240x128xf32>
    %swap3A = arith.constant 0 : index
    %swap3A_71 = arith.constant 0 : index
    %swap3A_72 = vector.load %arg8[%swap3A, %swap3A_71] : memref<10240x128xf32, #tpu.memory_space<vmem>>, vector<10240x128xf32>
    tpu.vector_store %arg8[%swap3A, %swap3A_71], %mul3A_70 {strides = array<i32>} : memref<10240x128xf32, #tpu.memory_space<vmem>>, vector<10240x128xf32>,
    return
  }
}

module attributes {stable_mosaic.version = 14 : i64} {
  func.func @_tc_mid2_body(%arg0: memref<10240x128xf32, #tpu.memory_space<vmem>>, %arg1: memref<10240x128xf32, #tpu.memory_space<vmem>>, %arg2: memref<10240x128xf32, #tpu.memory_space<vmem>>, %arg3: memref<10240x1xf32, #tpu.memory_space<vmem>>, %arg4: memref<1x128xf32, #tpu.memory_space<vmem>>, %arg5: memref<1x128xf32, #tpu.memory_space<vmem>>, %arg6: memref<1x128xf32, #tpu.memory_space<vmem>>, %arg7: memref<128x64xf32, #tpu.memory_space<vmem>>, %arg8: memref<10240x64xf32, #tpu.memory_space<vmem>>) attributes {dimension_semantics = [], scalar_prefetch = 0 : i64, scratch_operands = 0 : i64, tpu.core_type = #tpu.core_type<tc>} {
    %iota3A = tpu.iota {dimensions = array<i32: 0>} : vector<10240x1xi32>
    %lt3A = arith.constant 10000 : i32
    %lt3A_0 = vector.broadcast %lt3A : i32 to vector<10240x1xi32>
    %lt3A_1 = arith.cmpi slt, %iota3A, %lt3A_0 : vector<10240x1xi32>
    %get3A = arith.constant 0 : index
    %get3A_2 = arith.constant 0 : index
    %get3A_3 = vector.load %arg3[%get3A, %get3A_2] : memref<10240x1xf32, #tpu.memory_space<vmem>>, vector<10240x1xf32>
    %get3A_4 = arith.constant 0 : index
    %get3A_5 = arith.constant 0 : index
    %get3A_6 = vector.load %arg0[%get3A_4, %get3A_5] : memref<10240x128xf32, #tpu.memory_space<vmem>>, vector<10240x128xf32>
    %get3A_7 = arith.constant 0 : index
    %get3A_8 = arith.constant 0 : index
    %get3A_9 = vector.load %arg1[%get3A_7, %get3A_8] : memref<10240x128xf32, #tpu.memory_space<vmem>>, vector<10240x128xf32>
    %add3A = arith.addf %get3A_6, %get3A_9 : vector<10240x128xf32>
    %get3A_10 = arith.constant 0 : index
    %get3A_11 = arith.constant 0 : index
    %get3A_12 = vector.load %arg2[%get3A_10, %get3A_11] : memref<10240x128xf32, #tpu.memory_space<vmem>>, vector<10240x128xf32>
    %add3A_13 = arith.addf %add3A, %get3A_12 : vector<10240x128xf32>
    %mul3A = vector.broadcast %get3A_3 : vector<10240x1xf32> to vector<10240x128xf32>
    %mul3A_14 = arith.mulf %mul3A, %add3A_13 : vector<10240x128xf32>
    %get3A_15 = arith.constant 0 : index
    %get3A_16 = arith.constant 0 : index
    %get3A_17 = vector.load %arg4[%get3A_15, %get3A_16] : memref<1x128xf32, #tpu.memory_space<vmem>>, vector<1x128xf32>
    %add3A_18 = vector.broadcast %get3A_17 : vector<1x128xf32> to vector<10240x128xf32>
    %add3A_19 = arith.addf %mul3A_14, %add3A_18 : vector<10240x128xf32>
    %get3A_20 = arith.constant 0 : index
    %get3A_21 = arith.constant 0 : index
    %get3A_22 = vector.load %arg5[%get3A_20, %get3A_21] : memref<1x128xf32, #tpu.memory_space<vmem>>, vector<1x128xf32>
    %get3A_23 = arith.constant 0 : index
    %get3A_24 = arith.constant 0 : index
    %get3A_25 = vector.load %arg6[%get3A_23, %get3A_24] : memref<1x128xf32, #tpu.memory_space<vmem>>, vector<1x128xf32>
    %reduce_sum3A = arith.constant dense<0.000000e+00> : vector<128xf32>
    %reduce_sum3A_26 = vector.multi_reduction <add>, %add3A_19, %reduce_sum3A [0] : vector<10240x128xf32> to vector<128xf32>
    %div3A = arith.constant 1.024000e+04 : f32
    %div3A_27 = vector.broadcast %div3A : f32 to vector<128xf32>
    %div3A_28 = arith.divf %reduce_sum3A_26, %div3A_27 : vector<128xf32>
    %jit3A = arith.constant 0 : i32
    %reduce_sum3A_29 = arith.constant dense<0.000000e+00> : vector<128xf32>
    %reduce_sum3A_30 = vector.multi_reduction <add>, %add3A_19, %reduce_sum3A_29 [0] : vector<10240x128xf32> to vector<128xf32>
    %broadcast_in_dim3A = vector.shape_cast %reduce_sum3A_30 : vector<128xf32> to vector<1x128xf32>
    %div3A_31 = arith.constant 1.024000e+04 : f32
    %div3A_32 = vector.broadcast %div3A_31 : f32 to vector<1x128xf32>
    %div3A_33 = arith.divf %broadcast_in_dim3A, %div3A_32 : vector<1x128xf32>
    %sub3A = vector.broadcast %div3A_33 : vector<1x128xf32> to vector<10240x128xf32>
    %sub3A_34 = arith.subf %add3A_19, %sub3A : vector<10240x128xf32>
    %square3A = arith.mulf %sub3A_34, %sub3A_34 : vector<10240x128xf32>
    %convert_element_type3A = arith.sitofp %jit3A : i32 to f32
    %sub3A_35 = arith.constant 1.024000e+04 : f32
    %sub3A_36 = arith.subf %sub3A_35, %convert_element_type3A : f32
    %reduce_sum3A_37 = arith.constant dense<0.000000e+00> : vector<128xf32>
    %reduce_sum3A_38 = vector.multi_reduction <add>, %square3A, %reduce_sum3A_37 [0] : vector<10240x128xf32> to vector<128xf32>
    %div3A_39 = vector.broadcast %sub3A_36 : f32 to vector<128xf32>
    %div3A_40 = arith.divf %reduce_sum3A_38, %div3A_39 : vector<128xf32>
    %gt3A = arith.constant 0.000000e+00 : f32
    %gt3A_41 = arith.cmpf ogt, %sub3A_36, %gt3A : f32
    %jit3A_42 = arith.constant 0x7FC00000 : f32
    %broadcast_in_dim3A_43 = vector.broadcast %jit3A_42 : f32 to vector<128xf32>
    %select_n3A = arith.select %gt3A_41, %div3A_40, %broadcast_in_dim3A_43 : vector<128xf32>
    %broadcast_in_dim3A_44 = vector.shape_cast %div3A_28 : vector<128xf32> to vector<1x128xf32>
    %sub3A_45 = vector.broadcast %broadcast_in_dim3A_44 : vector<1x128xf32> to vector<10240x128xf32>
    %sub3A_46 = arith.subf %add3A_19, %sub3A_45 : vector<10240x128xf32>
    %convert_element_type3A_47 = arith.extui %lt3A_1 : vector<10240x1xi1> to vector<10240x1xi32>
    %convert_element_type3A_48 = arith.sitofp %convert_element_type3A_47 : vector<10240x1xi32> to vector<10240x1xf32>
    %broadcast_in_dim3A_49 = vector.shape_cast %select_n3A : vector<128xf32> to vector<1x128xf32>
    %add3A_50 = vector.broadcast %broadcast_in_dim3A_49 : vector<1x128xf32> to vector<10240x128xf32>
    %add3A_51 = vector.broadcast %convert_element_type3A_48 : vector<10240x1xf32> to vector<10240x128xf32>
    %add3A_52 = arith.addf %add3A_50, %add3A_51 : vector<10240x128xf32>
    %sqrt3A = math.sqrt %add3A_52 : vector<10240x128xf32>
    %div3A_53 = arith.divf %sub3A_46, %sqrt3A : vector<10240x128xf32>
    %mul3A_54 = vector.broadcast %get3A_22 : vector<1x128xf32> to vector<10240x128xf32>
    %mul3A_55 = arith.mulf %div3A_53, %mul3A_54 : vector<10240x128xf32>
    %add3A_56 = vector.broadcast %get3A_25 : vector<1x128xf32> to vector<10240x128xf32>
    %add3A_57 = arith.addf %mul3A_55, %add3A_56 : vector<10240x128xf32>
    %max3A = arith.constant 0.000000e+00 : f32
    %max3A_58 = vector.broadcast %max3A : f32 to vector<10240x128xf32>
    %max3A_59 = arith.maximumf %add3A_57, %max3A_58 : vector<10240x128xf32>
    %get3A_60 = arith.constant 0 : index
    %get3A_61 = arith.constant 0 : index
    %get3A_62 = vector.load %arg7[%get3A_60, %get3A_61] : memref<128x64xf32, #tpu.memory_space<vmem>>, vector<128x64xf32>
    %dot_general3A = arith.constant dense<0.000000e+00> : vector<10240x64xf32>
    %dot_general3A_63 = tpu.matmul %max3A_59, %get3A_62, %dot_general3A {dimension_numbers = #tpu.dot_dimension_numbers<[1], [0], [0], [1], [0, 0, 1, 1], [], []>, transpose_lhs_hint = false} : vector<10240x128xf32>, vector<128x64xf32>, vector<10240x64xf32> -> vector<10240x64xf32>
    %mul3A_64 = vector.broadcast %get3A_3 : vector<10240x1xf32> to vector<10240x64xf32>
    %mul3A_65 = arith.mulf %mul3A_64, %dot_general3A_63 : vector<10240x64xf32>
    %swap3A = arith.constant 0 : index
    %swap3A_66 = arith.constant 0 : index
    %swap3A_67 = vector.load %arg8[%swap3A, %swap3A_66] : memref<10240x64xf32, #tpu.memory_space<vmem>>, vector<10240x64xf32>
    tpu.vector_store %arg8[%swap3A, %swap3A_66], %mul3A_65 {strides = array<i32>} : memref<10240x64xf32, #tpu.memory_space<vmem>>, vector<10240x64xf32>,
    return
  }
}

module attributes {stable_mosaic.version = 14 : i64} {
  func.func @_tc_final_body(%arg0: memref<10240x128xf32, #tpu.memory_space<vmem>>, %arg1: memref<10240x64xf32, #tpu.memory_space<vmem>>, %arg2: memref<10240x1xf32, #tpu.memory_space<vmem>>, %arg3: memref<1x64xf32, #tpu.memory_space<vmem>>, %arg4: memref<1x64xf32, #tpu.memory_space<vmem>>, %arg5: memref<1x64xf32, #tpu.memory_space<vmem>>, %arg6: memref<64x40xf32, #tpu.memory_space<vmem>>, %arg7: memref<1x40xf32, #tpu.memory_space<vmem>>, %arg8: memref<10000x40xf32, #tpu.memory_space<vmem>>) attributes {dimension_semantics = [], scalar_prefetch = 0 : i64, scratch_operands = 0 : i64, tpu.core_type = #tpu.core_type<tc>} {
    %iota3A = tpu.iota {dimensions = array<i32: 0>} : vector<10240x1xi32>
    %lt3A = arith.constant 10000 : i32
    %lt3A_0 = vector.broadcast %lt3A : i32 to vector<10240x1xi32>
    %lt3A_1 = arith.cmpi slt, %iota3A, %lt3A_0 : vector<10240x1xi32>
    %get3A = arith.constant 0 : index
    %get3A_2 = arith.constant 0 : index
    %get3A_3 = vector.load %arg2[%get3A, %get3A_2] : memref<10240x1xf32, #tpu.memory_space<vmem>>, vector<10240x1xf32>
    %get3A_4 = arith.constant 0 : index
    %get3A_5 = arith.constant 0 : index
    %get3A_6 = vector.load %arg0[%get3A_4, %get3A_5] : memref<10240x128xf32, #tpu.memory_space<vmem>>, vector<10240x64xf32>
    %get3A_7 = arith.constant 0 : index
    %get3A_8 = arith.constant 64 : index
    %get3A_9 = vector.load %arg0[%get3A_7, %get3A_8] : memref<10240x128xf32, #tpu.memory_space<vmem>>, vector<10240x64xf32>
    %add3A = arith.addf %get3A_6, %get3A_9 : vector<10240x64xf32>
    %get3A_10 = arith.constant 0 : index
    %get3A_11 = arith.constant 0 : index
    %get3A_12 = vector.load %arg1[%get3A_10, %get3A_11] : memref<10240x64xf32, #tpu.memory_space<vmem>>, vector<10240x64xf32>
    %add3A_13 = arith.addf %add3A, %get3A_12 : vector<10240x64xf32>
    %mul3A = vector.broadcast %get3A_3 : vector<10240x1xf32> to vector<10240x64xf32>
    %mul3A_14 = arith.mulf %mul3A, %add3A_13 : vector<10240x64xf32>
    %get3A_15 = arith.constant 0 : index
    %get3A_16 = arith.constant 0 : index
    %get3A_17 = vector.load %arg3[%get3A_15, %get3A_16] : memref<1x64xf32, #tpu.memory_space<vmem>>, vector<1x64xf32>
    %add3A_18 = vector.broadcast %get3A_17 : vector<1x64xf32> to vector<10240x64xf32>
    %add3A_19 = arith.addf %mul3A_14, %add3A_18 : vector<10240x64xf32>
    %get3A_20 = arith.constant 0 : index
    %get3A_21 = arith.constant 0 : index
    %get3A_22 = vector.load %arg4[%get3A_20, %get3A_21] : memref<1x64xf32, #tpu.memory_space<vmem>>, vector<1x64xf32>
    %get3A_23 = arith.constant 0 : index
    %get3A_24 = arith.constant 0 : index
    %get3A_25 = vector.load %arg5[%get3A_23, %get3A_24] : memref<1x64xf32, #tpu.memory_space<vmem>>, vector<1x64xf32>
    %reduce_sum3A = arith.constant dense<0.000000e+00> : vector<64xf32>
    %reduce_sum3A_26 = vector.multi_reduction <add>, %add3A_19, %reduce_sum3A [0] : vector<10240x64xf32> to vector<64xf32>
    %div3A = arith.constant 1.024000e+04 : f32
    %div3A_27 = vector.broadcast %div3A : f32 to vector<64xf32>
    %div3A_28 = arith.divf %reduce_sum3A_26, %div3A_27 : vector<64xf32>
    %jit3A = arith.constant 0 : i32
    %reduce_sum3A_29 = arith.constant dense<0.000000e+00> : vector<64xf32>
    %reduce_sum3A_30 = vector.multi_reduction <add>, %add3A_19, %reduce_sum3A_29 [0] : vector<10240x64xf32> to vector<64xf32>
    %broadcast_in_dim3A = vector.shape_cast %reduce_sum3A_30 : vector<64xf32> to vector<1x64xf32>
    %div3A_31 = arith.constant 1.024000e+04 : f32
    %div3A_32 = vector.broadcast %div3A_31 : f32 to vector<1x64xf32>
    %div3A_33 = arith.divf %broadcast_in_dim3A, %div3A_32 : vector<1x64xf32>
    %sub3A = vector.broadcast %div3A_33 : vector<1x64xf32> to vector<10240x64xf32>
    %sub3A_34 = arith.subf %add3A_19, %sub3A : vector<10240x64xf32>
    %square3A = arith.mulf %sub3A_34, %sub3A_34 : vector<10240x64xf32>
    %convert_element_type3A = arith.sitofp %jit3A : i32 to f32
    %sub3A_35 = arith.constant 1.024000e+04 : f32
    %sub3A_36 = arith.subf %sub3A_35, %convert_element_type3A : f32
    %reduce_sum3A_37 = arith.constant dense<0.000000e+00> : vector<64xf32>
    %reduce_sum3A_38 = vector.multi_reduction <add>, %square3A, %reduce_sum3A_37 [0] : vector<10240x64xf32> to vector<64xf32>
    %div3A_39 = vector.broadcast %sub3A_36 : f32 to vector<64xf32>
    %div3A_40 = arith.divf %reduce_sum3A_38, %div3A_39 : vector<64xf32>
    %gt3A = arith.constant 0.000000e+00 : f32
    %gt3A_41 = arith.cmpf ogt, %sub3A_36, %gt3A : f32
    %jit3A_42 = arith.constant 0x7FC00000 : f32
    %broadcast_in_dim3A_43 = vector.broadcast %jit3A_42 : f32 to vector<64xf32>
    %select_n3A = arith.select %gt3A_41, %div3A_40, %broadcast_in_dim3A_43 : vector<64xf32>
    %broadcast_in_dim3A_44 = vector.shape_cast %div3A_28 : vector<64xf32> to vector<1x64xf32>
    %sub3A_45 = vector.broadcast %broadcast_in_dim3A_44 : vector<1x64xf32> to vector<10240x64xf32>
    %sub3A_46 = arith.subf %add3A_19, %sub3A_45 : vector<10240x64xf32>
    %convert_element_type3A_47 = arith.extui %lt3A_1 : vector<10240x1xi1> to vector<10240x1xi32>
    %convert_element_type3A_48 = arith.sitofp %convert_element_type3A_47 : vector<10240x1xi32> to vector<10240x1xf32>
    %broadcast_in_dim3A_49 = vector.shape_cast %select_n3A : vector<64xf32> to vector<1x64xf32>
    %add3A_50 = vector.broadcast %broadcast_in_dim3A_49 : vector<1x64xf32> to vector<10240x64xf32>
    %add3A_51 = vector.broadcast %convert_element_type3A_48 : vector<10240x1xf32> to vector<10240x64xf32>
    %add3A_52 = arith.addf %add3A_50, %add3A_51 : vector<10240x64xf32>
    %sqrt3A = math.sqrt %add3A_52 : vector<10240x64xf32>
    %div3A_53 = arith.divf %sub3A_46, %sqrt3A : vector<10240x64xf32>
    %mul3A_54 = vector.broadcast %get3A_22 : vector<1x64xf32> to vector<10240x64xf32>
    %mul3A_55 = arith.mulf %div3A_53, %mul3A_54 : vector<10240x64xf32>
    %add3A_56 = vector.broadcast %get3A_25 : vector<1x64xf32> to vector<10240x64xf32>
    %add3A_57 = arith.addf %mul3A_55, %add3A_56 : vector<10240x64xf32>
    %max3A = arith.constant 0.000000e+00 : f32
    %max3A_58 = vector.broadcast %max3A : f32 to vector<10240x64xf32>
    %max3A_59 = arith.maximumf %add3A_57, %max3A_58 : vector<10240x64xf32>
    %get3A_60 = arith.constant 0 : index
    %get3A_61 = arith.constant 0 : index
    %get3A_62 = vector.load %arg6[%get3A_60, %get3A_61] : memref<64x40xf32, #tpu.memory_space<vmem>>, vector<64x40xf32>
    %dot_general3A = arith.constant dense<0.000000e+00> : vector<10240x40xf32>
    %dot_general3A_63 = tpu.matmul %max3A_59, %get3A_62, %dot_general3A {dimension_numbers = #tpu.dot_dimension_numbers<[1], [0], [0], [1], [0, 0, 1, 1], [], []>, transpose_lhs_hint = false} : vector<10240x64xf32>, vector<64x40xf32>, vector<10240x40xf32> -> vector<10240x40xf32>
    %get3A_64 = arith.constant 0 : index
    %get3A_65 = arith.constant 0 : index
    %get3A_66 = vector.load %arg7[%get3A_64, %get3A_65] : memref<1x40xf32, #tpu.memory_space<vmem>>, vector<1x40xf32>
    %add3A_67 = vector.broadcast %get3A_66 : vector<1x40xf32> to vector<10240x40xf32>
    %add3A_68 = arith.addf %dot_general3A_63, %add3A_67 : vector<10240x40xf32>
    %reduce_max3A = arith.constant dense<0xFF800000> : vector<10240xf32>
    %reduce_max3A_69 = vector.multi_reduction <maximumf>, %add3A_68, %reduce_max3A [1] : vector<10240x40xf32> to vector<10240xf32>
    %broadcast_in_dim3A_70 = vector.shape_cast %reduce_max3A_69 : vector<10240xf32> to vector<10240x1xf32>
    %sub3A_71 = vector.broadcast %broadcast_in_dim3A_70 : vector<10240x1xf32> to vector<10240x40xf32>
    %sub3A_72 = arith.subf %add3A_68, %sub3A_71 : vector<10240x40xf32>
    %exp3A = math.exp %sub3A_72 : vector<10240x40xf32>
    %reduce_sum3A_73 = arith.constant dense<0.000000e+00> : vector<10240xf32>
    %reduce_sum3A_74 = vector.multi_reduction <add>, %exp3A, %reduce_sum3A_73 [1] : vector<10240x40xf32> to vector<10240xf32>
    %broadcast_in_dim3A_75 = vector.shape_cast %reduce_sum3A_74 : vector<10240xf32> to vector<10240x1xf32>
    %log3A = math.log %broadcast_in_dim3A_75 : vector<10240x1xf32>
    %add3A_76 = arith.addf %broadcast_in_dim3A_70, %log3A : vector<10240x1xf32>
    %sub3A_77 = vector.broadcast %add3A_76 : vector<10240x1xf32> to vector<10240x40xf32>
    %sub3A_78 = arith.subf %add3A_68, %sub3A_77 : vector<10240x40xf32>
    %slice3A = vector.extract_strided_slice %sub3A_78 {offsets = [0, 0], sizes = [10000, 40], strides = [1, 1]} : vector<10240x40xf32> to vector<10000x40xf32>
    %swap3A = arith.constant 0 : index
    %swap3A_79 = arith.constant 0 : index
    %swap3A_80 = vector.load %arg8[%swap3A, %swap3A_79] : memref<10000x40xf32, #tpu.memory_space<vmem>>, vector<10000x40xf32>
    tpu.vector_store %arg8[%swap3A, %swap3A_79], %slice3A {strides = array<i32>} : memref<10000x40xf32, #tpu.memory_space<vmem>>, vector<10000x40xf32>,
    return
  }
}

</mosaic_0001>

<sc_bundles>
// kernel: kernel.11.cloned.1.call-start
scs
__scs_entry_jumppad:
0x0: {  	(pc) =	sbr.rel $0x88, $3  }
0x1: {  	(tag) =	ssettag $0x0;
	lr =	simm.s32 $0x1  }
0x2: {  	[smem:$0x3F8F] =	sst lr;
	_ =	strace $0xD0000000  }
0x3: {  	_ = 	snop  }
0x4: {  	_ = 	snop  }
0x5: {  	_ = 	snop  }
0x6: {  	_ = 	snop  }
0x7: {  	_ = 	snop  }
__scs_overlays_trampoline_lowered:
0x8: {  	[smem:$0x3F9E] =	sst s0  }
0x9: {  	[smem:$0x3F9F] =	sst s1  }
0xa: {  	[smem:$0x3FA0] =	sst s2  }
0xb: {  	[smem:$0x3FA1] =	sst s3  }
0xc: {  	[smem:$0x3FA2] =	sst s4  }
0xd: {  	[smem:$0x3FA3] =	sst s5  }
0xe: {  	[smem:$0x3FA4] =	sst s6  }
0xf: {  	[smem:$0x3FA5] =	sst s7  }
0x10: {  	[smem:$0x3FA6] =	sst s8  }
0x11: {  	[smem:$0x3FA7] =	sst s9;
	s0 =	simm.s32 @!p0 $0x0  }
0x12: {  	s1 =	sld [smem:$0x3F8D];
	s0 =	simm.s32 @p0 $0x1  }
0x13: {  	[smem:$0x3FA8] =	sst s0;
	s0 =	simm.s32 @!p1 $0x0  }
0x14: {  	s2 =	sld [smem:$0x3F8C];
	s0 =	simm.s32 @p1 $0x1  }
0x15: {  	[smem:$0x3FA9] =	sst s0;
	s0 =	simm.s32 @!p2 $0x0  }
0x16: {  	s3 =	sld [smem:$0x3FDB];
	s0 =	simm.s32 @p2 $0x1  }
0x17: {  	s4 =	simm.s32 $0x1BF5;
	[smem:$0x3FAB] =	sst s0  }
0x18: {  	s0 =	sld [smem:$0x3F8E];
	_ =	swait.ge [sflag:s4], $0x0  }
0x19: {  	s7 =	sld [smem:$0x3F8F]  }
0x1a: {  	s8 =	sadd.s32 $0xFFFFE003, lr  }
0x1b: {  	s9 =	sadd.s32 $0xFFFFFEF7, lr;
	s5 =	simm.s32 $0xFFFFFFFF;
	p2 =	slt.u32 s8, $0xFFFFF086  }
0x1c: {  	p1 =	slt.u32 s9, $0xF7A;
	s5 =	simm.s32 @!p2 $0x0  }
0x1d: {  	s5 =	simm.s32 @p1 $0x1;
	p0 =	seq.s32 s7, s2  }
0x1e: {  	s7 =	smul.u32 @!p0 $0xF7A, s2;
	p2 =	seq.s32 @!p0 s5, $0x0  }
0x1f: {  	s9 =	smul.u32 $0xF7A, s1;
	s8 =	simm.s32 @!p0 $0x1BF5;
	p2 =	por !p2, p0  }
0x20: {  	[sflag:s8] =	ssyncset.s32 @!p0 $0xFFFFF086;
	s6 =	sadd.s32 @!p0 s3, s7;
	s7 =	simm.s32 @!p0 $0x108  }
0x21: {  	s3 =	sadd.s32 s3, s9;
	s6 =	sadd.s32 @!p0 $0x88, s6;
	s7 =	simm.s32 @p2 $0x1082  }
0x22: {  	[simem:s7], [sflag:s8] =	dma.local @!p0 [hbm:s6], $0xF7A  }
0x23: {  	s9 =	sor.u32 $0xD0000000, s2;
	s6 =	simm.s32 $0x108;
	_ =	swait.ge @!p0 [sflag:s8], $0x0  }
0x24: {  	s3 =	sadd.s32 $0x88, s3;
	s6 =	simm.s32 @!p1 $0x1082;
	[sflag:s4] =	ssyncset.s32 $0xFFFFF086  }
0x25: {  	[simem:s6], [sflag:s4] =	dma.local [hbm:s3], $0xF7A  }
0x26: {  	[smem:$0x3F8F] =	sst s1;
	(tag) =	ssettag s2;
	_ =	strace s9  }
0x27: {  	s1 =	sld [smem:$0x3F9F]  }
0x28: {  	s2 =	sld [smem:$0x3FA0]  }
0x29: {  	s4 =	sld [smem:$0x3FA2]  }
0x2a: {  	p0 =	seq.s32 s5, $0x0;
	s5 =	sld [smem:$0x3FA3]  }
0x2b: {  	s6 =	sld [smem:$0x3FA4]  }
0x2c: {  	s7 =	sld [smem:$0x3FA5]  }
0x2d: {  	s3 =	simm.s32 $0x108;
	s8 =	sld [smem:$0x3FA6]  }
0x2e: {  	s3 =	simm.s32 @!p0 $0x1082;
	s9 =	sld [smem:$0x3FA7]  }
0x2f: {  	lr =	sadd.s32 s0, s3;
	s0 =	sld [smem:$0x3F9E]  }
0x30: {  	s3 =	sld [smem:$0x3FA1]  }
0x31: {  	[smem:$0x3FAA] =	sst s10  }
0x32: {  	s10 =	sld [smem:$0x3FA8];
	_ =	sdelay $0x3  }
0x33: {  	p0 =	seq.s32 s10, $0x1;
	s10 =	sld [smem:$0x3FAA];
	_ =	sdelay $0x3  }
0x34: {  	[smem:$0x3FAA] =	sst s10  }
0x35: {  	s10 =	sld [smem:$0x3FA9];
	_ =	sdelay $0x3  }
0x36: {  	p1 =	seq.s32 s10, $0x1;
	s10 =	sld [smem:$0x3FAA];
	_ =	sdelay $0x3  }
0x37: {  	[smem:$0x3FAA] =	sst s10  }
0x38: {  	s10 =	sld [smem:$0x3FAB]  }
0x39: {  	_ = 	snop;
	(pc) =	sbr.ind lr, $3  }
0x3a: {  	_ = 	snop  }
0x3b: {  	_ = 	snop  }
0x3c: {  	p2 =	seq.s32 s10, $0x1;
	s10 =	sld [smem:$0x3FAA]  }
0x3d: {  	_ =	shalt  }
0x3e: {  	_ =	shalt  }
0x3f: {  	_ =	shalt  }
0x40: {  	_ =	shalt  }
0x41: {  	_ =	shalt  }
0x42: {  	_ =	shalt  }
0x43: {  	_ =	shalt  }
0x44: {  	_ =	shalt  }
0x45: {  	_ =	shalt  }
0x46: {  	_ =	shalt  }
0x47: {  	_ =	shalt  }
0x48: {  	_ =	shalt  }
0x49: {  	_ =	shalt  }
0x4a: {  	_ =	shalt  }
0x4b: {  	_ =	shalt  }
0x4c: {  	_ =	shalt  }
0x4d: {  	_ =	shalt  }
0x4e: {  	_ =	shalt  }
0x4f: {  	_ =	shalt  }
0x50: {  	_ =	shalt  }
0x51: {  	_ =	shalt  }
0x52: {  	_ =	shalt  }
0x53: {  	_ =	shalt  }
0x54: {  	_ =	shalt  }
0x55: {  	_ =	shalt  }
0x56: {  	_ =	shalt  }
0x57: {  	_ =	shalt  }
0x58: {  	_ =	shalt  }
0x59: {  	_ =	shalt  }
0x5a: {  	_ =	shalt  }
0x5b: {  	_ =	shalt  }
0x5c: {  	_ =	shalt  }
0x5d: {  	_ =	shalt  }
0x5e: {  	_ =	shalt  }
0x5f: {  	_ =	shalt  }
0x60: {  	_ =	shalt  }
0x61: {  	_ =	shalt  }
0x62: {  	_ =	shalt  }
0x63: {  	_ =	shalt  }
0x64: {  	_ =	shalt  }
0x65: {  	_ =	shalt  }
0x66: {  	_ =	shalt  }
0x67: {  	_ =	shalt  }
0x68: {  	_ =	shalt  }
0x69: {  	_ =	shalt  }
0x6a: {  	_ =	shalt  }
0x6b: {  	_ =	shalt  }
0x6c: {  	_ =	shalt  }
0x6d: {  	_ =	shalt  }
0x6e: {  	_ =	shalt  }
0x6f: {  	_ =	shalt  }
0x70: {  	_ =	shalt  }
0x71: {  	_ =	shalt  }
0x72: {  	_ =	shalt  }
0x73: {  	_ =	shalt  }
0x74: {  	_ =	shalt  }
0x75: {  	_ =	shalt  }
0x76: {  	_ =	shalt  }
0x77: {  	_ =	shalt  }
0x78: {  	_ =	shalt  }
0x79: {  	_ =	shalt  }
0x7a: {  	_ =	shalt  }
0x7b: {  	_ =	shalt  }
0x7c: {  	_ =	shalt  }
0x7d: {  	_ =	shalt  }
0x7e: {  	_ =	shalt  }
0x7f: {  	_ =	shalt  }
0x80: {  	_ =	shalt  }
0x81: {  	_ =	shalt  }
0x82: {  	_ =	shalt  }
0x83: {  	_ =	shalt  }
0x84: {  	_ =	shalt  }
0x85: {  	_ =	shalt  }
0x86: {  	_ =	shalt  }
0x87: {  	_ =	shalt  }
.Lfunc_end0:
.L_simem_size_0:
called_computation_lowered:
.L_overlay_start_0:
0x88: {  	s2 =	sld [smem:$0x3FD9]  }
0x89: {  	s3 =	sld [smem:$0x3FFE];
	_ =	sdelay $0x1  }
0x8a: {  	s1 =	srdreg.scid  }
0x8b: {  	s0 =	sand.u32 $0x1, s1  }
0x8c: {  	s16 =	sshll.u32 s0, $0xA;
	s2 =	sadd.s32 s3, s2  }
0x8d: {  	s2 =	sadd.s32 s2, s16  }
0x8e: {  	[smem:$0x3FB6] =	sst s2  }
0x8f: {  	_ = 	snop  }
0x90: {  	(tm) =	ssettm $0x1  }
0x91: {  	s17 =	sld [smem:$0x3FFB];
	_ =	sdelay $0x3  }
0x92: {  	_ =	strace s17  }
0x93: {  	s2 =	sld [smem:$0x3FFC];
	_ =	sdelay $0x3  }
0x94: {  	_ =	strace s2  }
0x95: {  	s2 =	sld [smem:$0x3FFD];
	_ =	sdelay $0x3  }
0x96: {  	_ =	strace s2  }
0x97: {  	_ =	strace $0x8FFFFFFF  }
0x98: {  	s18 =	sld [smem:$0x3FDB];
	_ =	sdelay $0x1  }
0x99: {  	s19 =	simm.s32 $_scs_section_size  }
0x9a: {  	s4 =	simm.s32 $_size__tile_overlayer_lowered;
	s5 =	simm.s32 $_tile_overlayer_lowered  }
0x9b: {  	s22 =	simm.s32 $0x1BFF;
	s21 =	sshll.u32 s5, $0x1;
	s2 =	sadd.s32 s19, s18  }
0x9c: {  	s6 =	simm.s32 $0x0;
	s20 =	sshll.u32 s4, $0x1;
	s4 =	sadd.s32 s21, s2  }
0x9d: {  	[timem:s6], [sflag:s22] =	dma.local [hbm:s4], s20  }
0x9e: {  	_ =	swait.ge [sflag:s22], s20  }
0x9f: {  	s3 =	ssub.s32 $0x0, s20;
	[sflag:s22] =	ssyncset.done $0x0  }
0xa0: {  	[sflag:s22] =	ssyncadd.s32 s3;
	_ =	sdelay $0x1  }
0xa1: {  	s23 =	simm.s32 $0x1B8B  }
0xa2: {  	_ =	swait.ge [sflag:s23], $0x1  }
0xa3: {  	[sflag:s23] =	ssyncset.done $0x0  }
0xa4: {  	s25 =	simm.s32 $0x1B8E;
	s24 =	sld [smem:$0x3FFE];
	[sflag:s23] =	ssyncadd.s32 $0xFFFFFFFF  }
0xa5: {  	s26 =	simm.s32 $execute0_lowered;
	[smem:$0x3FD2] =	sst s25  }
0xa6: {  	s4 =	sshll.u32 s26, $0x1;
	_ =	strace $0x80000046;
	[dreg:$0x1] =	wrdreg $0xFFFFFFFF  }
0xa7: {  	s28 =	simm.s32 $_size_execute0_lowered;
	s2 =	sadd.s32 s2, s4;
	[dreg:$0x0] =	wrdreg $0x0  }
0xa8: {  	s4 =	sshll.u32 s28, $0x1;
	[dreg:$0x2] =	wrdreg s2  }
0xa9: {  	[dreg:$0x3] =	wrdreg s4  }
0xaa: {  	[dreg:$0x4] =	wrdreg $0xC0  }
0xab: {  	_ =	task [dreg:s6], $0x5FFFF  }
0xac: {  	[dreg:$0x1] =	wrdreg $0xFFFFFFFF  }
0xad: {  	[dreg:$0x0] =	wrdreg $0x60  }
0xae: {  	[dreg:$0x2] =	wrdreg s24  }
0xaf: {  	[dreg:$0x3] =	wrdreg $0x0  }
0xb0: {  	[dreg:$0x4] =	wrdreg $0x9  }
0xb1: {  	_ =	task.clear_ibuf [dreg:s6], $0x5FFFF;
	_ =	strace $0x90000046  }
0xb2: {  	s29 =	simm.s32 $0x9;
	_ =	strace $0x80000048  }
0xb3: {  	_ =	swait.ge [sflag:s29], $0x1  }
0xb4: {  	[sflag:s29] =	ssyncadd.s32 $0xFFFFFFFF  }
0xb5: {  	_ =	strace $0x90000048  }
0xb6: {  	_ =	sfence  }
0xb7: {  	s30 =	sld [smem:$0x0];
	_ =	sdelay $0x2  }
0xb8: {  	s31 =	sshll.u32 s1, $0xD;
	s1 =	sshrl.u32 s1, $0x2  }
0xb9: {  	s3 =	sand.u32 $0x4000, s31;
	s1 =	sadd.s32 s1, s30  }
0xba: {  	s0 =	sor.u32 s3, s0;
	s1 =	sshll.u32 s1, $0x11  }
0xbb: {  	s0 =	sor.u32 s1, s0  }
0xbc: {  	s0 =	sadd.s32 $0x8F2B, s0  }
0xbd: {  	[sflag:s0] =	ssyncadd.remote.s32 $0x1  }
0xbe: {  	_ =	sfence.sel $0xFFFF  }
0xbf: {  	[dreg:$0x0] =	wrdreg $0xFFFFFFFF;
	(pc) =	sbr.abs _section_cstart, $3  }
0xc0: {  	[dreg:$0x1] =	wrdreg $0xFFFFFFFF  }
0xc1: {  	_ =	task.clear_ibuf [dreg:s6], $0x2FFFF;
	_ =	strace $0x9FFFFFFF  }
0xc2: {  	(tm) =	ssettm $0x7FFFFFFF  }
0xc3: {  	_ =	shalt  }
tec
execute0_lowered:
.L_overlay_start_1:
0x0: {  	(tag) =	ssettag $0x1  }
0x1: {  	s5 =	srdreg.scid  }
0x2: {  	s8 =	rddreg [dreg:$0x0];
	s0 =	stileid.u32  }
0x3: {  	s2 =	rddreg [dreg:$0x1];
	s3 =	simm.s32 $0x0;
	s15 =	simm.s32 $0x80  }
0x4: {  	s16 =	simm.s32 $0x10;
	s17 =	simm.s32 $0x2;
	s18 =	simm.s32 $0x0  }
0x5: {  	s6 =	sand.u32 $0x1, s5;
	[smem:$0x7FF] =	sst s3;
	s9 =	smul.u32 $0x2800, s0  }
0x6: {  	s5 =	sshll.u32 s5, $0x1;
	s30 =	sshll.u32 s0, $0x6;
	s1 =	sshll.u32 s6, $0x4  }
0x7: {  	s6 =	ssub.s32 $0x2, s6;
	s5 =	sand.u32 $0x2, s5;
	s11 =	sor.u32 s0, s1  }
0x8: {  	s1 =	rddreg [dreg:$0x2];
	_ =	strace $0x80000047;
	s10 =	sshrl.u32 s9, $0x3  }
0x9: {  	s12 =	sshrl.u32 s6, $0x1;
	s13 =	sadd.s32 s5, s8;
	s14 =	sadd.s32 s9, s2  }
0xa: {  	s4 =	smul.u32 $0x4E0, s11;
	s10 =	sadd.s32 s10, s8;
	s12 =	ssub.s32 s6, s12  }
.Ltmp0:
0xb: {  	s6 =	sor.u32 $0x1C01, s30;
	s31 =	sadd.s32 s9, s13;
	(pc) =	sbr.rel .LBB2_1-.Ltmp0, $4  }
0xc: {  	p0 =	seq.s32 s11, $0x1F;
	s11 =	sshrl.u32 s14, $0x3;
	s13 =	simm.s32 $0x5100  }
0xd: {  	s14 =	simm.s32 $0x2800;
	s5 =	sadd.s32 $0xF600, s10;
	s9 =	smax.u32 s12, $0x1  }
0xe: {  	s10 =	sadd.s32 $0x14800, s31;
	s12 =	simm.s32 $0x1;
	s7 =	sadd.s32 s4, s8  }
0xf: {  	s4 =	sadd.s32 $0x14600, s8;
	s8 =	sadd.s32 $0xEF20, s8;
	s7 =	sadd.s32 $0x5800, s7  }
.LBB2_7:
0x10: {  	[sflag:s12] =	ssyncset.done $0x0  }
0x11: {  	[sflag:s12] =	ssyncadd.s32 $0xFFFFF800  }
.LBB2_8:
0x12: {  	s18 =	sadd.s32 $0x1, s18  }
0x13: {  	p1 =	sne.s32 s18, s9  }
.Ltmp1:
0x14: {  	[bflag:$0x0] =	sbarrier.arrive $0xFFFF;
	(pc) =	sbr.rel @!p1 .LBB2_9-.Ltmp1, $4  }
0x15: {  	[hbm:s10@s16], [sflag:s6] =	dma.strided [spmem:s11@s17], $0x500, s12, $0x2   }
0x16: {  	_ =	swait.ge [sflag:s12], $0x500  }
0x17: {  	[sflag:s12] =	ssyncset.done $0x0  }
0x18: {  	[sflag:s12] =	ssyncadd.s32 $0xFFFFFB00  }
.LBB2_1:
0x19: {  	[spmem:s11], [sflag:s6] =	dma.local [hbm:s5], $0x500  }
0x1a: {  	_ =	swait.ge [sflag:s12], $0x500  }
0x1b: {  	[sflag:s12] =	ssyncset.done $0x0  }
0x1c: {  	[sflag:s12] =	ssyncadd.s32 $0xFFFFFB00  }
0x1d: {  	[tilespmem:s13], [sflag:$0x1] =	stream.linear.gather [hbm4b:s4+s3], $0x800, $0x38;
	[tilespmem:$0x5900] =	vst v63  }
.Ltmp2:
0x1e: {  	_ =	swait.ge [sflag:s12], $0x800;
	(pc) =	sbr.rel @!p0 .LBB2_2-.Ltmp2, $4  }
0x1f: {  	[sflag:s12] =	ssyncset.done $0x0  }
0x20: {  	[sflag:s12] =	ssyncadd.s32 $0xFFFFF800  }
0x21: {  	[bflag:$0x0] =	sbarrier.arrive $0xFFFF  }
0x22: {  	s19 =	simm.s32 $0x0  }
0x23: {  	[tilespmem:s14], [sflag:$0x1] =	stream.linear.gather [hbm4b:s8+s19], $0x2900, $0x38;
	[tilespmem:$0x5900] =	vst v63  }
0x24: {  	_ =	swait.ge [sflag:s12], $0x2900  }
0x25: {  	[sflag:s12] =	ssyncset.done $0x0  }
0x26: {  	s31 =	simm.s32 $0x2800;
	[sflag:s12] =	ssyncadd.s32 $0xFFFFD700  }
0x27: {  	[spmem:s2] =	stream.indirect.scatter.add.f32 [tilespmem:s13], [sflag:$0x1], $0x10, s31, s15, $0xb8;
	[tilespmem:$0x5900] =	vst v63  }
0x28: {  	s19 =	simm.s32 $0x200;
	_ =	swait.ge [sflag:s12], $0x800  }
.LBB2_6:
0x29: {  	s20 =	sshra.s32 s19, $0x2;
	[sflag:s12] =	ssyncset.done $0x0;
	p1 =	sne.s32 s19, $0xA200  }
.Ltmp3:
0x2a: {  	s20 =	sadd.s32 $0x2800, s20;
	[sflag:s12] =	ssyncadd.s32 $0xFFFFF800;
	(pc) =	sbr.rel @p1 .LBB2_6-.Ltmp3, $3  }
0x2b: {  	[spmem:s2] =	stream.indirect.scatter.add.f32 [tilespmem:s13], [sflag:$0x1], $0x10, s20, s15, $0xb8;
	[tilespmem:$0x5900] =	vst v63  }
0x2c: {  	s19 =	sadd.s32 $0x200, s19;
	_ =	sdelay $0x1  }
0x2d: {  	_ =	swait.ge [sflag:s12], $0x800  }
.Ltmp4:
0x2e: {  	_ = 	snop;
	(pc) =	sbr.rel .LBB2_7-.Ltmp4, $1  }
0x2f: {  	_ =	sdelay $0x3  }
.LBB2_2:
0x30: {  	[tilespmem:s14], [sflag:$0x1] =	stream.linear.gather [hbm4b:s7+s19], $0x2700, $0x38;
	[tilespmem:$0x5900] =	vst v63  }
0x31: {  	_ =	swait.ge [sflag:s12], $0x2700  }
0x32: {  	[sflag:s12] =	ssyncset.done $0x0  }
0x33: {  	s31 =	simm.s32 $0x2800;
	[sflag:s12] =	ssyncadd.s32 $0xFFFFD900  }
0x34: {  	[spmem:s2] =	stream.indirect.scatter.add.f32 [tilespmem:s13], [sflag:$0x1], $0x10, s31, s15, $0xb8;
	[tilespmem:$0x5900] =	vst v63  }
0x35: {  	s19 =	simm.s32 $0x200;
	_ =	swait.ge [sflag:s12], $0x800  }
.LBB2_3:
0x36: {  	s20 =	sshra.s32 s19, $0x2;
	[sflag:s12] =	ssyncset.done $0x0;
	p1 =	seq.s32 s19, $0x9A00  }
.Ltmp5:
0x37: {  	s20 =	sadd.s32 $0x2800, s20;
	[sflag:s12] =	ssyncadd.s32 $0xFFFFF800;
	(pc) =	sbr.rel @!p1 .LBB2_3-.Ltmp5, $3  }
0x38: {  	[spmem:s2] =	stream.indirect.scatter.add.f32 [tilespmem:s13], [sflag:$0x1], $0x10, s20, s15, $0xb8;
	[tilespmem:$0x5900] =	vst v63  }
0x39: {  	s19 =	sadd.s32 $0x200, s19;
	_ =	sdelay $0x1  }
0x3a: {  	_ =	swait.ge [sflag:s12], $0x800  }
.Ltmp6:
0x3b: {  	(pc) =	sbr.rel .LBB2_8-.Ltmp6, $3  }
0x3c: {  	_ =	sdelay $0x1  }
0x3d: {  	[sflag:s12] =	ssyncset.done $0x0  }
0x3e: {  	[sflag:s12] =	ssyncadd.s32 $0xFFFFF800  }
.LBB2_9:
0x3f: {  	_ =	sfence.sel $0x180000  }
0x40: {  	[bflag:$0x0] =	sbarrier.arrive $0xFFFF  }
0x41: {  	p0 =	sne.s32 s0, $0x0;
	_ =	strace $0x90000047  }
0x42: {  	s0 =	sadd.s32 @!p0 $0x100000, s1;
	[bflag:$0x2] =	sbarrier.arrive $0xFFFF  }
0x43: {  	[sflag:s0] =	ssyncadd.tile.s32 @!p0 $0x1;
	_ =	shalt  }
.Lfunc_end2:
_tile_overlayer_lowered:
.L_overlay_start_2:
0x44: {  	(tag) =	ssettag $0x2  }
0x45: {  	s0 =	rddreg [dreg:$0x0];
	s2 =	stileid.u32  }
0x46: {  	s1 =	rddreg [dreg:$0x1];
	p0 =	sne.s32 s2, $0x0  }
0x47: {  	s3 =	rddreg [dreg:$0x2];
	[bflag:$0x3] =	sbarrier.arrive $0xFFFF;
	s2 =	simm.s32 @!p0 $0x1C01  }
0x48: {  	[timem:s3], [sflag:s2] =	dma.local @!p0 [hbm:s0], s1  }
0x49: {  	s0 =	simm.s32 @!p0 $0x1  }
0x4a: {  	_ =	swait.ge @!p0 [sflag:s0], s1  }
0x4b: {  	s1 =	ssub.s32 @!p0 $0x0, s1;
	[sflag:s0] =	ssyncset.done @!p0 $0x0  }
0x4c: {  	[sflag:s0] =	ssyncadd.s32 @!p0 s1  }
0x4d: {  	[bflag:$0x3] =	sbarrier.arrive $0xFFFF  }
0x4e: {  	_ =	shalt  }

// kernel: kernel.14.cloned.1.call-start
scs
__scs_entry_jumppad:
0x0: {  	(pc) =	sbr.rel $0x88, $3  }
0x1: {  	(tag) =	ssettag $0x0;
	lr =	simm.s32 $0x1  }
0x2: {  	[smem:$0x3F8F] =	sst lr;
	_ =	strace $0xD0000000  }
0x3: {  	_ = 	snop  }
0x4: {  	_ = 	snop  }
0x5: {  	_ = 	snop  }
0x6: {  	_ = 	snop  }
0x7: {  	_ = 	snop  }
__scs_overlays_trampoline_lowered:
0x8: {  	[smem:$0x3F9E] =	sst s0  }
0x9: {  	[smem:$0x3F9F] =	sst s1  }
0xa: {  	[smem:$0x3FA0] =	sst s2  }
0xb: {  	[smem:$0x3FA1] =	sst s3  }
0xc: {  	[smem:$0x3FA2] =	sst s4  }
0xd: {  	[smem:$0x3FA3] =	sst s5  }
0xe: {  	[smem:$0x3FA4] =	sst s6  }
0xf: {  	[smem:$0x3FA5] =	sst s7  }
0x10: {  	[smem:$0x3FA6] =	sst s8  }
0x11: {  	[smem:$0x3FA7] =	sst s9;
	s0 =	simm.s32 @!p0 $0x0  }
0x12: {  	s1 =	sld [smem:$0x3F8D];
	s0 =	simm.s32 @p0 $0x1  }
0x13: {  	[smem:$0x3FA8] =	sst s0;
	s0 =	simm.s32 @!p1 $0x0  }
0x14: {  	s2 =	sld [smem:$0x3F8C];
	s0 =	simm.s32 @p1 $0x1  }
0x15: {  	[smem:$0x3FA9] =	sst s0;
	s0 =	simm.s32 @!p2 $0x0  }
0x16: {  	s3 =	sld [smem:$0x3FDB];
	s0 =	simm.s32 @p2 $0x1  }
0x17: {  	s4 =	simm.s32 $0x1BF5;
	[smem:$0x3FAB] =	sst s0  }
0x18: {  	s0 =	sld [smem:$0x3F8E];
	_ =	swait.ge [sflag:s4], $0x0  }
0x19: {  	s7 =	sld [smem:$0x3F8F]  }
0x1a: {  	s8 =	sadd.s32 $0xFFFFE003, lr  }
0x1b: {  	s9 =	sadd.s32 $0xFFFFFEF7, lr;
	s5 =	simm.s32 $0xFFFFFFFF;
	p2 =	slt.u32 s8, $0xFFFFF086  }
0x1c: {  	p1 =	slt.u32 s9, $0xF7A;
	s5 =	simm.s32 @!p2 $0x0  }
0x1d: {  	s5 =	simm.s32 @p1 $0x1;
	p0 =	seq.s32 s7, s2  }
0x1e: {  	s7 =	smul.u32 @!p0 $0xF7A, s2;
	p2 =	seq.s32 @!p0 s5, $0x0  }
0x1f: {  	s9 =	smul.u32 $0xF7A, s1;
	s8 =	simm.s32 @!p0 $0x1BF5;
	p2 =	por !p2, p0  }
0x20: {  	[sflag:s8] =	ssyncset.s32 @!p0 $0xFFFFF086;
	s6 =	sadd.s32 @!p0 s3, s7;
	s7 =	simm.s32 @!p0 $0x108  }
0x21: {  	s3 =	sadd.s32 s3, s9;
	s6 =	sadd.s32 @!p0 $0x88, s6;
	s7 =	simm.s32 @p2 $0x1082  }
0x22: {  	[simem:s7], [sflag:s8] =	dma.local @!p0 [hbm:s6], $0xF7A  }
0x23: {  	s9 =	sor.u32 $0xD0000000, s2;
	s6 =	simm.s32 $0x108;
	_ =	swait.ge @!p0 [sflag:s8], $0x0  }
0x24: {  	s3 =	sadd.s32 $0x88, s3;
	s6 =	simm.s32 @!p1 $0x1082;
	[sflag:s4] =	ssyncset.s32 $0xFFFFF086  }
0x25: {  	[simem:s6], [sflag:s4] =	dma.local [hbm:s3], $0xF7A  }
0x26: {  	[smem:$0x3F8F] =	sst s1;
	(tag) =	ssettag s2;
	_ =	strace s9  }
0x27: {  	s1 =	sld [smem:$0x3F9F]  }
0x28: {  	s2 =	sld [smem:$0x3FA0]  }
0x29: {  	s4 =	sld [smem:$0x3FA2]  }
0x2a: {  	p0 =	seq.s32 s5, $0x0;
	s5 =	sld [smem:$0x3FA3]  }
0x2b: {  	s6 =	sld [smem:$0x3FA4]  }
0x2c: {  	s7 =	sld [smem:$0x3FA5]  }
0x2d: {  	s3 =	simm.s32 $0x108;
	s8 =	sld [smem:$0x3FA6]  }
0x2e: {  	s3 =	simm.s32 @!p0 $0x1082;
	s9 =	sld [smem:$0x3FA7]  }
0x2f: {  	lr =	sadd.s32 s0, s3;
	s0 =	sld [smem:$0x3F9E]  }
0x30: {  	s3 =	sld [smem:$0x3FA1]  }
0x31: {  	[smem:$0x3FAA] =	sst s10  }
0x32: {  	s10 =	sld [smem:$0x3FA8];
	_ =	sdelay $0x3  }
0x33: {  	p0 =	seq.s32 s10, $0x1;
	s10 =	sld [smem:$0x3FAA];
	_ =	sdelay $0x3  }
0x34: {  	[smem:$0x3FAA] =	sst s10  }
0x35: {  	s10 =	sld [smem:$0x3FA9];
	_ =	sdelay $0x3  }
0x36: {  	p1 =	seq.s32 s10, $0x1;
	s10 =	sld [smem:$0x3FAA];
	_ =	sdelay $0x3  }
0x37: {  	[smem:$0x3FAA] =	sst s10  }
0x38: {  	s10 =	sld [smem:$0x3FAB]  }
0x39: {  	_ = 	snop;
	(pc) =	sbr.ind lr, $3  }
0x3a: {  	_ = 	snop  }
0x3b: {  	_ = 	snop  }
0x3c: {  	p2 =	seq.s32 s10, $0x1;
	s10 =	sld [smem:$0x3FAA]  }
0x3d: {  	_ =	shalt  }
0x3e: {  	_ =	shalt  }
0x3f: {  	_ =	shalt  }
0x40: {  	_ =	shalt  }
0x41: {  	_ =	shalt  }
0x42: {  	_ =	shalt  }
0x43: {  	_ =	shalt  }
0x44: {  	_ =	shalt  }
0x45: {  	_ =	shalt  }
0x46: {  	_ =	shalt  }
0x47: {  	_ =	shalt  }
0x48: {  	_ =	shalt  }
0x49: {  	_ =	shalt  }
0x4a: {  	_ =	shalt  }
0x4b: {  	_ =	shalt  }
0x4c: {  	_ =	shalt  }
0x4d: {  	_ =	shalt  }
0x4e: {  	_ =	shalt  }
0x4f: {  	_ =	shalt  }
0x50: {  	_ =	shalt  }
0x51: {  	_ =	shalt  }
0x52: {  	_ =	shalt  }
0x53: {  	_ =	shalt  }
0x54: {  	_ =	shalt  }
0x55: {  	_ =	shalt  }
0x56: {  	_ =	shalt  }
0x57: {  	_ =	shalt  }
0x58: {  	_ =	shalt  }
0x59: {  	_ =	shalt  }
0x5a: {  	_ =	shalt  }
0x5b: {  	_ =	shalt  }
0x5c: {  	_ =	shalt  }
0x5d: {  	_ =	shalt  }
0x5e: {  	_ =	shalt  }
0x5f: {  	_ =	shalt  }
0x60: {  	_ =	shalt  }
0x61: {  	_ =	shalt  }
0x62: {  	_ =	shalt  }
0x63: {  	_ =	shalt  }
0x64: {  	_ =	shalt  }
0x65: {  	_ =	shalt  }
0x66: {  	_ =	shalt  }
0x67: {  	_ =	shalt  }
0x68: {  	_ =	shalt  }
0x69: {  	_ =	shalt  }
0x6a: {  	_ =	shalt  }
0x6b: {  	_ =	shalt  }
0x6c: {  	_ =	shalt  }
0x6d: {  	_ =	shalt  }
0x6e: {  	_ =	shalt  }
0x6f: {  	_ =	shalt  }
0x70: {  	_ =	shalt  }
0x71: {  	_ =	shalt  }
0x72: {  	_ =	shalt  }
0x73: {  	_ =	shalt  }
0x74: {  	_ =	shalt  }
0x75: {  	_ =	shalt  }
0x76: {  	_ =	shalt  }
0x77: {  	_ =	shalt  }
0x78: {  	_ =	shalt  }
0x79: {  	_ =	shalt  }
0x7a: {  	_ =	shalt  }
0x7b: {  	_ =	shalt  }
0x7c: {  	_ =	shalt  }
0x7d: {  	_ =	shalt  }
0x7e: {  	_ =	shalt  }
0x7f: {  	_ =	shalt  }
0x80: {  	_ =	shalt  }
0x81: {  	_ =	shalt  }
0x82: {  	_ =	shalt  }
0x83: {  	_ =	shalt  }
0x84: {  	_ =	shalt  }
0x85: {  	_ =	shalt  }
0x86: {  	_ =	shalt  }
0x87: {  	_ =	shalt  }
.Lfunc_end0:
.L_simem_size_0:
called_computation.1_lowered:
.L_overlay_start_0:
0x88: {  	s2 =	sld [smem:$0x3FD9]  }
0x89: {  	s3 =	sld [smem:$0x3FFE];
	_ =	sdelay $0x1  }
0x8a: {  	s1 =	srdreg.scid  }
0x8b: {  	s0 =	sand.u32 $0x1, s1  }
0x8c: {  	s17 =	sshll.u32 s0, $0xA;
	s2 =	sadd.s32 s3, s2  }
0x8d: {  	s2 =	sadd.s32 s2, s17  }
0x8e: {  	[smem:$0x3FB6] =	sst s2  }
0x8f: {  	_ = 	snop  }
0x90: {  	s2 =	sld [smem:$0x3FD0];
	(tm) =	ssettm $0x1  }
0x91: {  	s18 =	sld [smem:$0x3FFB];
	_ =	sdelay $0x3  }
0x92: {  	_ =	strace s18  }
0x93: {  	s3 =	sld [smem:$0x3FFC];
	_ =	sdelay $0x3  }
0x94: {  	_ =	strace s3  }
0x95: {  	s3 =	sld [smem:$0x3FFD];
	_ =	sdelay $0x3  }
0x96: {  	_ =	strace s3  }
0x97: {  	_ =	strace $0x8FFFFFFF  }
0x98: {  	s19 =	sld [smem:$0x3FDB];
	_ =	sdelay $0x1  }
0x99: {  	s4 =	simm.s32 $_scs_section_size  }
0x9a: {  	s5 =	simm.s32 $_size__tile_overlayer_lowered;
	s6 =	simm.s32 $_tile_overlayer_lowered  }
0x9b: {  	s22 =	simm.s32 $0x1BFF;
	s21 =	sshll.u32 s6, $0x1;
	s3 =	sadd.s32 s4, s19  }
0x9c: {  	s7 =	simm.s32 $0x0;
	s20 =	sshll.u32 s5, $0x1;
	s5 =	sadd.s32 s21, s3  }
0x9d: {  	[timem:s7], [sflag:s22] =	dma.local [hbm:s5], s20  }
0x9e: {  	_ =	swait.ge [sflag:s22], s20  }
0x9f: {  	s4 =	ssub.s32 $0x0, s20;
	[sflag:s22] =	ssyncset.done $0x0  }
0xa0: {  	[sflag:s22] =	ssyncadd.s32 s4;
	_ =	sdelay $0x1  }
0xa1: {  	s23 =	simm.s32 $0x1B8B  }
0xa2: {  	_ =	swait.ge [sflag:s23], $0x1  }
0xa3: {  	[sflag:s23] =	ssyncset.done $0x0  }
0xa4: {  	s25 =	simm.s32 $0x1B8E;
	s24 =	sld [smem:$0x3FFE];
	[sflag:s23] =	ssyncadd.s32 $0xFFFFFFFF  }
0xa5: {  	s26 =	simm.s32 $execute0_lowered;
	[smem:$0x3FD2] =	sst s25  }
0xa6: {  	s5 =	sshll.u32 s26, $0x1;
	_ =	strace $0x80000049;
	[dreg:$0x1] =	wrdreg $0xFFFFFFFF  }
0xa7: {  	s28 =	simm.s32 $_size_execute0_lowered;
	s3 =	sadd.s32 s3, s5;
	[dreg:$0x0] =	wrdreg $0x0  }
0xa8: {  	s5 =	sshll.u32 s28, $0x1;
	[dreg:$0x2] =	wrdreg s3  }
0xa9: {  	[dreg:$0x3] =	wrdreg s5  }
0xaa: {  	[dreg:$0x4] =	wrdreg $0xC0  }
0xab: {  	_ =	task [dreg:s7], $0x5FFFF  }
0xac: {  	[dreg:$0x1] =	wrdreg $0xFFFFFFFF  }
0xad: {  	[dreg:$0x0] =	wrdreg $0x60  }
0xae: {  	[dreg:$0x2] =	wrdreg s24  }
0xaf: {  	[dreg:$0x3] =	wrdreg s2  }
0xb0: {  	[dreg:$0x4] =	wrdreg $0x0  }
0xb1: {  	[dreg:$0x5] =	wrdreg $0x9  }
0xb2: {  	_ =	task.clear_ibuf [dreg:s7], $0x6FFFF;
	_ =	strace $0x90000049  }
0xb3: {  	s29 =	simm.s32 $0x9;
	_ =	strace $0x8000004B  }
0xb4: {  	_ =	swait.ge [sflag:s29], $0x1  }
0xb5: {  	[sflag:s29] =	ssyncadd.s32 $0xFFFFFFFF  }
0xb6: {  	_ =	strace $0x9000004B  }
0xb7: {  	_ =	sfence  }
0xb8: {  	s30 =	sld [smem:$0x0];
	_ =	sdelay $0x2  }
0xb9: {  	s31 =	sshll.u32 s1, $0xD;
	s1 =	sshrl.u32 s1, $0x2  }
0xba: {  	s3 =	sand.u32 $0x4000, s31;
	s1 =	sadd.s32 s1, s30  }
0xbb: {  	s0 =	sor.u32 s3, s0;
	s1 =	sshll.u32 s1, $0x11  }
0xbc: {  	s0 =	sor.u32 s1, s0  }
0xbd: {  	s0 =	sadd.s32 $0x8F2B, s0  }
0xbe: {  	[sflag:s0] =	ssyncadd.remote.s32 $0x1  }
0xbf: {  	_ =	sfence.sel $0xFFFF  }
0xc0: {  	[dreg:$0x0] =	wrdreg $0xFFFFFFFF;
	(pc) =	sbr.abs _section_cstart, $3  }
0xc1: {  	[dreg:$0x1] =	wrdreg $0xFFFFFFFF  }
0xc2: {  	_ =	task.clear_ibuf [dreg:s7], $0x2FFFF;
	_ =	strace $0x9FFFFFFF  }
0xc3: {  	(tm) =	ssettm $0x7FFFFFFF  }
tec
execute0_lowered:
.L_overlay_start_1:
0x0: {  	(tag) =	ssettag $0x1  }
0x1: {  	s0 =	rddreg [dreg:$0x0]  }
0x2: {  	s1 =	rddreg [dreg:$0x1]  }
0x3: {  	s2 =	rddreg [dreg:$0x2];
	s3 =	simm.s32 $0x0  }
0x4: {  	s11 =	stileid.u32;
	s6 =	srdreg.scid;
	s19 =	simm.s32 $0x3  }
0x5: {  	s20 =	simm.s32 $0xA000;
	s21 =	simm.s32 $0xB400;
	s28 =	simm.s32 $0xB380  }
0x6: {  	s29 =	simm.s32 $0xC700;
	s30 =	simm.s32 $0xC780;
	s31 =	simm.s32 $0x10  }
0x7: {  	[smem:$0x7FF] =	sst s3;
	s5 =	smul.u32 $0xA000, s11;
	s4 =	sadd.s32 $0x46800, s0  }
0x8: {  	s10 =	sand.u32 $0x1, s6;
	s7 =	smul.u32 $0x2800, s11;
	s16 =	sadd.s32 $0x3C800, s0  }
0x9: {  	s23 =	sshll.u32 s11, $0x6;
	s15 =	smul.u32 $0x500, s11;
	_ =	strace $0x8000004A  }
0xa: {  	s8 =	ssub.s32 $0x2, s10;
	p0 =	sne.s32 s10, $0x0;
	s22 =	sshrl.u32 s5, $0x3  }
0xb: {  	s9 =	sshrl.u32 s8, $0x1;
	s18 =	sadd.s32 s5, s2;
	s24 =	sadd.s32 $0x5000, s15  }
0xc: {  	s13 =	sadd.s32 $0x5280, s15;
	s14 =	sadd.s32 s16, s15;
	s26 =	sadd.s32 $0x280, s15  }
0xd: {  	s15 =	sadd.s32 s1, s15;
	s6 =	sadd.s32 s22, s0;
	s0 =	sadd.s32 s7, s0  }
0xe: {  	s9 =	ssub.s32 s8, s9;
	s25 =	sadd.s32 s16, s24;
	s12 =	sadd.s32 s16, s13  }
0xf: {  	s13 =	sadd.s32 s1, s13;
	s16 =	sadd.s32 s16, s26;
	s17 =	sadd.s32 s1, s26  }
0x10: {  	s18 =	sshrl.u32 s18, $0x3;
	s22 =	simm.s32 $0x80;
	s26 =	simm.s32 $0x2  }
.Ltmp0:
0x11: {  	s5 =	sadd.s32 $0x5A800, s6;
	s6 =	sor.u32 $0x1C03, s23;
	(pc) =	sbr.rel .LBB2_1-.Ltmp0, $4  }
0x12: {  	s7 =	sadd.s32 $0x6E808, s0;
	s0 =	sadd.s32 $0x6E800, s0;
	[dreg:$0x6] =	wrdreg s25  }
0x13: {  	s9 =	smax.u32 s9, $0x1;
	s23 =	simm.s32 $0xC800;
	[dreg:$0x4] =	wrdreg s7  }
0x14: {  	s25 =	simm.s32 $0x1;
	[dreg:$0x5] =	wrdreg s0;
	s0 =	sadd.s32 s1, s24  }
0x15: {  	s24 =	simm.s32 $0xE800;
	[dreg:$0x7] =	wrdreg s0;
	s0 =	simm.s32 $0x8  }
.LBB2_11:
0x16: {  	s7 =	sadd.s32 $0xA080, s1;
	[sflag:s19] =	ssyncadd.s32 $0xFFFFE000  }
0x17: {  	[tilespmem:s24], [sflag:$0x2] =	stream.indirect.gather [hbm4b:s4+s22], $0x40, s7, s22, $0xb8;
	[tilespmem:$0x10800] =	vst v63  }
0x18: {  	_ =	swait.ge [sflag:s25], $0x2000  }
0x19: {  	[sflag:s25] =	ssyncset.done $0x0  }
0x1a: {  	s8 =	sadd.s32 $0xB400, s1;
	[sflag:s25] =	ssyncadd.s32 $0xFFFFE000  }
0x1b: {  	[spmem:s2] =	stream.indirect.scatter.add.f32 [tilespmem:s23], [sflag:$0x3], $0x40, s8, s22, $0xb8;
	[tilespmem:$0x10800] =	vst v63  }
0x1c: {  	_ =	swait.ge [sflag:s19], $0x2000  }
0x1d: {  	[sflag:s19] =	ssyncset.done $0x0  }
0x1e: {  	s10 =	sadd.s32 $0xA100, s1;
	[sflag:s19] =	ssyncadd.s32 $0xFFFFE000  }
0x1f: {  	[tilespmem:s23], [sflag:$0x1] =	stream.indirect.gather [hbm4b:s4+s22], $0x40, s10, s22, $0xb8;
	[tilespmem:$0x10800] =	vst v63  }
0x20: {  	_ =	swait.ge [sflag:s26], $0x2000  }
0x21: {  	[sflag:s26] =	ssyncset.done $0x0  }
0x22: {  	s11 =	sadd.s32 $0xB480, s1;
	[sflag:s26] =	ssyncadd.s32 $0xFFFFE000  }
0x23: {  	[spmem:s2] =	stream.indirect.scatter.add.f32 [tilespmem:s24], [sflag:$0x3], $0x40, s11, s22, $0xb8;
	[tilespmem:$0x10800] =	vst v63  }
0x24: {  	_ =	swait.ge [sflag:s19], $0x2000  }
0x25: {  	[sflag:s19] =	ssyncset.done $0x0  }
0x26: {  	[sflag:s19] =	ssyncadd.s32 $0xFFFFE000  }
0x27: {  	[tilespmem:s24], [sflag:$0x2] =	stream.indirect.gather [hbm4b:s4+s22], $0x40, s28, s22, $0xb8;
	[tilespmem:$0x10800] =	vst v63  }
0x28: {  	_ =	swait.ge [sflag:s25], $0x2000  }
0x29: {  	[sflag:s25] =	ssyncset.done $0x0  }
0x2a: {  	[sflag:s25] =	ssyncadd.s32 $0xFFFFE000  }
0x2b: {  	[spmem:s2] =	stream.indirect.scatter.add.f32 [tilespmem:s23], [sflag:$0x3], $0x40, s29, s22, $0xb8;
	[tilespmem:$0x10800] =	vst v63  }
0x2c: {  	_ =	swait.ge [sflag:s19], $0x2000  }
0x2d: {  	[sflag:s19] =	ssyncset.done $0x0  }
0x2e: {  	[sflag:s19] =	ssyncadd.s32 $0xFFFFE000  }
0x2f: {  	_ =	swait.ge [sflag:s26], $0x2000  }
0x30: {  	[sflag:s26] =	ssyncset.done $0x0  }
0x31: {  	[sflag:s26] =	ssyncadd.s32 $0xFFFFE000  }
0x32: {  	[spmem:s2] =	stream.indirect.scatter.add.f32 [tilespmem:s24], [sflag:$0x3], $0x40, s30, s22, $0xb8;
	[tilespmem:$0x10800] =	vst v63  }
0x33: {  	_ =	swait.ge [sflag:s19], $0x2000  }
0x34: {  	[sflag:s19] =	ssyncset.done $0x0  }
0x35: {  	s1 =	rddreg [dreg:$0x4];
	[sflag:s19] =	ssyncadd.s32 $0xFFFFE000  }
.LBB2_12:
0x36: {  	s3 =	sadd.s32 $0x1, s3  }
0x37: {  	p1 =	sne.s32 s3, s9  }
.Ltmp1:
0x38: {  	[bflag:$0x0] =	sbarrier.arrive $0xFFFF;
	(pc) =	sbr.rel @!p1 .LBB2_13-.Ltmp1, $4  }
0x39: {  	[hbm:s1@s31], [sflag:s6] =	dma.strided [spmem:s18@s0], $0x1400, s25, $0x8   }
0x3a: {  	_ =	swait.ge [sflag:s19], $0x1400  }
0x3b: {  	[sflag:s19] =	ssyncset.done $0x0  }
0x3c: {  	[sflag:s19] =	ssyncadd.s32 $0xFFFFEC00  }
.LBB2_1:
0x3d: {  	[spmem:s18], [sflag:s6] =	dma.local [hbm:s5], $0x1400  }
.Ltmp2:
0x3e: {  	_ =	swait.ge [sflag:s19], $0x1400;
	(pc) =	sbr.rel @p0 .LBB2_7-.Ltmp2, $4  }
0x3f: {  	[sflag:s19] =	ssyncset.done $0x0  }
0x40: {  	[sflag:s19] =	ssyncadd.s32 $0xFFFFEC00  }
0x41: {  	[bflag:$0x0] =	sbarrier.arrive $0xFFFF  }
0x42: {  	s1 =	simm.s32 $0x0  }
0x43: {  	[tilespmem:s20], [sflag:$0x3] =	stream.linear.gather [hbm4b:s14+s1], $0x1400, $0x38;
	[tilespmem:$0x10800] =	vst v63  }
0x44: {  	_ =	swait.ge [sflag:s19], $0x1400  }
0x45: {  	[sflag:s19] =	ssyncset.done $0x0  }
0x46: {  	[sflag:s19] =	ssyncadd.s32 $0xFFFFEC00  }
0x47: {  	[tilespmem:s21], [sflag:$0x3] =	stream.linear.gather [hbm4b:s15+s1], $0x1400, $0x38;
	[tilespmem:$0x10800] =	vst v63  }
0x48: {  	_ =	swait.ge [sflag:s19], $0x1400  }
0x49: {  	[sflag:s19] =	ssyncset.done $0x0  }
0x4a: {  	[sflag:s19] =	ssyncadd.s32 $0xFFFFEC00  }
0x4b: {  	[tilespmem:s23], [sflag:$0x1] =	stream.indirect.gather [hbm4b:s4+s22], $0x40, s20, s22, $0xb8;
	[tilespmem:$0x10800] =	vst v63  }
0x4c: {  	s7 =	simm.s32 $0xA080  }
0x4d: {  	[tilespmem:s24], [sflag:$0x2] =	stream.indirect.gather [hbm4b:s4+s22], $0x40, s7, s22, $0xb8;
	[tilespmem:$0x10800] =	vst v63  }
0x4e: {  	_ =	swait.ge [sflag:s25], $0x2000  }
0x4f: {  	[sflag:s25] =	ssyncset.done $0x0  }
0x50: {  	s8 =	simm.s32 $0xB400;
	[sflag:s25] =	ssyncadd.s32 $0xFFFFE000  }
0x51: {  	[spmem:s2] =	stream.indirect.scatter.add.f32 [tilespmem:s23], [sflag:$0x3], $0x40, s8, s22, $0xb8;
	[tilespmem:$0x10800] =	vst v63  }
0x52: {  	_ =	swait.ge [sflag:s19], $0x2000  }
0x53: {  	[sflag:s19] =	ssyncset.done $0x0  }
0x54: {  	s10 =	simm.s32 $0xA100;
	[sflag:s19] =	ssyncadd.s32 $0xFFFFE000  }
0x55: {  	[tilespmem:s23], [sflag:$0x1] =	stream.indirect.gather [hbm4b:s4+s22], $0x40, s10, s22, $0xb8;
	[tilespmem:$0x10800] =	vst v63  }
0x56: {  	_ =	swait.ge [sflag:s26], $0x2000  }
0x57: {  	[sflag:s26] =	ssyncset.done $0x0  }
0x58: {  	s11 =	simm.s32 $0xB480;
	[sflag:s26] =	ssyncadd.s32 $0xFFFFE000  }
0x59: {  	[spmem:s2] =	stream.indirect.scatter.add.f32 [tilespmem:s24], [sflag:$0x3], $0x40, s11, s22, $0xb8;
	[tilespmem:$0x10800] =	vst v63  }
0x5a: {  	_ =	swait.ge [sflag:s19], $0x2000  }
0x5b: {  	s1 =	simm.s32 $0x100;
	s10 =	simm.s32 $0x800;
	[sflag:s19] =	ssyncset.done $0x0  }
.LBB2_3:
0x5c: {  	s7 =	sadd.s32 $0xA080, s1  }
0x5d: {  	[sflag:s19] =	ssyncadd.s32 $0xFFFFE000;
	s11 =	smov.u32 s10;
	s8 =	sadd.s32 $0x400, s10  }
0x5e: {  	[tilespmem:s24], [sflag:$0x2] =	stream.indirect.gather [hbm4b:s4+s22], $0x40, s7, s22, $0xb8;
	[tilespmem:$0x10800] =	vst v63  }
0x5f: {  	p1 =	sne.s32 s10, $0x4800;
	_ =	swait.ge [sflag:s25], $0x2000  }
0x60: {  	[sflag:s25] =	ssyncset.done $0x0  }
0x61: {  	s7 =	sadd.s32 $0xB400, s1;
	[sflag:s25] =	ssyncadd.s32 $0xFFFFE000  }
0x62: {  	[spmem:s2] =	stream.indirect.scatter.add.f32 [tilespmem:s23], [sflag:$0x3], $0x40, s7, s22, $0xb8;
	[tilespmem:$0x10800] =	vst v63  }
0x63: {  	_ =	swait.ge [sflag:s19], $0x2000  }
0x64: {  	[sflag:s19] =	ssyncset.done $0x0  }
0x65: {  	s7 =	sadd.s32 $0xA100, s1;
	[sflag:s19] =	ssyncadd.s32 $0xFFFFE000  }
0x66: {  	[tilespmem:s23], [sflag:$0x1] =	stream.indirect.gather [hbm4b:s4+s22], $0x40, s7, s22, $0xb8;
	[tilespmem:$0x10800] =	vst v63  }
0x67: {  	_ =	swait.ge [sflag:s26], $0x2000  }
.Ltmp3:
0x68: {  	[sflag:s26] =	ssyncset.done $0x0;
	(pc) =	sbr.rel @p1 .LBB2_3-.Ltmp3, $4  }
0x69: {  	s1 =	sadd.s32 $0xB480, s1;
	[sflag:s26] =	ssyncadd.s32 $0xFFFFE000  }
0x6a: {  	[spmem:s2] =	stream.indirect.scatter.add.f32 [tilespmem:s24], [sflag:$0x3], $0x40, s1, s22, $0xb8;
	[tilespmem:$0x10800] =	vst v63  }
0x6b: {  	_ =	swait.ge [sflag:s19], $0x2000  }
0x6c: {  	s10 =	smov.u32 s8;
	s1 =	sshra.s32 s11, $0x2;
	[sflag:s19] =	ssyncset.done $0x0  }
0x6d: {  	s7 =	sadd.s32 $0xA080, s1;
	[sflag:s19] =	ssyncadd.s32 $0xFFFFE000  }
0x6e: {  	[tilespmem:s24], [sflag:$0x2] =	stream.indirect.gather [hbm4b:s4+s22], $0x40, s7, s22, $0xb8;
	[tilespmem:$0x10800] =	vst v63  }
0x6f: {  	_ =	swait.ge [sflag:s25], $0x2000  }
0x70: {  	[sflag:s25] =	ssyncset.done $0x0  }
0x71: {  	s11 =	sadd.s32 $0xB400, s1;
	[sflag:s25] =	ssyncadd.s32 $0xFFFFE000  }
0x72: {  	[spmem:s2] =	stream.indirect.scatter.add.f32 [tilespmem:s23], [sflag:$0x3], $0x40, s11, s22, $0xb8;
	[tilespmem:$0x10800] =	vst v63  }
0x73: {  	_ =	swait.ge [sflag:s19], $0x2000  }
0x74: {  	[sflag:s19] =	ssyncset.done $0x0  }
0x75: {  	s8 =	sadd.s32 $0xA100, s1;
	[sflag:s19] =	ssyncadd.s32 $0xFFFFE000  }
0x76: {  	[tilespmem:s23], [sflag:$0x1] =	stream.indirect.gather [hbm4b:s4+s22], $0x40, s8, s22, $0xb8;
	[tilespmem:$0x10800] =	vst v63  }
0x77: {  	_ =	swait.ge [sflag:s26], $0x2000  }
0x78: {  	[sflag:s26] =	ssyncset.done $0x0  }
0x79: {  	s10 =	sadd.s32 $0xB480, s1;
	[sflag:s26] =	ssyncadd.s32 $0xFFFFE000  }
0x7a: {  	[spmem:s2] =	stream.indirect.scatter.add.f32 [tilespmem:s24], [sflag:$0x3], $0x40, s10, s22, $0xb8;
	[tilespmem:$0x10800] =	vst v63  }
0x7b: {  	_ =	swait.ge [sflag:s19], $0x2000  }
0x7c: {  	[sflag:s19] =	ssyncset.done $0x0  }
0x7d: {  	[sflag:s19] =	ssyncadd.s32 $0xFFFFE000  }
0x7e: {  	[tilespmem:s24], [sflag:$0x2] =	stream.indirect.gather [hbm4b:s4+s22], $0x40, s28, s22, $0xb8;
	[tilespmem:$0x10800] =	vst v63  }
0x7f: {  	_ =	swait.ge [sflag:s25], $0x2000  }
0x80: {  	[sflag:s25] =	ssyncset.done $0x0  }
0x81: {  	[sflag:s25] =	ssyncadd.s32 $0xFFFFE000  }
0x82: {  	[spmem:s2] =	stream.indirect.scatter.add.f32 [tilespmem:s23], [sflag:$0x3], $0x40, s29, s22, $0xb8;
	[tilespmem:$0x10800] =	vst v63  }
0x83: {  	_ =	swait.ge [sflag:s19], $0x2000  }
0x84: {  	[sflag:s19] =	ssyncset.done $0x0  }
0x85: {  	[sflag:s19] =	ssyncadd.s32 $0xFFFFE000  }
0x86: {  	_ =	swait.ge [sflag:s26], $0x2000  }
0x87: {  	[sflag:s26] =	ssyncset.done $0x0  }
0x88: {  	[sflag:s26] =	ssyncadd.s32 $0xFFFFE000  }
0x89: {  	[spmem:s2] =	stream.indirect.scatter.add.f32 [tilespmem:s24], [sflag:$0x3], $0x40, s30, s22, $0xb8;
	[tilespmem:$0x10800] =	vst v63  }
0x8a: {  	_ =	swait.ge [sflag:s19], $0x2000  }
0x8b: {  	[sflag:s19] =	ssyncset.done $0x0  }
0x8c: {  	s11 =	simm.s32 $0x0;
	[sflag:s19] =	ssyncadd.s32 $0xFFFFE000  }
0x8d: {  	[tilespmem:s20], [sflag:$0x3] =	stream.linear.gather [hbm4b:s16+s11], $0x1400, $0x38;
	[tilespmem:$0x10800] =	vst v63  }
0x8e: {  	_ =	swait.ge [sflag:s19], $0x1400  }
0x8f: {  	[sflag:s19] =	ssyncset.done $0x0  }
0x90: {  	[sflag:s19] =	ssyncadd.s32 $0xFFFFEC00  }
0x91: {  	[tilespmem:s21], [sflag:$0x3] =	stream.linear.gather [hbm4b:s17+s11], $0x1400, $0x38;
	[tilespmem:$0x10800] =	vst v63  }
0x92: {  	_ =	swait.ge [sflag:s19], $0x1400  }
0x93: {  	[sflag:s19] =	ssyncset.done $0x0  }
0x94: {  	[sflag:s19] =	ssyncadd.s32 $0xFFFFEC00  }
0x95: {  	[tilespmem:s23], [sflag:$0x1] =	stream.indirect.gather [hbm4b:s4+s22], $0x40, s20, s22, $0xb8;
	[tilespmem:$0x10800] =	vst v63  }
0x96: {  	s7 =	simm.s32 $0xA080  }
0x97: {  	[tilespmem:s24], [sflag:$0x2] =	stream.indirect.gather [hbm4b:s4+s22], $0x40, s7, s22, $0xb8;
	[tilespmem:$0x10800] =	vst v63  }
0x98: {  	_ =	swait.ge [sflag:s25], $0x2000  }
0x99: {  	[sflag:s25] =	ssyncset.done $0x0  }
0x9a: {  	s8 =	simm.s32 $0xB400;
	[sflag:s25] =	ssyncadd.s32 $0xFFFFE000  }
0x9b: {  	[spmem:s2] =	stream.indirect.scatter.add.f32 [tilespmem:s23], [sflag:$0x3], $0x40, s8, s22, $0xb8;
	[tilespmem:$0x10800] =	vst v63  }
0x9c: {  	_ =	swait.ge [sflag:s19], $0x2000  }
0x9d: {  	[sflag:s19] =	ssyncset.done $0x0  }
0x9e: {  	s10 =	simm.s32 $0xA100;
	[sflag:s19] =	ssyncadd.s32 $0xFFFFE000  }
0x9f: {  	[tilespmem:s23], [sflag:$0x1] =	stream.indirect.gather [hbm4b:s4+s22], $0x40, s10, s22, $0xb8;
	[tilespmem:$0x10800] =	vst v63  }
0xa0: {  	_ =	swait.ge [sflag:s26], $0x2000  }
0xa1: {  	[sflag:s26] =	ssyncset.done $0x0  }
0xa2: {  	s11 =	simm.s32 $0xB480;
	[sflag:s26] =	ssyncadd.s32 $0xFFFFE000  }
0xa3: {  	[spmem:s2] =	stream.indirect.scatter.add.f32 [tilespmem:s24], [sflag:$0x3], $0x40, s11, s22, $0xb8;
	[tilespmem:$0x10800] =	vst v63  }
0xa4: {  	_ =	swait.ge [sflag:s19], $0x2000  }
0xa5: {  	s1 =	simm.s32 $0x100;
	s10 =	simm.s32 $0x800;
	[sflag:s19] =	ssyncset.done $0x0  }
.LBB2_5:
0xa6: {  	s7 =	sadd.s32 $0xA080, s1  }
0xa7: {  	[sflag:s19] =	ssyncadd.s32 $0xFFFFE000;
	s8 =	smov.u32 s10;
	s11 =	sadd.s32 $0x400, s10  }
0xa8: {  	[tilespmem:s24], [sflag:$0x2] =	stream.indirect.gather [hbm4b:s4+s22], $0x40, s7, s22, $0xb8;
	[tilespmem:$0x10800] =	vst v63  }
0xa9: {  	p1 =	sne.s32 s10, $0x4800;
	_ =	swait.ge [sflag:s25], $0x2000  }
0xaa: {  	[sflag:s25] =	ssyncset.done $0x0  }
0xab: {  	s7 =	sadd.s32 $0xB400, s1;
	[sflag:s25] =	ssyncadd.s32 $0xFFFFE000  }
0xac: {  	[spmem:s2] =	stream.indirect.scatter.add.f32 [tilespmem:s23], [sflag:$0x3], $0x40, s7, s22, $0xb8;
	[tilespmem:$0x10800] =	vst v63  }
0xad: {  	_ =	swait.ge [sflag:s19], $0x2000  }
0xae: {  	[sflag:s19] =	ssyncset.done $0x0  }
0xaf: {  	s7 =	sadd.s32 $0xA100, s1;
	[sflag:s19] =	ssyncadd.s32 $0xFFFFE000  }
0xb0: {  	[tilespmem:s23], [sflag:$0x1] =	stream.indirect.gather [hbm4b:s4+s22], $0x40, s7, s22, $0xb8;
	[tilespmem:$0x10800] =	vst v63  }
0xb1: {  	_ =	swait.ge [sflag:s26], $0x2000  }
.Ltmp4:
0xb2: {  	[sflag:s26] =	ssyncset.done $0x0;
	(pc) =	sbr.rel @p1 .LBB2_5-.Ltmp4, $4  }
0xb3: {  	s1 =	sadd.s32 $0xB480, s1;
	[sflag:s26] =	ssyncadd.s32 $0xFFFFE000  }
0xb4: {  	[spmem:s2] =	stream.indirect.scatter.add.f32 [tilespmem:s24], [sflag:$0x3], $0x40, s1, s22, $0xb8;
	[tilespmem:$0x10800] =	vst v63  }
0xb5: {  	_ =	swait.ge [sflag:s19], $0x2000  }
0xb6: {  	s10 =	smov.u32 s11;
	s1 =	sshra.s32 s8, $0x2;
	[sflag:s19] =	ssyncset.done $0x0  }
0xb7: {  	s7 =	sadd.s32 $0xA080, s1;
	[sflag:s19] =	ssyncadd.s32 $0xFFFFE000  }
0xb8: {  	[tilespmem:s24], [sflag:$0x2] =	stream.indirect.gather [hbm4b:s4+s22], $0x40, s7, s22, $0xb8;
	[tilespmem:$0x10800] =	vst v63  }
0xb9: {  	_ =	swait.ge [sflag:s25], $0x2000  }
0xba: {  	[sflag:s25] =	ssyncset.done $0x0  }
0xbb: {  	s8 =	sadd.s32 $0xB400, s1;
	[sflag:s25] =	ssyncadd.s32 $0xFFFFE000  }
0xbc: {  	[spmem:s2] =	stream.indirect.scatter.add.f32 [tilespmem:s23], [sflag:$0x3], $0x40, s8, s22, $0xb8;
	[tilespmem:$0x10800] =	vst v63  }
0xbd: {  	_ =	swait.ge [sflag:s19], $0x2000  }
0xbe: {  	[sflag:s19] =	ssyncset.done $0x0  }
0xbf: {  	s10 =	sadd.s32 $0xA100, s1;
	[sflag:s19] =	ssyncadd.s32 $0xFFFFE000  }
0xc0: {  	[tilespmem:s23], [sflag:$0x1] =	stream.indirect.gather [hbm4b:s4+s22], $0x40, s10, s22, $0xb8;
	[tilespmem:$0x10800] =	vst v63  }
0xc1: {  	_ =	swait.ge [sflag:s26], $0x2000  }
0xc2: {  	[sflag:s26] =	ssyncset.done $0x0  }
0xc3: {  	s11 =	sadd.s32 $0xB480, s1;
	[sflag:s26] =	ssyncadd.s32 $0xFFFFE000  }
0xc4: {  	[spmem:s2] =	stream.indirect.scatter.add.f32 [tilespmem:s24], [sflag:$0x3], $0x40, s11, s22, $0xb8;
	[tilespmem:$0x10800] =	vst v63  }
0xc5: {  	_ =	swait.ge [sflag:s19], $0x2000  }
0xc6: {  	[sflag:s19] =	ssyncset.done $0x0  }
0xc7: {  	[sflag:s19] =	ssyncadd.s32 $0xFFFFE000  }
0xc8: {  	[tilespmem:s24], [sflag:$0x2] =	stream.indirect.gather [hbm4b:s4+s22], $0x40, s28, s22, $0xb8;
	[tilespmem:$0x10800] =	vst v63  }
0xc9: {  	_ =	swait.ge [sflag:s25], $0x2000  }
0xca: {  	[sflag:s25] =	ssyncset.done $0x0  }
0xcb: {  	[sflag:s25] =	ssyncadd.s32 $0xFFFFE000  }
0xcc: {  	[spmem:s2] =	stream.indirect.scatter.add.f32 [tilespmem:s23], [sflag:$0x3], $0x40, s29, s22, $0xb8;
	[tilespmem:$0x10800] =	vst v63  }
0xcd: {  	_ =	swait.ge [sflag:s19], $0x2000  }
0xce: {  	[sflag:s19] =	ssyncset.done $0x0  }
0xcf: {  	[sflag:s19] =	ssyncadd.s32 $0xFFFFE000  }
0xd0: {  	_ =	swait.ge [sflag:s26], $0x2000  }
0xd1: {  	[sflag:s26] =	ssyncset.done $0x0  }
.Ltmp5:
0xd2: {  	[sflag:s26] =	ssyncadd.s32 $0xFFFFE000;
	(pc) =	sbr.rel .LBB2_12-.Ltmp5, $4  }
0xd3: {  	[spmem:s2] =	stream.indirect.scatter.add.f32 [tilespmem:s24], [sflag:$0x3], $0x40, s30, s22, $0xb8;
	[tilespmem:$0x10800] =	vst v63  }
0xd4: {  	_ =	swait.ge [sflag:s19], $0x2000  }
0xd5: {  	[sflag:s19] =	ssyncset.done $0x0  }
0xd6: {  	s1 =	rddreg [dreg:$0x5];
	[sflag:s19] =	ssyncadd.s32 $0xFFFFE000  }
.LBB2_7:
0xd7: {  	s7 =	rddreg [dreg:$0x6]  }
0xd8: {  	[tilespmem:s20], [sflag:$0x3] =	stream.linear.gather [hbm4b:s7+s1], $0x1400, $0x38;
	[tilespmem:$0x10800] =	vst v63  }
0xd9: {  	_ =	swait.ge [sflag:s19], $0x1400  }
0xda: {  	[sflag:s19] =	ssyncset.done $0x0  }
0xdb: {  	s11 =	rddreg [dreg:$0x7];
	[sflag:s19] =	ssyncadd.s32 $0xFFFFEC00  }
0xdc: {  	[tilespmem:s21], [sflag:$0x3] =	stream.linear.gather [hbm4b:s11+s1], $0x1400, $0x38;
	[tilespmem:$0x10800] =	vst v63  }
0xdd: {  	_ =	swait.ge [sflag:s19], $0x1400  }
0xde: {  	[sflag:s19] =	ssyncset.done $0x0  }
0xdf: {  	[sflag:s19] =	ssyncadd.s32 $0xFFFFEC00  }
0xe0: {  	[tilespmem:s23], [sflag:$0x1] =	stream.indirect.gather [hbm4b:s4+s22], $0x40, s20, s22, $0xb8;
	[tilespmem:$0x10800] =	vst v63  }
0xe1: {  	s7 =	simm.s32 $0xA080  }
0xe2: {  	[tilespmem:s24], [sflag:$0x2] =	stream.indirect.gather [hbm4b:s4+s22], $0x40, s7, s22, $0xb8;
	[tilespmem:$0x10800] =	vst v63  }
0xe3: {  	_ =	swait.ge [sflag:s25], $0x2000  }
0xe4: {  	[sflag:s25] =	ssyncset.done $0x0  }
0xe5: {  	s8 =	simm.s32 $0xB400;
	[sflag:s25] =	ssyncadd.s32 $0xFFFFE000  }
0xe6: {  	[spmem:s2] =	stream.indirect.scatter.add.f32 [tilespmem:s23], [sflag:$0x3], $0x40, s8, s22, $0xb8;
	[tilespmem:$0x10800] =	vst v63  }
0xe7: {  	_ =	swait.ge [sflag:s19], $0x2000  }
0xe8: {  	[sflag:s19] =	ssyncset.done $0x0  }
0xe9: {  	s10 =	simm.s32 $0xA100;
	[sflag:s19] =	ssyncadd.s32 $0xFFFFE000  }
0xea: {  	[tilespmem:s23], [sflag:$0x1] =	stream.indirect.gather [hbm4b:s4+s22], $0x40, s10, s22, $0xb8;
	[tilespmem:$0x10800] =	vst v63  }
0xeb: {  	_ =	swait.ge [sflag:s26], $0x2000  }
0xec: {  	[sflag:s26] =	ssyncset.done $0x0  }
0xed: {  	s11 =	simm.s32 $0xB480;
	[sflag:s26] =	ssyncadd.s32 $0xFFFFE000  }
0xee: {  	[spmem:s2] =	stream.indirect.scatter.add.f32 [tilespmem:s24], [sflag:$0x3], $0x40, s11, s22, $0xb8;
	[tilespmem:$0x10800] =	vst v63  }
0xef: {  	_ =	swait.ge [sflag:s19], $0x2000  }
0xf0: {  	s1 =	simm.s32 $0x100;
	s10 =	simm.s32 $0x800;
	[sflag:s19] =	ssyncset.done $0x0  }
.LBB2_8:
0xf1: {  	s7 =	sadd.s32 $0xA080, s1  }
0xf2: {  	[sflag:s19] =	ssyncadd.s32 $0xFFFFE000;
	s8 =	smov.u32 s10;
	s11 =	sadd.s32 $0x400, s10  }
0xf3: {  	[tilespmem:s24], [sflag:$0x2] =	stream.indirect.gather [hbm4b:s4+s22], $0x40, s7, s22, $0xb8;
	[tilespmem:$0x10800] =	vst v63  }
0xf4: {  	p1 =	sne.s32 s10, $0x4800;
	_ =	swait.ge [sflag:s25], $0x2000  }
0xf5: {  	[sflag:s25] =	ssyncset.done $0x0  }
0xf6: {  	s7 =	sadd.s32 $0xB400, s1;
	[sflag:s25] =	ssyncadd.s32 $0xFFFFE000  }
0xf7: {  	[spmem:s2] =	stream.indirect.scatter.add.f32 [tilespmem:s23], [sflag:$0x3], $0x40, s7, s22, $0xb8;
	[tilespmem:$0x10800] =	vst v63  }
0xf8: {  	_ =	swait.ge [sflag:s19], $0x2000  }
0xf9: {  	[sflag:s19] =	ssyncset.done $0x0  }
0xfa: {  	s7 =	sadd.s32 $0xA100, s1;
	[sflag:s19] =	ssyncadd.s32 $0xFFFFE000  }
0xfb: {  	[tilespmem:s23], [sflag:$0x1] =	stream.indirect.gather [hbm4b:s4+s22], $0x40, s7, s22, $0xb8;
	[tilespmem:$0x10800] =	vst v63  }
0xfc: {  	_ =	swait.ge [sflag:s26], $0x2000  }
.Ltmp6:
0xfd: {  	[sflag:s26] =	ssyncset.done $0x0;
	(pc) =	sbr.rel @p1 .LBB2_8-.Ltmp6, $4  }
0xfe: {  	s1 =	sadd.s32 $0xB480, s1;
	[sflag:s26] =	ssyncadd.s32 $0xFFFFE000  }
0xff: {  	[spmem:s2] =	stream.indirect.scatter.add.f32 [tilespmem:s24], [sflag:$0x3], $0x40, s1, s22, $0xb8;
	[tilespmem:$0x10800] =	vst v63  }
0x100: {  	_ =	swait.ge [sflag:s19], $0x2000  }
0x101: {  	s10 =	smov.u32 s11;
	s1 =	sshra.s32 s8, $0x2;
	[sflag:s19] =	ssyncset.done $0x0  }
0x102: {  	s7 =	sadd.s32 $0xA080, s1;
	[sflag:s19] =	ssyncadd.s32 $0xFFFFE000  }
0x103: {  	[tilespmem:s24], [sflag:$0x2] =	stream.indirect.gather [hbm4b:s4+s22], $0x40, s7, s22, $0xb8;
	[tilespmem:$0x10800] =	vst v63  }
0x104: {  	_ =	swait.ge [sflag:s25], $0x2000  }
0x105: {  	[sflag:s25] =	ssyncset.done $0x0  }
0x106: {  	s11 =	sadd.s32 $0xB400, s1;
	[sflag:s25] =	ssyncadd.s32 $0xFFFFE000  }
0x107: {  	[spmem:s2] =	stream.indirect.scatter.add.f32 [tilespmem:s23], [sflag:$0x3], $0x40, s11, s22, $0xb8;
	[tilespmem:$0x10800] =	vst v63  }
0x108: {  	_ =	swait.ge [sflag:s19], $0x2000  }
0x109: {  	[sflag:s19] =	ssyncset.done $0x0  }
0x10a: {  	s8 =	sadd.s32 $0xA100, s1;
	[sflag:s19] =	ssyncadd.s32 $0xFFFFE000  }
0x10b: {  	[tilespmem:s23], [sflag:$0x1] =	stream.indirect.gather [hbm4b:s4+s22], $0x40, s8, s22, $0xb8;
	[tilespmem:$0x10800] =	vst v63  }
0x10c: {  	_ =	swait.ge [sflag:s26], $0x2000  }
0x10d: {  	[sflag:s26] =	ssyncset.done $0x0  }
0x10e: {  	s10 =	sadd.s32 $0xB480, s1;
	[sflag:s26] =	ssyncadd.s32 $0xFFFFE000  }
0x10f: {  	[spmem:s2] =	stream.indirect.scatter.add.f32 [tilespmem:s24], [sflag:$0x3], $0x40, s10, s22, $0xb8;
	[tilespmem:$0x10800] =	vst v63  }
0x110: {  	_ =	swait.ge [sflag:s19], $0x2000  }
0x111: {  	[sflag:s19] =	ssyncset.done $0x0  }
0x112: {  	[sflag:s19] =	ssyncadd.s32 $0xFFFFE000  }
0x113: {  	[tilespmem:s24], [sflag:$0x2] =	stream.indirect.gather [hbm4b:s4+s22], $0x40, s28, s22, $0xb8;
	[tilespmem:$0x10800] =	vst v63  }
0x114: {  	_ =	swait.ge [sflag:s25], $0x2000  }
0x115: {  	[sflag:s25] =	ssyncset.done $0x0  }
0x116: {  	[sflag:s25] =	ssyncadd.s32 $0xFFFFE000  }
0x117: {  	[spmem:s2] =	stream.indirect.scatter.add.f32 [tilespmem:s23], [sflag:$0x3], $0x40, s29, s22, $0xb8;
	[tilespmem:$0x10800] =	vst v63  }
0x118: {  	_ =	swait.ge [sflag:s19], $0x2000  }
0x119: {  	[sflag:s19] =	ssyncset.done $0x0  }
0x11a: {  	[sflag:s19] =	ssyncadd.s32 $0xFFFFE000  }
0x11b: {  	_ =	swait.ge [sflag:s26], $0x2000  }
0x11c: {  	[sflag:s26] =	ssyncset.done $0x0  }
0x11d: {  	[sflag:s26] =	ssyncadd.s32 $0xFFFFE000  }
0x11e: {  	[spmem:s2] =	stream.indirect.scatter.add.f32 [tilespmem:s24], [sflag:$0x3], $0x40, s30, s22, $0xb8;
	[tilespmem:$0x10800] =	vst v63  }
0x11f: {  	_ =	swait.ge [sflag:s19], $0x2000  }
0x120: {  	[sflag:s19] =	ssyncset.done $0x0  }
0x121: {  	s11 =	simm.s32 $0x0;
	[sflag:s19] =	ssyncadd.s32 $0xFFFFE000  }
0x122: {  	[tilespmem:s20], [sflag:$0x3] =	stream.linear.gather [hbm4b:s12+s11], $0x1400, $0x38;
	[tilespmem:$0x10800] =	vst v63  }
0x123: {  	_ =	swait.ge [sflag:s19], $0x1400  }
0x124: {  	[sflag:s19] =	ssyncset.done $0x0  }
0x125: {  	[sflag:s19] =	ssyncadd.s32 $0xFFFFEC00  }
0x126: {  	[tilespmem:s21], [sflag:$0x3] =	stream.linear.gather [hbm4b:s13+s11], $0x1400, $0x38;
	[tilespmem:$0x10800] =	vst v63  }
0x127: {  	_ =	swait.ge [sflag:s19], $0x1400  }
0x128: {  	[sflag:s19] =	ssyncset.done $0x0  }
0x129: {  	[sflag:s19] =	ssyncadd.s32 $0xFFFFEC00  }
0x12a: {  	[tilespmem:s23], [sflag:$0x1] =	stream.indirect.gather [hbm4b:s4+s22], $0x40, s20, s22, $0xb8;
	[tilespmem:$0x10800] =	vst v63  }
0x12b: {  	s7 =	simm.s32 $0xA080  }
0x12c: {  	[tilespmem:s24], [sflag:$0x2] =	stream.indirect.gather [hbm4b:s4+s22], $0x40, s7, s22, $0xb8;
	[tilespmem:$0x10800] =	vst v63  }
0x12d: {  	_ =	swait.ge [sflag:s25], $0x2000  }
0x12e: {  	[sflag:s25] =	ssyncset.done $0x0  }
0x12f: {  	s8 =	simm.s32 $0xB400;
	[sflag:s25] =	ssyncadd.s32 $0xFFFFE000  }
0x130: {  	[spmem:s2] =	stream.indirect.scatter.add.f32 [tilespmem:s23], [sflag:$0x3], $0x40, s8, s22, $0xb8;
	[tilespmem:$0x10800] =	vst v63  }
0x131: {  	_ =	swait.ge [sflag:s19], $0x2000  }
0x132: {  	[sflag:s19] =	ssyncset.done $0x0  }
0x133: {  	s10 =	simm.s32 $0xA100;
	[sflag:s19] =	ssyncadd.s32 $0xFFFFE000  }
0x134: {  	[tilespmem:s23], [sflag:$0x1] =	stream.indirect.gather [hbm4b:s4+s22], $0x40, s10, s22, $0xb8;
	[tilespmem:$0x10800] =	vst v63  }
0x135: {  	_ =	swait.ge [sflag:s26], $0x2000  }
0x136: {  	[sflag:s26] =	ssyncset.done $0x0  }
0x137: {  	s11 =	simm.s32 $0xB480;
	[sflag:s26] =	ssyncadd.s32 $0xFFFFE000  }
0x138: {  	[spmem:s2] =	stream.indirect.scatter.add.f32 [tilespmem:s24], [sflag:$0x3], $0x40, s11, s22, $0xb8;
	[tilespmem:$0x10800] =	vst v63  }
0x139: {  	_ =	swait.ge [sflag:s19], $0x2000  }
0x13a: {  	s1 =	simm.s32 $0x100;
	s10 =	simm.s32 $0x800;
	[sflag:s19] =	ssyncset.done $0x0  }
.LBB2_10:
0x13b: {  	s7 =	sadd.s32 $0xA080, s1  }
0x13c: {  	[sflag:s19] =	ssyncadd.s32 $0xFFFFE000;
	s8 =	smov.u32 s10;
	s11 =	sadd.s32 $0x400, s10  }
0x13d: {  	[tilespmem:s24], [sflag:$0x2] =	stream.indirect.gather [hbm4b:s4+s22], $0x40, s7, s22, $0xb8;
	[tilespmem:$0x10800] =	vst v63  }
0x13e: {  	p1 =	sne.s32 s10, $0x4800;
	_ =	swait.ge [sflag:s25], $0x2000  }
0x13f: {  	[sflag:s25] =	ssyncset.done $0x0  }
0x140: {  	s7 =	sadd.s32 $0xB400, s1;
	[sflag:s25] =	ssyncadd.s32 $0xFFFFE000  }
0x141: {  	[spmem:s2] =	stream.indirect.scatter.add.f32 [tilespmem:s23], [sflag:$0x3], $0x40, s7, s22, $0xb8;
	[tilespmem:$0x10800] =	vst v63  }
0x142: {  	_ =	swait.ge [sflag:s19], $0x2000  }
0x143: {  	[sflag:s19] =	ssyncset.done $0x0  }
0x144: {  	s7 =	sadd.s32 $0xA100, s1;
	[sflag:s19] =	ssyncadd.s32 $0xFFFFE000  }
0x145: {  	[tilespmem:s23], [sflag:$0x1] =	stream.indirect.gather [hbm4b:s4+s22], $0x40, s7, s22, $0xb8;
	[tilespmem:$0x10800] =	vst v63  }
0x146: {  	_ =	swait.ge [sflag:s26], $0x2000  }
.Ltmp7:
0x147: {  	[sflag:s26] =	ssyncset.done $0x0;
	(pc) =	sbr.rel @p1 .LBB2_10-.Ltmp7, $4  }
0x148: {  	s1 =	sadd.s32 $0xB480, s1;
	[sflag:s26] =	ssyncadd.s32 $0xFFFFE000  }
0x149: {  	[spmem:s2] =	stream.indirect.scatter.add.f32 [tilespmem:s24], [sflag:$0x3], $0x40, s1, s22, $0xb8;
	[tilespmem:$0x10800] =	vst v63  }
0x14a: {  	_ =	swait.ge [sflag:s19], $0x2000  }
0x14b: {  	s10 =	smov.u32 s11;
	s1 =	sshra.s32 s8, $0x2;
	[sflag:s19] =	ssyncset.done $0x0  }
.Ltmp8:
0x14c: {  	_ = 	snop;
	(pc) =	sbr.rel .LBB2_11-.Ltmp8, $1  }
0x14d: {  	_ =	sdelay $0x3  }
.LBB2_13:
0x14e: {  	_ =	sfence.sel $0x180000  }
0x14f: {  	[bflag:$0x0] =	sbarrier.arrive $0xFFFF  }
0x150: {  	_ =	strace $0x9000004A  }
0x151: {  	s0 =	stileid.u32;
	[bflag:$0x2] =	sbarrier.arrive $0xFFFF  }
0x152: {  	p0 =	sne.s32 s0, $0x0;
	s0 =	rddreg [dreg:$0x3]  }
0x153: {  	s0 =	sadd.s32 @!p0 $0x100000, s0  }
0x154: {  	[sflag:s0] =	ssyncadd.tile.s32 @!p0 $0x1;
	_ =	shalt  }
.Lfunc_end2:
_tile_overlayer_lowered:
.L_overlay_start_2:
0x155: {  	(tag) =	ssettag $0x2  }
0x156: {  	s0 =	rddreg [dreg:$0x0];
	s2 =	stileid.u32  }
0x157: {  	s1 =	rddreg [dreg:$0x1];
	p0 =	sne.s32 s2, $0x0  }
0x158: {  	s3 =	rddreg [dreg:$0x2];
	[bflag:$0x3] =	sbarrier.arrive $0xFFFF;
	s2 =	simm.s32 @!p0 $0x1C03  }
0x159: {  	[timem:s3], [sflag:s2] =	dma.local @!p0 [hbm:s0], s1  }
0x15a: {  	s0 =	simm.s32 @!p0 $0x3  }
0x15b: {  	_ =	swait.ge @!p0 [sflag:s0], s1  }
0x15c: {  	s1 =	ssub.s32 @!p0 $0x0, s1;
	[sflag:s0] =	ssyncset.done @!p0 $0x0  }
0x15d: {  	[sflag:s0] =	ssyncadd.s32 @!p0 s1  }
0x15e: {  	[bflag:$0x3] =	sbarrier.arrive $0xFFFF  }
0x15f: {  	_ =	shalt  }

// kernel: kernel.17.cloned.1.call-start
scs
__scs_entry_jumppad:
0x0: {  	(pc) =	sbr.rel $0x88, $3  }
0x1: {  	(tag) =	ssettag $0x0;
	lr =	simm.s32 $0x1  }
0x2: {  	[smem:$0x3F8F] =	sst lr;
	_ =	strace $0xD0000000  }
0x3: {  	_ = 	snop  }
0x4: {  	_ = 	snop  }
0x5: {  	_ = 	snop  }
0x6: {  	_ = 	snop  }
0x7: {  	_ = 	snop  }
__scs_overlays_trampoline_lowered:
0x8: {  	[smem:$0x3F9E] =	sst s0  }
0x9: {  	[smem:$0x3F9F] =	sst s1  }
0xa: {  	[smem:$0x3FA0] =	sst s2  }
0xb: {  	[smem:$0x3FA1] =	sst s3  }
0xc: {  	[smem:$0x3FA2] =	sst s4  }
0xd: {  	[smem:$0x3FA3] =	sst s5  }
0xe: {  	[smem:$0x3FA4] =	sst s6  }
0xf: {  	[smem:$0x3FA5] =	sst s7  }
0x10: {  	[smem:$0x3FA6] =	sst s8  }
0x11: {  	[smem:$0x3FA7] =	sst s9;
	s0 =	simm.s32 @!p0 $0x0  }
0x12: {  	s1 =	sld [smem:$0x3F8D];
	s0 =	simm.s32 @p0 $0x1  }
0x13: {  	[smem:$0x3FA8] =	sst s0;
	s0 =	simm.s32 @!p1 $0x0  }
0x14: {  	s2 =	sld [smem:$0x3F8C];
	s0 =	simm.s32 @p1 $0x1  }
0x15: {  	[smem:$0x3FA9] =	sst s0;
	s0 =	simm.s32 @!p2 $0x0  }
0x16: {  	s3 =	sld [smem:$0x3FDB];
	s0 =	simm.s32 @p2 $0x1  }
0x17: {  	s4 =	simm.s32 $0x1BF5;
	[smem:$0x3FAB] =	sst s0  }
0x18: {  	s0 =	sld [smem:$0x3F8E];
	_ =	swait.ge [sflag:s4], $0x0  }
0x19: {  	s7 =	sld [smem:$0x3F8F]  }
0x1a: {  	s8 =	sadd.s32 $0xFFFFE003, lr  }
0x1b: {  	s9 =	sadd.s32 $0xFFFFFEF7, lr;
	s5 =	simm.s32 $0xFFFFFFFF;
	p2 =	slt.u32 s8, $0xFFFFF086  }
0x1c: {  	p1 =	slt.u32 s9, $0xF7A;
	s5 =	simm.s32 @!p2 $0x0  }
0x1d: {  	s5 =	simm.s32 @p1 $0x1;
	p0 =	seq.s32 s7, s2  }
0x1e: {  	s7 =	smul.u32 @!p0 $0xF7A, s2;
	p2 =	seq.s32 @!p0 s5, $0x0  }
0x1f: {  	s9 =	smul.u32 $0xF7A, s1;
	s8 =	simm.s32 @!p0 $0x1BF5;
	p2 =	por !p2, p0  }
0x20: {  	[sflag:s8] =	ssyncset.s32 @!p0 $0xFFFFF086;
	s6 =	sadd.s32 @!p0 s3, s7;
	s7 =	simm.s32 @!p0 $0x108  }
0x21: {  	s3 =	sadd.s32 s3, s9;
	s6 =	sadd.s32 @!p0 $0x88, s6;
	s7 =	simm.s32 @p2 $0x1082  }
0x22: {  	[simem:s7], [sflag:s8] =	dma.local @!p0 [hbm:s6], $0xF7A  }
0x23: {  	s9 =	sor.u32 $0xD0000000, s2;
	s6 =	simm.s32 $0x108;
	_ =	swait.ge @!p0 [sflag:s8], $0x0  }
0x24: {  	s3 =	sadd.s32 $0x88, s3;
	s6 =	simm.s32 @!p1 $0x1082;
	[sflag:s4] =	ssyncset.s32 $0xFFFFF086  }
0x25: {  	[simem:s6], [sflag:s4] =	dma.local [hbm:s3], $0xF7A  }
0x26: {  	[smem:$0x3F8F] =	sst s1;
	(tag) =	ssettag s2;
	_ =	strace s9  }
0x27: {  	s1 =	sld [smem:$0x3F9F]  }
0x28: {  	s2 =	sld [smem:$0x3FA0]  }
0x29: {  	s4 =	sld [smem:$0x3FA2]  }
0x2a: {  	p0 =	seq.s32 s5, $0x0;
	s5 =	sld [smem:$0x3FA3]  }
0x2b: {  	s6 =	sld [smem:$0x3FA4]  }
0x2c: {  	s7 =	sld [smem:$0x3FA5]  }
0x2d: {  	s3 =	simm.s32 $0x108;
	s8 =	sld [smem:$0x3FA6]  }
0x2e: {  	s3 =	simm.s32 @!p0 $0x1082;
	s9 =	sld [smem:$0x3FA7]  }
0x2f: {  	lr =	sadd.s32 s0, s3;
	s0 =	sld [smem:$0x3F9E]  }
0x30: {  	s3 =	sld [smem:$0x3FA1]  }
0x31: {  	[smem:$0x3FAA] =	sst s10  }
0x32: {  	s10 =	sld [smem:$0x3FA8];
	_ =	sdelay $0x3  }
0x33: {  	p0 =	seq.s32 s10, $0x1;
	s10 =	sld [smem:$0x3FAA];
	_ =	sdelay $0x3  }
0x34: {  	[smem:$0x3FAA] =	sst s10  }
0x35: {  	s10 =	sld [smem:$0x3FA9];
	_ =	sdelay $0x3  }
0x36: {  	p1 =	seq.s32 s10, $0x1;
	s10 =	sld [smem:$0x3FAA];
	_ =	sdelay $0x3  }
0x37: {  	[smem:$0x3FAA] =	sst s10  }
0x38: {  	s10 =	sld [smem:$0x3FAB]  }
0x39: {  	_ = 	snop;
	(pc) =	sbr.ind lr, $3  }
0x3a: {  	_ = 	snop  }
0x3b: {  	_ = 	snop  }
0x3c: {  	p2 =	seq.s32 s10, $0x1;
	s10 =	sld [smem:$0x3FAA]  }
0x3d: {  	_ =	shalt  }
0x3e: {  	_ =	shalt  }
0x3f: {  	_ =	shalt  }
0x40: {  	_ =	shalt  }
0x41: {  	_ =	shalt  }
0x42: {  	_ =	shalt  }
0x43: {  	_ =	shalt  }
0x44: {  	_ =	shalt  }
0x45: {  	_ =	shalt  }
0x46: {  	_ =	shalt  }
0x47: {  	_ =	shalt  }
0x48: {  	_ =	shalt  }
0x49: {  	_ =	shalt  }
0x4a: {  	_ =	shalt  }
0x4b: {  	_ =	shalt  }
0x4c: {  	_ =	shalt  }
0x4d: {  	_ =	shalt  }
0x4e: {  	_ =	shalt  }
0x4f: {  	_ =	shalt  }
0x50: {  	_ =	shalt  }
0x51: {  	_ =	shalt  }
0x52: {  	_ =	shalt  }
0x53: {  	_ =	shalt  }
0x54: {  	_ =	shalt  }
0x55: {  	_ =	shalt  }
0x56: {  	_ =	shalt  }
0x57: {  	_ =	shalt  }
0x58: {  	_ =	shalt  }
0x59: {  	_ =	shalt  }
0x5a: {  	_ =	shalt  }
0x5b: {  	_ =	shalt  }
0x5c: {  	_ =	shalt  }
0x5d: {  	_ =	shalt  }
0x5e: {  	_ =	shalt  }
0x5f: {  	_ =	shalt  }
0x60: {  	_ =	shalt  }
0x61: {  	_ =	shalt  }
0x62: {  	_ =	shalt  }
0x63: {  	_ =	shalt  }
0x64: {  	_ =	shalt  }
0x65: {  	_ =	shalt  }
0x66: {  	_ =	shalt  }
0x67: {  	_ =	shalt  }
0x68: {  	_ =	shalt  }
0x69: {  	_ =	shalt  }
0x6a: {  	_ =	shalt  }
0x6b: {  	_ =	shalt  }
0x6c: {  	_ =	shalt  }
0x6d: {  	_ =	shalt  }
0x6e: {  	_ =	shalt  }
0x6f: {  	_ =	shalt  }
0x70: {  	_ =	shalt  }
0x71: {  	_ =	shalt  }
0x72: {  	_ =	shalt  }
0x73: {  	_ =	shalt  }
0x74: {  	_ =	shalt  }
0x75: {  	_ =	shalt  }
0x76: {  	_ =	shalt  }
0x77: {  	_ =	shalt  }
0x78: {  	_ =	shalt  }
0x79: {  	_ =	shalt  }
0x7a: {  	_ =	shalt  }
0x7b: {  	_ =	shalt  }
0x7c: {  	_ =	shalt  }
0x7d: {  	_ =	shalt  }
0x7e: {  	_ =	shalt  }
0x7f: {  	_ =	shalt  }
0x80: {  	_ =	shalt  }
0x81: {  	_ =	shalt  }
0x82: {  	_ =	shalt  }
0x83: {  	_ =	shalt  }
0x84: {  	_ =	shalt  }
0x85: {  	_ =	shalt  }
0x86: {  	_ =	shalt  }
0x87: {  	_ =	shalt  }
.Lfunc_end0:
.L_simem_size_0:
called_computation.2_lowered:
.L_overlay_start_0:
0x88: {  	s2 =	sld [smem:$0x3FD9]  }
0x89: {  	s3 =	sld [smem:$0x3FFE];
	_ =	sdelay $0x1  }
0x8a: {  	s1 =	srdreg.scid  }
0x8b: {  	s0 =	sand.u32 $0x1, s1  }
0x8c: {  	s17 =	sshll.u32 s0, $0xA;
	s2 =	sadd.s32 s3, s2  }
0x8d: {  	s2 =	sadd.s32 s2, s17  }
0x8e: {  	[smem:$0x3FB6] =	sst s2  }
0x8f: {  	_ = 	snop  }
0x90: {  	s2 =	sld [smem:$0x3FD0];
	(tm) =	ssettm $0x1  }
0x91: {  	s18 =	sld [smem:$0x3FFB];
	_ =	sdelay $0x3  }
0x92: {  	_ =	strace s18  }
0x93: {  	s3 =	sld [smem:$0x3FFC];
	_ =	sdelay $0x3  }
0x94: {  	_ =	strace s3  }
0x95: {  	s3 =	sld [smem:$0x3FFD];
	_ =	sdelay $0x3  }
0x96: {  	_ =	strace s3  }
0x97: {  	_ =	strace $0x8FFFFFFF  }
0x98: {  	s19 =	sld [smem:$0x3FDB];
	_ =	sdelay $0x1  }
0x99: {  	s4 =	simm.s32 $_scs_section_size  }
0x9a: {  	s5 =	simm.s32 $_size__tile_overlayer_lowered;
	s6 =	simm.s32 $_tile_overlayer_lowered  }
0x9b: {  	s22 =	simm.s32 $0x1BFF;
	s21 =	sshll.u32 s6, $0x1;
	s3 =	sadd.s32 s4, s19  }
0x9c: {  	s7 =	simm.s32 $0x0;
	s20 =	sshll.u32 s5, $0x1;
	s5 =	sadd.s32 s21, s3  }
0x9d: {  	[timem:s7], [sflag:s22] =	dma.local [hbm:s5], s20  }
0x9e: {  	_ =	swait.ge [sflag:s22], s20  }
0x9f: {  	s4 =	ssub.s32 $0x0, s20;
	[sflag:s22] =	ssyncset.done $0x0  }
0xa0: {  	[sflag:s22] =	ssyncadd.s32 s4;
	_ =	sdelay $0x1  }
0xa1: {  	s23 =	simm.s32 $0x1B8B  }
0xa2: {  	_ =	swait.ge [sflag:s23], $0x1  }
0xa3: {  	[sflag:s23] =	ssyncset.done $0x0  }
0xa4: {  	s25 =	simm.s32 $0x1B8E;
	s24 =	sld [smem:$0x3FFE];
	[sflag:s23] =	ssyncadd.s32 $0xFFFFFFFF  }
0xa5: {  	s26 =	simm.s32 $execute0_lowered;
	[smem:$0x3FD2] =	sst s25  }
0xa6: {  	s5 =	sshll.u32 s26, $0x1;
	_ =	strace $0x8000004C;
	[dreg:$0x1] =	wrdreg $0xFFFFFFFF  }
0xa7: {  	s28 =	simm.s32 $_size_execute0_lowered;
	s3 =	sadd.s32 s3, s5;
	[dreg:$0x0] =	wrdreg $0x0  }
0xa8: {  	s5 =	sshll.u32 s28, $0x1;
	[dreg:$0x2] =	wrdreg s3  }
0xa9: {  	[dreg:$0x3] =	wrdreg s5  }
0xaa: {  	[dreg:$0x4] =	wrdreg $0xC0  }
0xab: {  	_ =	task [dreg:s7], $0x5FFFF  }
0xac: {  	[dreg:$0x1] =	wrdreg $0xFFFFFFFF  }
0xad: {  	[dreg:$0x0] =	wrdreg $0x60  }
0xae: {  	[dreg:$0x2] =	wrdreg s24  }
0xaf: {  	[dreg:$0x3] =	wrdreg s2  }
0xb0: {  	[dreg:$0x4] =	wrdreg $0x0  }
0xb1: {  	[dreg:$0x5] =	wrdreg $0x9  }
0xb2: {  	_ =	task.clear_ibuf [dreg:s7], $0x6FFFF;
	_ =	strace $0x9000004C  }
0xb3: {  	s29 =	simm.s32 $0x9;
	_ =	strace $0x8000004E  }
0xb4: {  	_ =	swait.ge [sflag:s29], $0x1  }
0xb5: {  	[sflag:s29] =	ssyncadd.s32 $0xFFFFFFFF  }
0xb6: {  	_ =	strace $0x9000004E  }
0xb7: {  	_ =	sfence  }
0xb8: {  	s30 =	sld [smem:$0x0];
	_ =	sdelay $0x2  }
0xb9: {  	s31 =	sshll.u32 s1, $0xD;
	s1 =	sshrl.u32 s1, $0x2  }
0xba: {  	s3 =	sand.u32 $0x4000, s31;
	s1 =	sadd.s32 s1, s30  }
0xbb: {  	s0 =	sor.u32 s3, s0;
	s1 =	sshll.u32 s1, $0x11  }
0xbc: {  	s0 =	sor.u32 s1, s0  }
0xbd: {  	s0 =	sadd.s32 $0x8F2B, s0  }
0xbe: {  	[sflag:s0] =	ssyncadd.remote.s32 $0x1  }
0xbf: {  	_ =	sfence.sel $0xFFFF  }
0xc0: {  	[dreg:$0x0] =	wrdreg $0xFFFFFFFF;
	(pc) =	sbr.abs _section_cstart, $3  }
0xc1: {  	[dreg:$0x1] =	wrdreg $0xFFFFFFFF  }
0xc2: {  	_ =	task.clear_ibuf [dreg:s7], $0x2FFFF;
	_ =	strace $0x9FFFFFFF  }
0xc3: {  	(tm) =	ssettm $0x7FFFFFFF  }
tec
execute0_lowered:
.L_overlay_start_1:
0x0: {  	(tag) =	ssettag $0x1  }
0x1: {  	s0 =	rddreg [dreg:$0x0]  }
0x2: {  	s1 =	rddreg [dreg:$0x1]  }
0x3: {  	s2 =	rddreg [dreg:$0x2];
	s3 =	simm.s32 $0x0;
	s7 =	stileid.u32  }
0x4: {  	s6 =	srdreg.scid;
	s28 =	simm.s32 $0x2;
	s29 =	simm.s32 $0x15380  }
0x5: {  	s30 =	simm.s32 $0x16700;
	s31 =	simm.s32 $0x16780;
	[smem:$0x7FF] =	sst s3  }
0x6: {  	s8 =	smul.u32 $0x14000, s7;
	s4 =	sadd.s32 $0x6E800, s0;
	s17 =	sadd.s32 $0x3C800, s0  }
0x7: {  	s19 =	sand.u32 $0x1, s6;
	s21 =	sadd.s32 $0xBE800, s0;
	s18 =	smul.u32 $0x500, s7  }
0x8: {  	s23 =	sshll.u32 s7, $0x6;
	_ =	strace $0x8000004D;
	[dreg:$0x4] =	wrdreg s21  }
0x9: {  	s10 =	ssub.s32 $0x2, s19;
	p0 =	sne.s32 s19, $0x0;
	s21 =	simm.s32 $0x14000  }
0xa: {  	s5 =	sshrl.u32 s8, $0x3;
	s22 =	sshrl.u32 s10, $0x1;
	s20 =	sadd.s32 s8, s2  }
0xb: {  	s12 =	sadd.s32 $0x5000, s18;
	s25 =	sadd.s32 $0x5280, s18;
	s15 =	sadd.s32 s17, s18  }
0xc: {  	s16 =	sadd.s32 s1, s18;
	s26 =	sadd.s32 $0x280, s18;
	s9 =	sadd.s32 s5, s0  }
0xd: {  	s0 =	sadd.s32 $0xE6800, s0;
	s24 =	sadd.s32 s17, s12;
	s12 =	sadd.s32 s1, s12  }
0xe: {  	s13 =	sadd.s32 s17, s25;
	s14 =	sadd.s32 s1, s25;
	s17 =	sadd.s32 s17, s26  }
.Ltmp0:
0xf: {  	s18 =	sadd.s32 s1, s26;
	s19 =	sshrl.u32 s20, $0x3;
	(pc) =	sbr.rel .LBB2_1-.Ltmp0, $4  }
0x10: {  	s20 =	simm.s32 $0x3;
	s25 =	simm.s32 $0x1A800;
	s26 =	simm.s32 $0x1  }
0x11: {  	[dreg:$0x5] =	wrdreg s0;
	s0 =	ssub.s32 s10, s22;
	s8 =	sadd.s32 $0x96800, s9  }
0x12: {  	s9 =	sor.u32 $0x1C03, s23;
	[dreg:$0x6] =	wrdreg s24;
	s22 =	simm.s32 $0x15400  }
0x13: {  	s23 =	simm.s32 $0x80;
	s24 =	simm.s32 $0x16800;
	s10 =	smax.u32 s0, $0x1  }
.LBB2_11:
0x14: {  	s1 =	sadd.s32 $0x14080, s0;
	[sflag:s20] =	ssyncadd.s32 $0xFFFFC000  }
0x15: {  	[tilespmem:s25], [sflag:$0x2] =	stream.indirect.gather [hbm4b:s4+s23], $0x80, s1, s23, $0xb8;
	[tilespmem:$0x1E800] =	vst v63  }
0x16: {  	_ =	swait.ge [sflag:s26], $0x4000  }
0x17: {  	[sflag:s26] =	ssyncset.done $0x0  }
0x18: {  	s6 =	sadd.s32 $0x15400, s0;
	[sflag:s26] =	ssyncadd.s32 $0xFFFFC000  }
0x19: {  	[spmem:s2] =	stream.indirect.scatter.add.f32 [tilespmem:s24], [sflag:$0x3], $0x80, s6, s23, $0xb8;
	[tilespmem:$0x1E800] =	vst v63  }
0x1a: {  	_ =	swait.ge [sflag:s20], $0x4000  }
0x1b: {  	[sflag:s20] =	ssyncset.done $0x0  }
0x1c: {  	s7 =	sadd.s32 $0x14100, s0;
	[sflag:s20] =	ssyncadd.s32 $0xFFFFC000  }
0x1d: {  	[tilespmem:s24], [sflag:$0x1] =	stream.indirect.gather [hbm4b:s4+s23], $0x80, s7, s23, $0xb8;
	[tilespmem:$0x1E800] =	vst v63  }
0x1e: {  	_ =	swait.ge [sflag:s28], $0x4000  }
0x1f: {  	[sflag:s28] =	ssyncset.done $0x0  }
0x20: {  	s11 =	sadd.s32 $0x15480, s0;
	[sflag:s28] =	ssyncadd.s32 $0xFFFFC000  }
0x21: {  	[spmem:s2] =	stream.indirect.scatter.add.f32 [tilespmem:s25], [sflag:$0x3], $0x80, s11, s23, $0xb8;
	[tilespmem:$0x1E800] =	vst v63  }
0x22: {  	_ =	swait.ge [sflag:s20], $0x4000  }
0x23: {  	[sflag:s20] =	ssyncset.done $0x0  }
0x24: {  	[sflag:s20] =	ssyncadd.s32 $0xFFFFC000  }
0x25: {  	[tilespmem:s25], [sflag:$0x2] =	stream.indirect.gather [hbm4b:s4+s23], $0x80, s29, s23, $0xb8;
	[tilespmem:$0x1E800] =	vst v63  }
0x26: {  	_ =	swait.ge [sflag:s26], $0x4000  }
0x27: {  	[sflag:s26] =	ssyncset.done $0x0  }
0x28: {  	[sflag:s26] =	ssyncadd.s32 $0xFFFFC000  }
0x29: {  	[spmem:s2] =	stream.indirect.scatter.add.f32 [tilespmem:s24], [sflag:$0x3], $0x80, s30, s23, $0xb8;
	[tilespmem:$0x1E800] =	vst v63  }
0x2a: {  	_ =	swait.ge [sflag:s20], $0x4000  }
0x2b: {  	[sflag:s20] =	ssyncset.done $0x0  }
0x2c: {  	[sflag:s20] =	ssyncadd.s32 $0xFFFFC000  }
0x2d: {  	_ =	swait.ge [sflag:s28], $0x4000  }
0x2e: {  	[sflag:s28] =	ssyncset.done $0x0  }
0x2f: {  	[sflag:s28] =	ssyncadd.s32 $0xFFFFC000  }
0x30: {  	[spmem:s2] =	stream.indirect.scatter.add.f32 [tilespmem:s25], [sflag:$0x3], $0x80, s31, s23, $0xb8;
	[tilespmem:$0x1E800] =	vst v63  }
0x31: {  	_ =	swait.ge [sflag:s20], $0x4000  }
0x32: {  	[sflag:s20] =	ssyncset.done $0x0  }
0x33: {  	s0 =	rddreg [dreg:$0x5];
	[sflag:s20] =	ssyncadd.s32 $0xFFFFC000  }
.LBB2_12:
0x34: {  	s3 =	sadd.s32 $0x1, s3  }
0x35: {  	p1 =	sne.s32 s3, s10  }
.Ltmp1:
0x36: {  	s0 =	sadd.s32 s0, s5;
	[bflag:$0x0] =	sbarrier.arrive $0xFFFF;
	(pc) =	sbr.rel @!p1 .LBB2_13-.Ltmp1, $4  }
0x37: {  	[hbm:s0], [sflag:s9] =	dma.local [spmem:s19], $0x2800  }
0x38: {  	_ =	swait.ge [sflag:s20], $0x2800  }
0x39: {  	[sflag:s20] =	ssyncset.done $0x0  }
0x3a: {  	[sflag:s20] =	ssyncadd.s32 $0xFFFFD800  }
.LBB2_1:
0x3b: {  	[spmem:s19], [sflag:s9] =	dma.local [hbm:s8], $0x2800  }
.Ltmp2:
0x3c: {  	_ =	swait.ge [sflag:s20], $0x2800;
	(pc) =	sbr.rel @p0 .LBB2_7-.Ltmp2, $4  }
0x3d: {  	[sflag:s20] =	ssyncset.done $0x0  }
0x3e: {  	[sflag:s20] =	ssyncadd.s32 $0xFFFFD800  }
0x3f: {  	[bflag:$0x0] =	sbarrier.arrive $0xFFFF  }
0x40: {  	s0 =	simm.s32 $0x0  }
0x41: {  	[tilespmem:s21], [sflag:$0x3] =	stream.linear.gather [hbm4b:s15+s0], $0x1400, $0x38;
	[tilespmem:$0x1E800] =	vst v63  }
0x42: {  	_ =	swait.ge [sflag:s20], $0x1400  }
0x43: {  	[sflag:s20] =	ssyncset.done $0x0  }
0x44: {  	[sflag:s20] =	ssyncadd.s32 $0xFFFFEC00  }
0x45: {  	[tilespmem:s22], [sflag:$0x3] =	stream.linear.gather [hbm4b:s16+s0], $0x1400, $0x38;
	[tilespmem:$0x1E800] =	vst v63  }
0x46: {  	_ =	swait.ge [sflag:s20], $0x1400  }
0x47: {  	[sflag:s20] =	ssyncset.done $0x0  }
0x48: {  	[sflag:s20] =	ssyncadd.s32 $0xFFFFEC00  }
0x49: {  	[tilespmem:s24], [sflag:$0x1] =	stream.indirect.gather [hbm4b:s4+s23], $0x80, s21, s23, $0xb8;
	[tilespmem:$0x1E800] =	vst v63  }
0x4a: {  	s1 =	simm.s32 $0x14080  }
0x4b: {  	[tilespmem:s25], [sflag:$0x2] =	stream.indirect.gather [hbm4b:s4+s23], $0x80, s1, s23, $0xb8;
	[tilespmem:$0x1E800] =	vst v63  }
0x4c: {  	_ =	swait.ge [sflag:s26], $0x4000  }
0x4d: {  	[sflag:s26] =	ssyncset.done $0x0  }
0x4e: {  	s6 =	simm.s32 $0x15400;
	[sflag:s26] =	ssyncadd.s32 $0xFFFFC000  }
0x4f: {  	[spmem:s2] =	stream.indirect.scatter.add.f32 [tilespmem:s24], [sflag:$0x3], $0x80, s6, s23, $0xb8;
	[tilespmem:$0x1E800] =	vst v63  }
0x50: {  	_ =	swait.ge [sflag:s20], $0x4000  }
0x51: {  	[sflag:s20] =	ssyncset.done $0x0  }
0x52: {  	s7 =	simm.s32 $0x14100;
	[sflag:s20] =	ssyncadd.s32 $0xFFFFC000  }
0x53: {  	[tilespmem:s24], [sflag:$0x1] =	stream.indirect.gather [hbm4b:s4+s23], $0x80, s7, s23, $0xb8;
	[tilespmem:$0x1E800] =	vst v63  }
0x54: {  	_ =	swait.ge [sflag:s28], $0x4000  }
0x55: {  	[sflag:s28] =	ssyncset.done $0x0  }
0x56: {  	s11 =	simm.s32 $0x15480;
	[sflag:s28] =	ssyncadd.s32 $0xFFFFC000  }
0x57: {  	[spmem:s2] =	stream.indirect.scatter.add.f32 [tilespmem:s25], [sflag:$0x3], $0x80, s11, s23, $0xb8;
	[tilespmem:$0x1E800] =	vst v63  }
0x58: {  	_ =	swait.ge [sflag:s20], $0x4000  }
0x59: {  	s0 =	simm.s32 $0x100;
	s1 =	simm.s32 $0x800;
	[sflag:s20] =	ssyncset.done $0x0  }
.LBB2_3:
0x5a: {  	s6 =	sadd.s32 $0x14080, s0  }
0x5b: {  	[sflag:s20] =	ssyncadd.s32 $0xFFFFC000;
	s7 =	smov.u32 s1;
	s11 =	sadd.s32 $0x400, s1  }
0x5c: {  	[tilespmem:s25], [sflag:$0x2] =	stream.indirect.gather [hbm4b:s4+s23], $0x80, s6, s23, $0xb8;
	[tilespmem:$0x1E800] =	vst v63  }
0x5d: {  	p1 =	sne.s32 s1, $0x4800;
	_ =	swait.ge [sflag:s26], $0x4000  }
0x5e: {  	[sflag:s26] =	ssyncset.done $0x0  }
0x5f: {  	s1 =	sadd.s32 $0x15400, s0;
	[sflag:s26] =	ssyncadd.s32 $0xFFFFC000  }
0x60: {  	[spmem:s2] =	stream.indirect.scatter.add.f32 [tilespmem:s24], [sflag:$0x3], $0x80, s1, s23, $0xb8;
	[tilespmem:$0x1E800] =	vst v63  }
0x61: {  	_ =	swait.ge [sflag:s20], $0x4000  }
0x62: {  	[sflag:s20] =	ssyncset.done $0x0  }
0x63: {  	s1 =	sadd.s32 $0x14100, s0;
	[sflag:s20] =	ssyncadd.s32 $0xFFFFC000  }
0x64: {  	[tilespmem:s24], [sflag:$0x1] =	stream.indirect.gather [hbm4b:s4+s23], $0x80, s1, s23, $0xb8;
	[tilespmem:$0x1E800] =	vst v63  }
0x65: {  	_ =	swait.ge [sflag:s28], $0x4000  }
.Ltmp3:
0x66: {  	[sflag:s28] =	ssyncset.done $0x0;
	(pc) =	sbr.rel @p1 .LBB2_3-.Ltmp3, $4  }
0x67: {  	s0 =	sadd.s32 $0x15480, s0;
	[sflag:s28] =	ssyncadd.s32 $0xFFFFC000  }
0x68: {  	[spmem:s2] =	stream.indirect.scatter.add.f32 [tilespmem:s25], [sflag:$0x3], $0x80, s0, s23, $0xb8;
	[tilespmem:$0x1E800] =	vst v63  }
0x69: {  	_ =	swait.ge [sflag:s20], $0x4000  }
0x6a: {  	s1 =	smov.u32 s11;
	s0 =	sshra.s32 s7, $0x2;
	[sflag:s20] =	ssyncset.done $0x0  }
0x6b: {  	s1 =	sadd.s32 $0x14080, s0;
	[sflag:s20] =	ssyncadd.s32 $0xFFFFC000  }
0x6c: {  	[tilespmem:s25], [sflag:$0x2] =	stream.indirect.gather [hbm4b:s4+s23], $0x80, s1, s23, $0xb8;
	[tilespmem:$0x1E800] =	vst v63  }
0x6d: {  	_ =	swait.ge [sflag:s26], $0x4000  }
0x6e: {  	[sflag:s26] =	ssyncset.done $0x0  }
0x6f: {  	s11 =	sadd.s32 $0x15400, s0;
	[sflag:s26] =	ssyncadd.s32 $0xFFFFC000  }
0x70: {  	[spmem:s2] =	stream.indirect.scatter.add.f32 [tilespmem:s24], [sflag:$0x3], $0x80, s11, s23, $0xb8;
	[tilespmem:$0x1E800] =	vst v63  }
0x71: {  	_ =	swait.ge [sflag:s20], $0x4000  }
0x72: {  	[sflag:s20] =	ssyncset.done $0x0  }
0x73: {  	s6 =	sadd.s32 $0x14100, s0;
	[sflag:s20] =	ssyncadd.s32 $0xFFFFC000  }
0x74: {  	[tilespmem:s24], [sflag:$0x1] =	stream.indirect.gather [hbm4b:s4+s23], $0x80, s6, s23, $0xb8;
	[tilespmem:$0x1E800] =	vst v63  }
0x75: {  	_ =	swait.ge [sflag:s28], $0x4000  }
0x76: {  	[sflag:s28] =	ssyncset.done $0x0  }
0x77: {  	s7 =	sadd.s32 $0x15480, s0;
	[sflag:s28] =	ssyncadd.s32 $0xFFFFC000  }
0x78: {  	[spmem:s2] =	stream.indirect.scatter.add.f32 [tilespmem:s25], [sflag:$0x3], $0x80, s7, s23, $0xb8;
	[tilespmem:$0x1E800] =	vst v63  }
0x79: {  	_ =	swait.ge [sflag:s20], $0x4000  }
0x7a: {  	[sflag:s20] =	ssyncset.done $0x0  }
0x7b: {  	[sflag:s20] =	ssyncadd.s32 $0xFFFFC000  }
0x7c: {  	[tilespmem:s25], [sflag:$0x2] =	stream.indirect.gather [hbm4b:s4+s23], $0x80, s29, s23, $0xb8;
	[tilespmem:$0x1E800] =	vst v63  }
0x7d: {  	_ =	swait.ge [sflag:s26], $0x4000  }
0x7e: {  	[sflag:s26] =	ssyncset.done $0x0  }
0x7f: {  	[sflag:s26] =	ssyncadd.s32 $0xFFFFC000  }
0x80: {  	[spmem:s2] =	stream.indirect.scatter.add.f32 [tilespmem:s24], [sflag:$0x3], $0x80, s30, s23, $0xb8;
	[tilespmem:$0x1E800] =	vst v63  }
0x81: {  	_ =	swait.ge [sflag:s20], $0x4000  }
0x82: {  	[sflag:s20] =	ssyncset.done $0x0  }
0x83: {  	[sflag:s20] =	ssyncadd.s32 $0xFFFFC000  }
0x84: {  	_ =	swait.ge [sflag:s28], $0x4000  }
0x85: {  	[sflag:s28] =	ssyncset.done $0x0  }
0x86: {  	[sflag:s28] =	ssyncadd.s32 $0xFFFFC000  }
0x87: {  	[spmem:s2] =	stream.indirect.scatter.add.f32 [tilespmem:s25], [sflag:$0x3], $0x80, s31, s23, $0xb8;
	[tilespmem:$0x1E800] =	vst v63  }
0x88: {  	_ =	swait.ge [sflag:s20], $0x4000  }
0x89: {  	[sflag:s20] =	ssyncset.done $0x0  }
0x8a: {  	s11 =	simm.s32 $0x0;
	[sflag:s20] =	ssyncadd.s32 $0xFFFFC000  }
0x8b: {  	[tilespmem:s21], [sflag:$0x3] =	stream.linear.gather [hbm4b:s17+s11], $0x1400, $0x38;
	[tilespmem:$0x1E800] =	vst v63  }
0x8c: {  	_ =	swait.ge [sflag:s20], $0x1400  }
0x8d: {  	[sflag:s20] =	ssyncset.done $0x0  }
0x8e: {  	[sflag:s20] =	ssyncadd.s32 $0xFFFFEC00  }
0x8f: {  	[tilespmem:s22], [sflag:$0x3] =	stream.linear.gather [hbm4b:s18+s11], $0x1400, $0x38;
	[tilespmem:$0x1E800] =	vst v63  }
0x90: {  	_ =	swait.ge [sflag:s20], $0x1400  }
0x91: {  	[sflag:s20] =	ssyncset.done $0x0  }
0x92: {  	[sflag:s20] =	ssyncadd.s32 $0xFFFFEC00  }
0x93: {  	[tilespmem:s24], [sflag:$0x1] =	stream.indirect.gather [hbm4b:s4+s23], $0x80, s21, s23, $0xb8;
	[tilespmem:$0x1E800] =	vst v63  }
0x94: {  	s1 =	simm.s32 $0x14080  }
0x95: {  	[tilespmem:s25], [sflag:$0x2] =	stream.indirect.gather [hbm4b:s4+s23], $0x80, s1, s23, $0xb8;
	[tilespmem:$0x1E800] =	vst v63  }
0x96: {  	_ =	swait.ge [sflag:s26], $0x4000  }
0x97: {  	[sflag:s26] =	ssyncset.done $0x0  }
0x98: {  	s6 =	simm.s32 $0x15400;
	[sflag:s26] =	ssyncadd.s32 $0xFFFFC000  }
0x99: {  	[spmem:s2] =	stream.indirect.scatter.add.f32 [tilespmem:s24], [sflag:$0x3], $0x80, s6, s23, $0xb8;
	[tilespmem:$0x1E800] =	vst v63  }
0x9a: {  	_ =	swait.ge [sflag:s20], $0x4000  }
0x9b: {  	[sflag:s20] =	ssyncset.done $0x0  }
0x9c: {  	s7 =	simm.s32 $0x14100;
	[sflag:s20] =	ssyncadd.s32 $0xFFFFC000  }
0x9d: {  	[tilespmem:s24], [sflag:$0x1] =	stream.indirect.gather [hbm4b:s4+s23], $0x80, s7, s23, $0xb8;
	[tilespmem:$0x1E800] =	vst v63  }
0x9e: {  	_ =	swait.ge [sflag:s28], $0x4000  }
0x9f: {  	[sflag:s28] =	ssyncset.done $0x0  }
0xa0: {  	s11 =	simm.s32 $0x15480;
	[sflag:s28] =	ssyncadd.s32 $0xFFFFC000  }
0xa1: {  	[spmem:s2] =	stream.indirect.scatter.add.f32 [tilespmem:s25], [sflag:$0x3], $0x80, s11, s23, $0xb8;
	[tilespmem:$0x1E800] =	vst v63  }
0xa2: {  	_ =	swait.ge [sflag:s20], $0x4000  }
0xa3: {  	s0 =	simm.s32 $0x100;
	s1 =	simm.s32 $0x800;
	[sflag:s20] =	ssyncset.done $0x0  }
.LBB2_5:
0xa4: {  	s6 =	sadd.s32 $0x14080, s0  }
0xa5: {  	[sflag:s20] =	ssyncadd.s32 $0xFFFFC000;
	s7 =	smov.u32 s1;
	s11 =	sadd.s32 $0x400, s1  }
0xa6: {  	[tilespmem:s25], [sflag:$0x2] =	stream.indirect.gather [hbm4b:s4+s23], $0x80, s6, s23, $0xb8;
	[tilespmem:$0x1E800] =	vst v63  }
0xa7: {  	p1 =	sne.s32 s1, $0x4800;
	_ =	swait.ge [sflag:s26], $0x4000  }
0xa8: {  	[sflag:s26] =	ssyncset.done $0x0  }
0xa9: {  	s1 =	sadd.s32 $0x15400, s0;
	[sflag:s26] =	ssyncadd.s32 $0xFFFFC000  }
0xaa: {  	[spmem:s2] =	stream.indirect.scatter.add.f32 [tilespmem:s24], [sflag:$0x3], $0x80, s1, s23, $0xb8;
	[tilespmem:$0x1E800] =	vst v63  }
0xab: {  	_ =	swait.ge [sflag:s20], $0x4000  }
0xac: {  	[sflag:s20] =	ssyncset.done $0x0  }
0xad: {  	s1 =	sadd.s32 $0x14100, s0;
	[sflag:s20] =	ssyncadd.s32 $0xFFFFC000  }
0xae: {  	[tilespmem:s24], [sflag:$0x1] =	stream.indirect.gather [hbm4b:s4+s23], $0x80, s1, s23, $0xb8;
	[tilespmem:$0x1E800] =	vst v63  }
0xaf: {  	_ =	swait.ge [sflag:s28], $0x4000  }
.Ltmp4:
0xb0: {  	[sflag:s28] =	ssyncset.done $0x0;
	(pc) =	sbr.rel @p1 .LBB2_5-.Ltmp4, $4  }
0xb1: {  	s0 =	sadd.s32 $0x15480, s0;
	[sflag:s28] =	ssyncadd.s32 $0xFFFFC000  }
0xb2: {  	[spmem:s2] =	stream.indirect.scatter.add.f32 [tilespmem:s25], [sflag:$0x3], $0x80, s0, s23, $0xb8;
	[tilespmem:$0x1E800] =	vst v63  }
0xb3: {  	_ =	swait.ge [sflag:s20], $0x4000  }
0xb4: {  	s1 =	smov.u32 s11;
	s0 =	sshra.s32 s7, $0x2;
	[sflag:s20] =	ssyncset.done $0x0  }
0xb5: {  	s1 =	sadd.s32 $0x14080, s0;
	[sflag:s20] =	ssyncadd.s32 $0xFFFFC000  }
0xb6: {  	[tilespmem:s25], [sflag:$0x2] =	stream.indirect.gather [hbm4b:s4+s23], $0x80, s1, s23, $0xb8;
	[tilespmem:$0x1E800] =	vst v63  }
0xb7: {  	_ =	swait.ge [sflag:s26], $0x4000  }
0xb8: {  	[sflag:s26] =	ssyncset.done $0x0  }
0xb9: {  	s6 =	sadd.s32 $0x15400, s0;
	[sflag:s26] =	ssyncadd.s32 $0xFFFFC000  }
0xba: {  	[spmem:s2] =	stream.indirect.scatter.add.f32 [tilespmem:s24], [sflag:$0x3], $0x80, s6, s23, $0xb8;
	[tilespmem:$0x1E800] =	vst v63  }
0xbb: {  	_ =	swait.ge [sflag:s20], $0x4000  }
0xbc: {  	[sflag:s20] =	ssyncset.done $0x0  }
0xbd: {  	s7 =	sadd.s32 $0x14100, s0;
	[sflag:s20] =	ssyncadd.s32 $0xFFFFC000  }
0xbe: {  	[tilespmem:s24], [sflag:$0x1] =	stream.indirect.gather [hbm4b:s4+s23], $0x80, s7, s23, $0xb8;
	[tilespmem:$0x1E800] =	vst v63  }
0xbf: {  	_ =	swait.ge [sflag:s28], $0x4000  }
0xc0: {  	[sflag:s28] =	ssyncset.done $0x0  }
0xc1: {  	s11 =	sadd.s32 $0x15480, s0;
	[sflag:s28] =	ssyncadd.s32 $0xFFFFC000  }
0xc2: {  	[spmem:s2] =	stream.indirect.scatter.add.f32 [tilespmem:s25], [sflag:$0x3], $0x80, s11, s23, $0xb8;
	[tilespmem:$0x1E800] =	vst v63  }
0xc3: {  	_ =	swait.ge [sflag:s20], $0x4000  }
0xc4: {  	[sflag:s20] =	ssyncset.done $0x0  }
0xc5: {  	[sflag:s20] =	ssyncadd.s32 $0xFFFFC000  }
0xc6: {  	[tilespmem:s25], [sflag:$0x2] =	stream.indirect.gather [hbm4b:s4+s23], $0x80, s29, s23, $0xb8;
	[tilespmem:$0x1E800] =	vst v63  }
0xc7: {  	_ =	swait.ge [sflag:s26], $0x4000  }
0xc8: {  	[sflag:s26] =	ssyncset.done $0x0  }
0xc9: {  	[sflag:s26] =	ssyncadd.s32 $0xFFFFC000  }
0xca: {  	[spmem:s2] =	stream.indirect.scatter.add.f32 [tilespmem:s24], [sflag:$0x3], $0x80, s30, s23, $0xb8;
	[tilespmem:$0x1E800] =	vst v63  }
0xcb: {  	_ =	swait.ge [sflag:s20], $0x4000  }
0xcc: {  	[sflag:s20] =	ssyncset.done $0x0  }
0xcd: {  	[sflag:s20] =	ssyncadd.s32 $0xFFFFC000  }
0xce: {  	_ =	swait.ge [sflag:s28], $0x4000  }
0xcf: {  	[sflag:s28] =	ssyncset.done $0x0  }
.Ltmp5:
0xd0: {  	[sflag:s28] =	ssyncadd.s32 $0xFFFFC000;
	(pc) =	sbr.rel .LBB2_12-.Ltmp5, $4  }
0xd1: {  	[spmem:s2] =	stream.indirect.scatter.add.f32 [tilespmem:s25], [sflag:$0x3], $0x80, s31, s23, $0xb8;
	[tilespmem:$0x1E800] =	vst v63  }
0xd2: {  	_ =	swait.ge [sflag:s20], $0x4000  }
0xd3: {  	[sflag:s20] =	ssyncset.done $0x0  }
0xd4: {  	s0 =	rddreg [dreg:$0x4];
	[sflag:s20] =	ssyncadd.s32 $0xFFFFC000  }
.LBB2_7:
0xd5: {  	s1 =	rddreg [dreg:$0x6]  }
0xd6: {  	[tilespmem:s21], [sflag:$0x3] =	stream.linear.gather [hbm4b:s1+s0], $0x1400, $0x38;
	[tilespmem:$0x1E800] =	vst v63  }
0xd7: {  	_ =	swait.ge [sflag:s20], $0x1400  }
0xd8: {  	[sflag:s20] =	ssyncset.done $0x0  }
0xd9: {  	[sflag:s20] =	ssyncadd.s32 $0xFFFFEC00  }
0xda: {  	[tilespmem:s22], [sflag:$0x3] =	stream.linear.gather [hbm4b:s12+s0], $0x1400, $0x38;
	[tilespmem:$0x1E800] =	vst v63  }
0xdb: {  	_ =	swait.ge [sflag:s20], $0x1400  }
0xdc: {  	[sflag:s20] =	ssyncset.done $0x0  }
0xdd: {  	[sflag:s20] =	ssyncadd.s32 $0xFFFFEC00  }
0xde: {  	[tilespmem:s24], [sflag:$0x1] =	stream.indirect.gather [hbm4b:s4+s23], $0x80, s21, s23, $0xb8;
	[tilespmem:$0x1E800] =	vst v63  }
0xdf: {  	s1 =	simm.s32 $0x14080  }
0xe0: {  	[tilespmem:s25], [sflag:$0x2] =	stream.indirect.gather [hbm4b:s4+s23], $0x80, s1, s23, $0xb8;
	[tilespmem:$0x1E800] =	vst v63  }
0xe1: {  	_ =	swait.ge [sflag:s26], $0x4000  }
0xe2: {  	[sflag:s26] =	ssyncset.done $0x0  }
0xe3: {  	s6 =	simm.s32 $0x15400;
	[sflag:s26] =	ssyncadd.s32 $0xFFFFC000  }
0xe4: {  	[spmem:s2] =	stream.indirect.scatter.add.f32 [tilespmem:s24], [sflag:$0x3], $0x80, s6, s23, $0xb8;
	[tilespmem:$0x1E800] =	vst v63  }
0xe5: {  	_ =	swait.ge [sflag:s20], $0x4000  }
0xe6: {  	[sflag:s20] =	ssyncset.done $0x0  }
0xe7: {  	s7 =	simm.s32 $0x14100;
	[sflag:s20] =	ssyncadd.s32 $0xFFFFC000  }
0xe8: {  	[tilespmem:s24], [sflag:$0x1] =	stream.indirect.gather [hbm4b:s4+s23], $0x80, s7, s23, $0xb8;
	[tilespmem:$0x1E800] =	vst v63  }
0xe9: {  	_ =	swait.ge [sflag:s28], $0x4000  }
0xea: {  	[sflag:s28] =	ssyncset.done $0x0  }
0xeb: {  	s11 =	simm.s32 $0x15480;
	[sflag:s28] =	ssyncadd.s32 $0xFFFFC000  }
0xec: {  	[spmem:s2] =	stream.indirect.scatter.add.f32 [tilespmem:s25], [sflag:$0x3], $0x80, s11, s23, $0xb8;
	[tilespmem:$0x1E800] =	vst v63  }
0xed: {  	_ =	swait.ge [sflag:s20], $0x4000  }
0xee: {  	s0 =	simm.s32 $0x100;
	s1 =	simm.s32 $0x800;
	[sflag:s20] =	ssyncset.done $0x0  }
.LBB2_8:
0xef: {  	s6 =	sadd.s32 $0x14080, s0  }
0xf0: {  	[sflag:s20] =	ssyncadd.s32 $0xFFFFC000;
	s7 =	smov.u32 s1;
	s11 =	sadd.s32 $0x400, s1  }
0xf1: {  	[tilespmem:s25], [sflag:$0x2] =	stream.indirect.gather [hbm4b:s4+s23], $0x80, s6, s23, $0xb8;
	[tilespmem:$0x1E800] =	vst v63  }
0xf2: {  	p1 =	sne.s32 s1, $0x4800;
	_ =	swait.ge [sflag:s26], $0x4000  }
0xf3: {  	[sflag:s26] =	ssyncset.done $0x0  }
0xf4: {  	s1 =	sadd.s32 $0x15400, s0;
	[sflag:s26] =	ssyncadd.s32 $0xFFFFC000  }
0xf5: {  	[spmem:s2] =	stream.indirect.scatter.add.f32 [tilespmem:s24], [sflag:$0x3], $0x80, s1, s23, $0xb8;
	[tilespmem:$0x1E800] =	vst v63  }
0xf6: {  	_ =	swait.ge [sflag:s20], $0x4000  }
0xf7: {  	[sflag:s20] =	ssyncset.done $0x0  }
0xf8: {  	s1 =	sadd.s32 $0x14100, s0;
	[sflag:s20] =	ssyncadd.s32 $0xFFFFC000  }
0xf9: {  	[tilespmem:s24], [sflag:$0x1] =	stream.indirect.gather [hbm4b:s4+s23], $0x80, s1, s23, $0xb8;
	[tilespmem:$0x1E800] =	vst v63  }
0xfa: {  	_ =	swait.ge [sflag:s28], $0x4000  }
.Ltmp6:
0xfb: {  	[sflag:s28] =	ssyncset.done $0x0;
	(pc) =	sbr.rel @p1 .LBB2_8-.Ltmp6, $4  }
0xfc: {  	s0 =	sadd.s32 $0x15480, s0;
	[sflag:s28] =	ssyncadd.s32 $0xFFFFC000  }
0xfd: {  	[spmem:s2] =	stream.indirect.scatter.add.f32 [tilespmem:s25], [sflag:$0x3], $0x80, s0, s23, $0xb8;
	[tilespmem:$0x1E800] =	vst v63  }
0xfe: {  	_ =	swait.ge [sflag:s20], $0x4000  }
0xff: {  	s1 =	smov.u32 s11;
	s0 =	sshra.s32 s7, $0x2;
	[sflag:s20] =	ssyncset.done $0x0  }
0x100: {  	s1 =	sadd.s32 $0x14080, s0;
	[sflag:s20] =	ssyncadd.s32 $0xFFFFC000  }
0x101: {  	[tilespmem:s25], [sflag:$0x2] =	stream.indirect.gather [hbm4b:s4+s23], $0x80, s1, s23, $0xb8;
	[tilespmem:$0x1E800] =	vst v63  }
0x102: {  	_ =	swait.ge [sflag:s26], $0x4000  }
0x103: {  	[sflag:s26] =	ssyncset.done $0x0  }
0x104: {  	s11 =	sadd.s32 $0x15400, s0;
	[sflag:s26] =	ssyncadd.s32 $0xFFFFC000  }
0x105: {  	[spmem:s2] =	stream.indirect.scatter.add.f32 [tilespmem:s24], [sflag:$0x3], $0x80, s11, s23, $0xb8;
	[tilespmem:$0x1E800] =	vst v63  }
0x106: {  	_ =	swait.ge [sflag:s20], $0x4000  }
0x107: {  	[sflag:s20] =	ssyncset.done $0x0  }
0x108: {  	s6 =	sadd.s32 $0x14100, s0;
	[sflag:s20] =	ssyncadd.s32 $0xFFFFC000  }
0x109: {  	[tilespmem:s24], [sflag:$0x1] =	stream.indirect.gather [hbm4b:s4+s23], $0x80, s6, s23, $0xb8;
	[tilespmem:$0x1E800] =	vst v63  }
0x10a: {  	_ =	swait.ge [sflag:s28], $0x4000  }
0x10b: {  	[sflag:s28] =	ssyncset.done $0x0  }
0x10c: {  	s7 =	sadd.s32 $0x15480, s0;
	[sflag:s28] =	ssyncadd.s32 $0xFFFFC000  }
0x10d: {  	[spmem:s2] =	stream.indirect.scatter.add.f32 [tilespmem:s25], [sflag:$0x3], $0x80, s7, s23, $0xb8;
	[tilespmem:$0x1E800] =	vst v63  }
0x10e: {  	_ =	swait.ge [sflag:s20], $0x4000  }
0x10f: {  	[sflag:s20] =	ssyncset.done $0x0  }
0x110: {  	[sflag:s20] =	ssyncadd.s32 $0xFFFFC000  }
0x111: {  	[tilespmem:s25], [sflag:$0x2] =	stream.indirect.gather [hbm4b:s4+s23], $0x80, s29, s23, $0xb8;
	[tilespmem:$0x1E800] =	vst v63  }
0x112: {  	_ =	swait.ge [sflag:s26], $0x4000  }
0x113: {  	[sflag:s26] =	ssyncset.done $0x0  }
0x114: {  	[sflag:s26] =	ssyncadd.s32 $0xFFFFC000  }
0x115: {  	[spmem:s2] =	stream.indirect.scatter.add.f32 [tilespmem:s24], [sflag:$0x3], $0x80, s30, s23, $0xb8;
	[tilespmem:$0x1E800] =	vst v63  }
0x116: {  	_ =	swait.ge [sflag:s20], $0x4000  }
0x117: {  	[sflag:s20] =	ssyncset.done $0x0  }
0x118: {  	[sflag:s20] =	ssyncadd.s32 $0xFFFFC000  }
0x119: {  	_ =	swait.ge [sflag:s28], $0x4000  }
0x11a: {  	[sflag:s28] =	ssyncset.done $0x0  }
0x11b: {  	[sflag:s28] =	ssyncadd.s32 $0xFFFFC000  }
0x11c: {  	[spmem:s2] =	stream.indirect.scatter.add.f32 [tilespmem:s25], [sflag:$0x3], $0x80, s31, s23, $0xb8;
	[tilespmem:$0x1E800] =	vst v63  }
0x11d: {  	_ =	swait.ge [sflag:s20], $0x4000  }
0x11e: {  	[sflag:s20] =	ssyncset.done $0x0  }
0x11f: {  	s11 =	simm.s32 $0x0;
	[sflag:s20] =	ssyncadd.s32 $0xFFFFC000  }
0x120: {  	[tilespmem:s21], [sflag:$0x3] =	stream.linear.gather [hbm4b:s13+s11], $0x1400, $0x38;
	[tilespmem:$0x1E800] =	vst v63  }
0x121: {  	_ =	swait.ge [sflag:s20], $0x1400  }
0x122: {  	[sflag:s20] =	ssyncset.done $0x0  }
0x123: {  	[sflag:s20] =	ssyncadd.s32 $0xFFFFEC00  }
0x124: {  	[tilespmem:s22], [sflag:$0x3] =	stream.linear.gather [hbm4b:s14+s11], $0x1400, $0x38;
	[tilespmem:$0x1E800] =	vst v63  }
0x125: {  	_ =	swait.ge [sflag:s20], $0x1400  }
0x126: {  	[sflag:s20] =	ssyncset.done $0x0  }
0x127: {  	[sflag:s20] =	ssyncadd.s32 $0xFFFFEC00  }
0x128: {  	[tilespmem:s24], [sflag:$0x1] =	stream.indirect.gather [hbm4b:s4+s23], $0x80, s21, s23, $0xb8;
	[tilespmem:$0x1E800] =	vst v63  }
0x129: {  	s1 =	simm.s32 $0x14080  }
0x12a: {  	[tilespmem:s25], [sflag:$0x2] =	stream.indirect.gather [hbm4b:s4+s23], $0x80, s1, s23, $0xb8;
	[tilespmem:$0x1E800] =	vst v63  }
0x12b: {  	_ =	swait.ge [sflag:s26], $0x4000  }
0x12c: {  	[sflag:s26] =	ssyncset.done $0x0  }
0x12d: {  	s6 =	simm.s32 $0x15400;
	[sflag:s26] =	ssyncadd.s32 $0xFFFFC000  }
0x12e: {  	[spmem:s2] =	stream.indirect.scatter.add.f32 [tilespmem:s24], [sflag:$0x3], $0x80, s6, s23, $0xb8;
	[tilespmem:$0x1E800] =	vst v63  }
0x12f: {  	_ =	swait.ge [sflag:s20], $0x4000  }
0x130: {  	[sflag:s20] =	ssyncset.done $0x0  }
0x131: {  	s7 =	simm.s32 $0x14100;
	[sflag:s20] =	ssyncadd.s32 $0xFFFFC000  }
0x132: {  	[tilespmem:s24], [sflag:$0x1] =	stream.indirect.gather [hbm4b:s4+s23], $0x80, s7, s23, $0xb8;
	[tilespmem:$0x1E800] =	vst v63  }
0x133: {  	_ =	swait.ge [sflag:s28], $0x4000  }
0x134: {  	[sflag:s28] =	ssyncset.done $0x0  }
0x135: {  	s11 =	simm.s32 $0x15480;
	[sflag:s28] =	ssyncadd.s32 $0xFFFFC000  }
0x136: {  	[spmem:s2] =	stream.indirect.scatter.add.f32 [tilespmem:s25], [sflag:$0x3], $0x80, s11, s23, $0xb8;
	[tilespmem:$0x1E800] =	vst v63  }
0x137: {  	_ =	swait.ge [sflag:s20], $0x4000  }
0x138: {  	s0 =	simm.s32 $0x100;
	s1 =	simm.s32 $0x800;
	[sflag:s20] =	ssyncset.done $0x0  }
.LBB2_10:
0x139: {  	s6 =	sadd.s32 $0x14080, s0  }
0x13a: {  	[sflag:s20] =	ssyncadd.s32 $0xFFFFC000;
	s7 =	smov.u32 s1;
	s11 =	sadd.s32 $0x400, s1  }
0x13b: {  	[tilespmem:s25], [sflag:$0x2] =	stream.indirect.gather [hbm4b:s4+s23], $0x80, s6, s23, $0xb8;
	[tilespmem:$0x1E800] =	vst v63  }
0x13c: {  	p1 =	sne.s32 s1, $0x4800;
	_ =	swait.ge [sflag:s26], $0x4000  }
0x13d: {  	[sflag:s26] =	ssyncset.done $0x0  }
0x13e: {  	s1 =	sadd.s32 $0x15400, s0;
	[sflag:s26] =	ssyncadd.s32 $0xFFFFC000  }
0x13f: {  	[spmem:s2] =	stream.indirect.scatter.add.f32 [tilespmem:s24], [sflag:$0x3], $0x80, s1, s23, $0xb8;
	[tilespmem:$0x1E800] =	vst v63  }
0x140: {  	_ =	swait.ge [sflag:s20], $0x4000  }
0x141: {  	[sflag:s20] =	ssyncset.done $0x0  }
0x142: {  	s1 =	sadd.s32 $0x14100, s0;
	[sflag:s20] =	ssyncadd.s32 $0xFFFFC000  }
0x143: {  	[tilespmem:s24], [sflag:$0x1] =	stream.indirect.gather [hbm4b:s4+s23], $0x80, s1, s23, $0xb8;
	[tilespmem:$0x1E800] =	vst v63  }
0x144: {  	_ =	swait.ge [sflag:s28], $0x4000  }
.Ltmp7:
0x145: {  	[sflag:s28] =	ssyncset.done $0x0;
	(pc) =	sbr.rel @p1 .LBB2_10-.Ltmp7, $4  }
0x146: {  	s0 =	sadd.s32 $0x15480, s0;
	[sflag:s28] =	ssyncadd.s32 $0xFFFFC000  }
0x147: {  	[spmem:s2] =	stream.indirect.scatter.add.f32 [tilespmem:s25], [sflag:$0x3], $0x80, s0, s23, $0xb8;
	[tilespmem:$0x1E800] =	vst v63  }
0x148: {  	_ =	swait.ge [sflag:s20], $0x4000  }
0x149: {  	s1 =	smov.u32 s11;
	s0 =	sshra.s32 s7, $0x2;
	[sflag:s20] =	ssyncset.done $0x0  }
.Ltmp8:
0x14a: {  	_ = 	snop;
	(pc) =	sbr.rel .LBB2_11-.Ltmp8, $1  }
0x14b: {  	_ =	sdelay $0x3  }
.LBB2_13:
0x14c: {  	_ =	sfence.sel $0x180000  }
0x14d: {  	[bflag:$0x0] =	sbarrier.arrive $0xFFFF  }
0x14e: {  	_ =	strace $0x9000004D  }
0x14f: {  	s0 =	stileid.u32;
	[bflag:$0x2] =	sbarrier.arrive $0xFFFF  }
0x150: {  	p0 =	sne.s32 s0, $0x0;
	s0 =	rddreg [dreg:$0x3]  }
0x151: {  	s0 =	sadd.s32 @!p0 $0x100000, s0  }
0x152: {  	[sflag:s0] =	ssyncadd.tile.s32 @!p0 $0x1;
	_ =	shalt  }
.Lfunc_end2:
_tile_overlayer_lowered:
.L_overlay_start_2:
0x153: {  	(tag) =	ssettag $0x2  }
0x154: {  	s0 =	rddreg [dreg:$0x0];
	s2 =	stileid.u32  }
0x155: {  	s1 =	rddreg [dreg:$0x1];
	p0 =	sne.s32 s2, $0x0  }
0x156: {  	s3 =	rddreg [dreg:$0x2];
	[bflag:$0x3] =	sbarrier.arrive $0xFFFF;
	s2 =	simm.s32 @!p0 $0x1C03  }
0x157: {  	[timem:s3], [sflag:s2] =	dma.local @!p0 [hbm:s0], s1  }
0x158: {  	s0 =	simm.s32 @!p0 $0x3  }
0x159: {  	_ =	swait.ge @!p0 [sflag:s0], s1  }
0x15a: {  	s1 =	ssub.s32 @!p0 $0x0, s1;
	[sflag:s0] =	ssyncset.done @!p0 $0x0  }
0x15b: {  	[sflag:s0] =	ssyncadd.s32 @!p0 s1  }
0x15c: {  	[bflag:$0x3] =	sbarrier.arrive $0xFFFF  }
0x15d: {  	_ =	shalt  }

// kernel: kernel.20.cloned.1.call-start
scs
__scs_entry_jumppad:
0x0: {  	(pc) =	sbr.rel $0x88, $3  }
0x1: {  	(tag) =	ssettag $0x0;
	lr =	simm.s32 $0x1  }
0x2: {  	[smem:$0x3F8F] =	sst lr;
	_ =	strace $0xD0000000  }
0x3: {  	_ = 	snop  }
0x4: {  	_ = 	snop  }
0x5: {  	_ = 	snop  }
0x6: {  	_ = 	snop  }
0x7: {  	_ = 	snop  }
__scs_overlays_trampoline_lowered:
0x8: {  	[smem:$0x3F9E] =	sst s0  }
0x9: {  	[smem:$0x3F9F] =	sst s1  }
0xa: {  	[smem:$0x3FA0] =	sst s2  }
0xb: {  	[smem:$0x3FA1] =	sst s3  }
0xc: {  	[smem:$0x3FA2] =	sst s4  }
0xd: {  	[smem:$0x3FA3] =	sst s5  }
0xe: {  	[smem:$0x3FA4] =	sst s6  }
0xf: {  	[smem:$0x3FA5] =	sst s7  }
0x10: {  	[smem:$0x3FA6] =	sst s8  }
0x11: {  	[smem:$0x3FA7] =	sst s9;
	s0 =	simm.s32 @!p0 $0x0  }
0x12: {  	s1 =	sld [smem:$0x3F8D];
	s0 =	simm.s32 @p0 $0x1  }
0x13: {  	[smem:$0x3FA8] =	sst s0;
	s0 =	simm.s32 @!p1 $0x0  }
0x14: {  	s2 =	sld [smem:$0x3F8C];
	s0 =	simm.s32 @p1 $0x1  }
0x15: {  	[smem:$0x3FA9] =	sst s0;
	s0 =	simm.s32 @!p2 $0x0  }
0x16: {  	s3 =	sld [smem:$0x3FDB];
	s0 =	simm.s32 @p2 $0x1  }
0x17: {  	s4 =	simm.s32 $0x1BF5;
	[smem:$0x3FAB] =	sst s0  }
0x18: {  	s0 =	sld [smem:$0x3F8E];
	_ =	swait.ge [sflag:s4], $0x0  }
0x19: {  	s7 =	sld [smem:$0x3F8F]  }
0x1a: {  	s8 =	sadd.s32 $0xFFFFE003, lr  }
0x1b: {  	s9 =	sadd.s32 $0xFFFFFEF7, lr;
	s5 =	simm.s32 $0xFFFFFFFF;
	p2 =	slt.u32 s8, $0xFFFFF086  }
0x1c: {  	p1 =	slt.u32 s9, $0xF7A;
	s5 =	simm.s32 @!p2 $0x0  }
0x1d: {  	s5 =	simm.s32 @p1 $0x1;
	p0 =	seq.s32 s7, s2  }
0x1e: {  	s7 =	smul.u32 @!p0 $0xF7A, s2;
	p2 =	seq.s32 @!p0 s5, $0x0  }
0x1f: {  	s9 =	smul.u32 $0xF7A, s1;
	s8 =	simm.s32 @!p0 $0x1BF5;
	p2 =	por !p2, p0  }
0x20: {  	[sflag:s8] =	ssyncset.s32 @!p0 $0xFFFFF086;
	s6 =	sadd.s32 @!p0 s3, s7;
	s7 =	simm.s32 @!p0 $0x108  }
0x21: {  	s3 =	sadd.s32 s3, s9;
	s6 =	sadd.s32 @!p0 $0x88, s6;
	s7 =	simm.s32 @p2 $0x1082  }
0x22: {  	[simem:s7], [sflag:s8] =	dma.local @!p0 [hbm:s6], $0xF7A  }
0x23: {  	s9 =	sor.u32 $0xD0000000, s2;
	s6 =	simm.s32 $0x108;
	_ =	swait.ge @!p0 [sflag:s8], $0x0  }
0x24: {  	s3 =	sadd.s32 $0x88, s3;
	s6 =	simm.s32 @!p1 $0x1082;
	[sflag:s4] =	ssyncset.s32 $0xFFFFF086  }
0x25: {  	[simem:s6], [sflag:s4] =	dma.local [hbm:s3], $0xF7A  }
0x26: {  	[smem:$0x3F8F] =	sst s1;
	(tag) =	ssettag s2;
	_ =	strace s9  }
0x27: {  	s1 =	sld [smem:$0x3F9F]  }
0x28: {  	s2 =	sld [smem:$0x3FA0]  }
0x29: {  	s4 =	sld [smem:$0x3FA2]  }
0x2a: {  	p0 =	seq.s32 s5, $0x0;
	s5 =	sld [smem:$0x3FA3]  }
0x2b: {  	s6 =	sld [smem:$0x3FA4]  }
0x2c: {  	s7 =	sld [smem:$0x3FA5]  }
0x2d: {  	s3 =	simm.s32 $0x108;
	s8 =	sld [smem:$0x3FA6]  }
0x2e: {  	s3 =	simm.s32 @!p0 $0x1082;
	s9 =	sld [smem:$0x3FA7]  }
0x2f: {  	lr =	sadd.s32 s0, s3;
	s0 =	sld [smem:$0x3F9E]  }
0x30: {  	s3 =	sld [smem:$0x3FA1]  }
0x31: {  	[smem:$0x3FAA] =	sst s10  }
0x32: {  	s10 =	sld [smem:$0x3FA8];
	_ =	sdelay $0x3  }
0x33: {  	p0 =	seq.s32 s10, $0x1;
	s10 =	sld [smem:$0x3FAA];
	_ =	sdelay $0x3  }
0x34: {  	[smem:$0x3FAA] =	sst s10  }
0x35: {  	s10 =	sld [smem:$0x3FA9];
	_ =	sdelay $0x3  }
0x36: {  	p1 =	seq.s32 s10, $0x1;
	s10 =	sld [smem:$0x3FAA];
	_ =	sdelay $0x3  }
0x37: {  	[smem:$0x3FAA] =	sst s10  }
0x38: {  	s10 =	sld [smem:$0x3FAB]  }
0x39: {  	_ = 	snop;
	(pc) =	sbr.ind lr, $3  }
0x3a: {  	_ = 	snop  }
0x3b: {  	_ = 	snop  }
0x3c: {  	p2 =	seq.s32 s10, $0x1;
	s10 =	sld [smem:$0x3FAA]  }
0x3d: {  	_ =	shalt  }
0x3e: {  	_ =	shalt  }
0x3f: {  	_ =	shalt  }
0x40: {  	_ =	shalt  }
0x41: {  	_ =	shalt  }
0x42: {  	_ =	shalt  }
0x43: {  	_ =	shalt  }
0x44: {  	_ =	shalt  }
0x45: {  	_ =	shalt  }
0x46: {  	_ =	shalt  }
0x47: {  	_ =	shalt  }
0x48: {  	_ =	shalt  }
0x49: {  	_ =	shalt  }
0x4a: {  	_ =	shalt  }
0x4b: {  	_ =	shalt  }
0x4c: {  	_ =	shalt  }
0x4d: {  	_ =	shalt  }
0x4e: {  	_ =	shalt  }
0x4f: {  	_ =	shalt  }
0x50: {  	_ =	shalt  }
0x51: {  	_ =	shalt  }
0x52: {  	_ =	shalt  }
0x53: {  	_ =	shalt  }
0x54: {  	_ =	shalt  }
0x55: {  	_ =	shalt  }
0x56: {  	_ =	shalt  }
0x57: {  	_ =	shalt  }
0x58: {  	_ =	shalt  }
0x59: {  	_ =	shalt  }
0x5a: {  	_ =	shalt  }
0x5b: {  	_ =	shalt  }
0x5c: {  	_ =	shalt  }
0x5d: {  	_ =	shalt  }
0x5e: {  	_ =	shalt  }
0x5f: {  	_ =	shalt  }
0x60: {  	_ =	shalt  }
0x61: {  	_ =	shalt  }
0x62: {  	_ =	shalt  }
0x63: {  	_ =	shalt  }
0x64: {  	_ =	shalt  }
0x65: {  	_ =	shalt  }
0x66: {  	_ =	shalt  }
0x67: {  	_ =	shalt  }
0x68: {  	_ =	shalt  }
0x69: {  	_ =	shalt  }
0x6a: {  	_ =	shalt  }
0x6b: {  	_ =	shalt  }
0x6c: {  	_ =	shalt  }
0x6d: {  	_ =	shalt  }
0x6e: {  	_ =	shalt  }
0x6f: {  	_ =	shalt  }
0x70: {  	_ =	shalt  }
0x71: {  	_ =	shalt  }
0x72: {  	_ =	shalt  }
0x73: {  	_ =	shalt  }
0x74: {  	_ =	shalt  }
0x75: {  	_ =	shalt  }
0x76: {  	_ =	shalt  }
0x77: {  	_ =	shalt  }
0x78: {  	_ =	shalt  }
0x79: {  	_ =	shalt  }
0x7a: {  	_ =	shalt  }
0x7b: {  	_ =	shalt  }
0x7c: {  	_ =	shalt  }
0x7d: {  	_ =	shalt  }
0x7e: {  	_ =	shalt  }
0x7f: {  	_ =	shalt  }
0x80: {  	_ =	shalt  }
0x81: {  	_ =	shalt  }
0x82: {  	_ =	shalt  }
0x83: {  	_ =	shalt  }
0x84: {  	_ =	shalt  }
0x85: {  	_ =	shalt  }
0x86: {  	_ =	shalt  }
0x87: {  	_ =	shalt  }
.Lfunc_end0:
.L_simem_size_0:
called_computation.3_lowered:
.L_overlay_start_0:
0x88: {  	s2 =	sld [smem:$0x3FD9]  }
0x89: {  	s3 =	sld [smem:$0x3FFE];
	_ =	sdelay $0x1  }
0x8a: {  	s1 =	srdreg.scid  }
0x8b: {  	s0 =	sand.u32 $0x1, s1  }
0x8c: {  	s17 =	sshll.u32 s0, $0xA;
	s2 =	sadd.s32 s3, s2  }
0x8d: {  	s2 =	sadd.s32 s2, s17  }
0x8e: {  	[smem:$0x3FB6] =	sst s2  }
0x8f: {  	_ = 	snop  }
0x90: {  	s2 =	sld [smem:$0x3FD0];
	(tm) =	ssettm $0x1  }
0x91: {  	s18 =	sld [smem:$0x3FFB];
	_ =	sdelay $0x3  }
0x92: {  	_ =	strace s18  }
0x93: {  	s3 =	sld [smem:$0x3FFC];
	_ =	sdelay $0x3  }
0x94: {  	_ =	strace s3  }
0x95: {  	s3 =	sld [smem:$0x3FFD];
	_ =	sdelay $0x3  }
0x96: {  	_ =	strace s3  }
0x97: {  	_ =	strace $0x8FFFFFFF  }
0x98: {  	s19 =	sld [smem:$0x3FDB];
	_ =	sdelay $0x1  }
0x99: {  	s4 =	simm.s32 $_scs_section_size  }
0x9a: {  	s5 =	simm.s32 $_size__tile_overlayer_lowered;
	s6 =	simm.s32 $_tile_overlayer_lowered  }
0x9b: {  	s22 =	simm.s32 $0x1BFF;
	s21 =	sshll.u32 s6, $0x1;
	s3 =	sadd.s32 s4, s19  }
0x9c: {  	s7 =	simm.s32 $0x0;
	s20 =	sshll.u32 s5, $0x1;
	s5 =	sadd.s32 s21, s3  }
0x9d: {  	[timem:s7], [sflag:s22] =	dma.local [hbm:s5], s20  }
0x9e: {  	_ =	swait.ge [sflag:s22], s20  }
0x9f: {  	s4 =	ssub.s32 $0x0, s20;
	[sflag:s22] =	ssyncset.done $0x0  }
0xa0: {  	[sflag:s22] =	ssyncadd.s32 s4;
	_ =	sdelay $0x1  }
0xa1: {  	s23 =	simm.s32 $0x1B8B  }
0xa2: {  	_ =	swait.ge [sflag:s23], $0x1  }
0xa3: {  	[sflag:s23] =	ssyncset.done $0x0  }
0xa4: {  	s25 =	simm.s32 $0x1B8E;
	s24 =	sld [smem:$0x3FFE];
	[sflag:s23] =	ssyncadd.s32 $0xFFFFFFFF  }
0xa5: {  	s26 =	simm.s32 $execute0_lowered;
	[smem:$0x3FD2] =	sst s25  }
0xa6: {  	s5 =	sshll.u32 s26, $0x1;
	_ =	strace $0x8000004F;
	[dreg:$0x1] =	wrdreg $0xFFFFFFFF  }
0xa7: {  	s28 =	simm.s32 $_size_execute0_lowered;
	s3 =	sadd.s32 s3, s5;
	[dreg:$0x0] =	wrdreg $0x0  }
0xa8: {  	s5 =	sshll.u32 s28, $0x1;
	[dreg:$0x2] =	wrdreg s3  }
0xa9: {  	[dreg:$0x3] =	wrdreg s5  }
0xaa: {  	[dreg:$0x4] =	wrdreg $0xC0  }
0xab: {  	_ =	task [dreg:s7], $0x5FFFF  }
0xac: {  	[dreg:$0x1] =	wrdreg $0xFFFFFFFF  }
0xad: {  	[dreg:$0x0] =	wrdreg $0x60  }
0xae: {  	[dreg:$0x2] =	wrdreg s24  }
0xaf: {  	[dreg:$0x3] =	wrdreg s2  }
0xb0: {  	[dreg:$0x4] =	wrdreg $0x0  }
0xb1: {  	[dreg:$0x5] =	wrdreg $0x9  }
0xb2: {  	_ =	task.clear_ibuf [dreg:s7], $0x6FFFF;
	_ =	strace $0x9000004F  }
0xb3: {  	s29 =	simm.s32 $0x9;
	_ =	strace $0x80000051  }
0xb4: {  	_ =	swait.ge [sflag:s29], $0x1  }
0xb5: {  	[sflag:s29] =	ssyncadd.s32 $0xFFFFFFFF  }
0xb6: {  	_ =	strace $0x90000051  }
0xb7: {  	_ =	sfence  }
0xb8: {  	s30 =	sld [smem:$0x0];
	_ =	sdelay $0x2  }
0xb9: {  	s31 =	sshll.u32 s1, $0xD;
	s1 =	sshrl.u32 s1, $0x2  }
0xba: {  	s3 =	sand.u32 $0x4000, s31;
	s1 =	sadd.s32 s1, s30  }
0xbb: {  	s0 =	sor.u32 s3, s0;
	s1 =	sshll.u32 s1, $0x11  }
0xbc: {  	s0 =	sor.u32 s1, s0  }
0xbd: {  	s0 =	sadd.s32 $0x8F2B, s0  }
0xbe: {  	[sflag:s0] =	ssyncadd.remote.s32 $0x1  }
0xbf: {  	_ =	sfence.sel $0xFFFF  }
0xc0: {  	[dreg:$0x0] =	wrdreg $0xFFFFFFFF;
	(pc) =	sbr.abs _section_cstart, $3  }
0xc1: {  	[dreg:$0x1] =	wrdreg $0xFFFFFFFF  }
0xc2: {  	_ =	task.clear_ibuf [dreg:s7], $0x2FFFF;
	_ =	strace $0x9FFFFFFF  }
0xc3: {  	(tm) =	ssettm $0x7FFFFFFF  }
tec
execute0_lowered:
.L_overlay_start_1:
0x0: {  	(tag) =	ssettag $0x1  }
0x1: {  	s0 =	rddreg [dreg:$0x0]  }
0x2: {  	s1 =	rddreg [dreg:$0x1]  }
0x3: {  	s2 =	rddreg [dreg:$0x2];
	s3 =	simm.s32 $0x0  }
0x4: {  	s11 =	stileid.u32;
	s6 =	srdreg.scid;
	s19 =	simm.s32 $0x3  }
0x5: {  	s20 =	simm.s32 $0xA000;
	s21 =	simm.s32 $0xB400;
	s28 =	simm.s32 $0xB380  }
0x6: {  	s29 =	simm.s32 $0xC700;
	s30 =	simm.s32 $0xC780;
	s31 =	simm.s32 $0x10  }
0x7: {  	[smem:$0x7FF] =	sst s3;
	s5 =	smul.u32 $0xA000, s11;
	s4 =	sadd.s32 $0x46800, s0  }
0x8: {  	s10 =	sand.u32 $0x1, s6;
	s7 =	smul.u32 $0x2800, s11;
	s16 =	sadd.s32 $0x3C800, s0  }
0x9: {  	s23 =	sshll.u32 s11, $0x6;
	s15 =	smul.u32 $0x500, s11;
	_ =	strace $0x80000050  }
0xa: {  	s8 =	ssub.s32 $0x2, s10;
	p0 =	sne.s32 s10, $0x0;
	s22 =	sshrl.u32 s5, $0x3  }
0xb: {  	s9 =	sshrl.u32 s8, $0x1;
	s18 =	sadd.s32 s5, s2;
	s24 =	sadd.s32 $0x5000, s15  }
0xc: {  	s13 =	sadd.s32 $0x5280, s15;
	s14 =	sadd.s32 s16, s15;
	s26 =	sadd.s32 $0x280, s15  }
0xd: {  	s15 =	sadd.s32 s1, s15;
	s6 =	sadd.s32 s22, s0;
	s0 =	sadd.s32 s7, s0  }
0xe: {  	s9 =	ssub.s32 s8, s9;
	s25 =	sadd.s32 s16, s24;
	s12 =	sadd.s32 s16, s13  }
0xf: {  	s13 =	sadd.s32 s1, s13;
	s16 =	sadd.s32 s16, s26;
	s17 =	sadd.s32 s1, s26  }
0x10: {  	s18 =	sshrl.u32 s18, $0x3;
	s22 =	simm.s32 $0x80;
	s26 =	simm.s32 $0x2  }
.Ltmp0:
0x11: {  	s5 =	sadd.s32 $0x5A800, s6;
	s6 =	sor.u32 $0x1C03, s23;
	(pc) =	sbr.rel .LBB2_1-.Ltmp0, $4  }
0x12: {  	s7 =	sadd.s32 $0x6E808, s0;
	s0 =	sadd.s32 $0x6E800, s0;
	[dreg:$0x6] =	wrdreg s25  }
0x13: {  	s9 =	smax.u32 s9, $0x1;
	s23 =	simm.s32 $0xC800;
	[dreg:$0x4] =	wrdreg s7  }
0x14: {  	s25 =	simm.s32 $0x1;
	[dreg:$0x5] =	wrdreg s0;
	s0 =	sadd.s32 s1, s24  }
0x15: {  	s24 =	simm.s32 $0xE800;
	[dreg:$0x7] =	wrdreg s0;
	s0 =	simm.s32 $0x8  }
.LBB2_11:
0x16: {  	s7 =	sadd.s32 $0xA080, s1;
	[sflag:s19] =	ssyncadd.s32 $0xFFFFE000  }
0x17: {  	[tilespmem:s24], [sflag:$0x2] =	stream.indirect.gather [hbm4b:s4+s22], $0x40, s7, s22, $0xb8;
	[tilespmem:$0x10800] =	vst v63  }
0x18: {  	_ =	swait.ge [sflag:s25], $0x2000  }
0x19: {  	[sflag:s25] =	ssyncset.done $0x0  }
0x1a: {  	s8 =	sadd.s32 $0xB400, s1;
	[sflag:s25] =	ssyncadd.s32 $0xFFFFE000  }
0x1b: {  	[spmem:s2] =	stream.indirect.scatter.add.f32 [tilespmem:s23], [sflag:$0x3], $0x40, s8, s22, $0xb8;
	[tilespmem:$0x10800] =	vst v63  }
0x1c: {  	_ =	swait.ge [sflag:s19], $0x2000  }
0x1d: {  	[sflag:s19] =	ssyncset.done $0x0  }
0x1e: {  	s10 =	sadd.s32 $0xA100, s1;
	[sflag:s19] =	ssyncadd.s32 $0xFFFFE000  }
0x1f: {  	[tilespmem:s23], [sflag:$0x1] =	stream.indirect.gather [hbm4b:s4+s22], $0x40, s10, s22, $0xb8;
	[tilespmem:$0x10800] =	vst v63  }
0x20: {  	_ =	swait.ge [sflag:s26], $0x2000  }
0x21: {  	[sflag:s26] =	ssyncset.done $0x0  }
0x22: {  	s11 =	sadd.s32 $0xB480, s1;
	[sflag:s26] =	ssyncadd.s32 $0xFFFFE000  }
0x23: {  	[spmem:s2] =	stream.indirect.scatter.add.f32 [tilespmem:s24], [sflag:$0x3], $0x40, s11, s22, $0xb8;
	[tilespmem:$0x10800] =	vst v63  }
0x24: {  	_ =	swait.ge [sflag:s19], $0x2000  }
0x25: {  	[sflag:s19] =	ssyncset.done $0x0  }
0x26: {  	[sflag:s19] =	ssyncadd.s32 $0xFFFFE000  }
0x27: {  	[tilespmem:s24], [sflag:$0x2] =	stream.indirect.gather [hbm4b:s4+s22], $0x40, s28, s22, $0xb8;
	[tilespmem:$0x10800] =	vst v63  }
0x28: {  	_ =	swait.ge [sflag:s25], $0x2000  }
0x29: {  	[sflag:s25] =	ssyncset.done $0x0  }
0x2a: {  	[sflag:s25] =	ssyncadd.s32 $0xFFFFE000  }
0x2b: {  	[spmem:s2] =	stream.indirect.scatter.add.f32 [tilespmem:s23], [sflag:$0x3], $0x40, s29, s22, $0xb8;
	[tilespmem:$0x10800] =	vst v63  }
0x2c: {  	_ =	swait.ge [sflag:s19], $0x2000  }
0x2d: {  	[sflag:s19] =	ssyncset.done $0x0  }
0x2e: {  	[sflag:s19] =	ssyncadd.s32 $0xFFFFE000  }
0x2f: {  	_ =	swait.ge [sflag:s26], $0x2000  }
0x30: {  	[sflag:s26] =	ssyncset.done $0x0  }
0x31: {  	[sflag:s26] =	ssyncadd.s32 $0xFFFFE000  }
0x32: {  	[spmem:s2] =	stream.indirect.scatter.add.f32 [tilespmem:s24], [sflag:$0x3], $0x40, s30, s22, $0xb8;
	[tilespmem:$0x10800] =	vst v63  }
0x33: {  	_ =	swait.ge [sflag:s19], $0x2000  }
0x34: {  	[sflag:s19] =	ssyncset.done $0x0  }
0x35: {  	s1 =	rddreg [dreg:$0x4];
	[sflag:s19] =	ssyncadd.s32 $0xFFFFE000  }
.LBB2_12:
0x36: {  	s3 =	sadd.s32 $0x1, s3  }
0x37: {  	p1 =	sne.s32 s3, s9  }
.Ltmp1:
0x38: {  	[bflag:$0x0] =	sbarrier.arrive $0xFFFF;
	(pc) =	sbr.rel @!p1 .LBB2_13-.Ltmp1, $4  }
0x39: {  	[hbm:s1@s31], [sflag:s6] =	dma.strided [spmem:s18@s0], $0x1400, s25, $0x8   }
0x3a: {  	_ =	swait.ge [sflag:s19], $0x1400  }
0x3b: {  	[sflag:s19] =	ssyncset.done $0x0  }
0x3c: {  	[sflag:s19] =	ssyncadd.s32 $0xFFFFEC00  }
.LBB2_1:
0x3d: {  	[spmem:s18], [sflag:s6] =	dma.local [hbm:s5], $0x1400  }
.Ltmp2:
0x3e: {  	_ =	swait.ge [sflag:s19], $0x1400;
	(pc) =	sbr.rel @p0 .LBB2_7-.Ltmp2, $4  }
0x3f: {  	[sflag:s19] =	ssyncset.done $0x0  }
0x40: {  	[sflag:s19] =	ssyncadd.s32 $0xFFFFEC00  }
0x41: {  	[bflag:$0x0] =	sbarrier.arrive $0xFFFF  }
0x42: {  	s1 =	simm.s32 $0x0  }
0x43: {  	[tilespmem:s20], [sflag:$0x3] =	stream.linear.gather [hbm4b:s14+s1], $0x1400, $0x38;
	[tilespmem:$0x10800] =	vst v63  }
0x44: {  	_ =	swait.ge [sflag:s19], $0x1400  }
0x45: {  	[sflag:s19] =	ssyncset.done $0x0  }
0x46: {  	[sflag:s19] =	ssyncadd.s32 $0xFFFFEC00  }
0x47: {  	[tilespmem:s21], [sflag:$0x3] =	stream.linear.gather [hbm4b:s15+s1], $0x1400, $0x38;
	[tilespmem:$0x10800] =	vst v63  }
0x48: {  	_ =	swait.ge [sflag:s19], $0x1400  }
0x49: {  	[sflag:s19] =	ssyncset.done $0x0  }
0x4a: {  	[sflag:s19] =	ssyncadd.s32 $0xFFFFEC00  }
0x4b: {  	[tilespmem:s23], [sflag:$0x1] =	stream.indirect.gather [hbm4b:s4+s22], $0x40, s20, s22, $0xb8;
	[tilespmem:$0x10800] =	vst v63  }
0x4c: {  	s7 =	simm.s32 $0xA080  }
0x4d: {  	[tilespmem:s24], [sflag:$0x2] =	stream.indirect.gather [hbm4b:s4+s22], $0x40, s7, s22, $0xb8;
	[tilespmem:$0x10800] =	vst v63  }
0x4e: {  	_ =	swait.ge [sflag:s25], $0x2000  }
0x4f: {  	[sflag:s25] =	ssyncset.done $0x0  }
0x50: {  	s8 =	simm.s32 $0xB400;
	[sflag:s25] =	ssyncadd.s32 $0xFFFFE000  }
0x51: {  	[spmem:s2] =	stream.indirect.scatter.add.f32 [tilespmem:s23], [sflag:$0x3], $0x40, s8, s22, $0xb8;
	[tilespmem:$0x10800] =	vst v63  }
0x52: {  	_ =	swait.ge [sflag:s19], $0x2000  }
0x53: {  	[sflag:s19] =	ssyncset.done $0x0  }
0x54: {  	s10 =	simm.s32 $0xA100;
	[sflag:s19] =	ssyncadd.s32 $0xFFFFE000  }
0x55: {  	[tilespmem:s23], [sflag:$0x1] =	stream.indirect.gather [hbm4b:s4+s22], $0x40, s10, s22, $0xb8;
	[tilespmem:$0x10800] =	vst v63  }
0x56: {  	_ =	swait.ge [sflag:s26], $0x2000  }
0x57: {  	[sflag:s26] =	ssyncset.done $0x0  }
0x58: {  	s11 =	simm.s32 $0xB480;
	[sflag:s26] =	ssyncadd.s32 $0xFFFFE000  }
0x59: {  	[spmem:s2] =	stream.indirect.scatter.add.f32 [tilespmem:s24], [sflag:$0x3], $0x40, s11, s22, $0xb8;
	[tilespmem:$0x10800] =	vst v63  }
0x5a: {  	_ =	swait.ge [sflag:s19], $0x2000  }
0x5b: {  	s1 =	simm.s32 $0x100;
	s10 =	simm.s32 $0x800;
	[sflag:s19] =	ssyncset.done $0x0  }
.LBB2_3:
0x5c: {  	s7 =	sadd.s32 $0xA080, s1  }
0x5d: {  	[sflag:s19] =	ssyncadd.s32 $0xFFFFE000;
	s11 =	smov.u32 s10;
	s8 =	sadd.s32 $0x400, s10  }
0x5e: {  	[tilespmem:s24], [sflag:$0x2] =	stream.indirect.gather [hbm4b:s4+s22], $0x40, s7, s22, $0xb8;
	[tilespmem:$0x10800] =	vst v63  }
0x5f: {  	p1 =	sne.s32 s10, $0x4800;
	_ =	swait.ge [sflag:s25], $0x2000  }
0x60: {  	[sflag:s25] =	ssyncset.done $0x0  }
0x61: {  	s7 =	sadd.s32 $0xB400, s1;
	[sflag:s25] =	ssyncadd.s32 $0xFFFFE000  }
0x62: {  	[spmem:s2] =	stream.indirect.scatter.add.f32 [tilespmem:s23], [sflag:$0x3], $0x40, s7, s22, $0xb8;
	[tilespmem:$0x10800] =	vst v63  }
0x63: {  	_ =	swait.ge [sflag:s19], $0x2000  }
0x64: {  	[sflag:s19] =	ssyncset.done $0x0  }
0x65: {  	s7 =	sadd.s32 $0xA100, s1;
	[sflag:s19] =	ssyncadd.s32 $0xFFFFE000  }
0x66: {  	[tilespmem:s23], [sflag:$0x1] =	stream.indirect.gather [hbm4b:s4+s22], $0x40, s7, s22, $0xb8;
	[tilespmem:$0x10800] =	vst v63  }
0x67: {  	_ =	swait.ge [sflag:s26], $0x2000  }
.Ltmp3:
0x68: {  	[sflag:s26] =	ssyncset.done $0x0;
	(pc) =	sbr.rel @p1 .LBB2_3-.Ltmp3, $4  }
0x69: {  	s1 =	sadd.s32 $0xB480, s1;
	[sflag:s26] =	ssyncadd.s32 $0xFFFFE000  }
0x6a: {  	[spmem:s2] =	stream.indirect.scatter.add.f32 [tilespmem:s24], [sflag:$0x3], $0x40, s1, s22, $0xb8;
	[tilespmem:$0x10800] =	vst v63  }
0x6b: {  	_ =	swait.ge [sflag:s19], $0x2000  }
0x6c: {  	s10 =	smov.u32 s8;
	s1 =	sshra.s32 s11, $0x2;
	[sflag:s19] =	ssyncset.done $0x0  }
0x6d: {  	s7 =	sadd.s32 $0xA080, s1;
	[sflag:s19] =	ssyncadd.s32 $0xFFFFE000  }
0x6e: {  	[tilespmem:s24], [sflag:$0x2] =	stream.indirect.gather [hbm4b:s4+s22], $0x40, s7, s22, $0xb8;
	[tilespmem:$0x10800] =	vst v63  }
0x6f: {  	_ =	swait.ge [sflag:s25], $0x2000  }
0x70: {  	[sflag:s25] =	ssyncset.done $0x0  }
0x71: {  	s11 =	sadd.s32 $0xB400, s1;
	[sflag:s25] =	ssyncadd.s32 $0xFFFFE000  }
0x72: {  	[spmem:s2] =	stream.indirect.scatter.add.f32 [tilespmem:s23], [sflag:$0x3], $0x40, s11, s22, $0xb8;
	[tilespmem:$0x10800] =	vst v63  }
0x73: {  	_ =	swait.ge [sflag:s19], $0x2000  }
0x74: {  	[sflag:s19] =	ssyncset.done $0x0  }
0x75: {  	s8 =	sadd.s32 $0xA100, s1;
	[sflag:s19] =	ssyncadd.s32 $0xFFFFE000  }
0x76: {  	[tilespmem:s23], [sflag:$0x1] =	stream.indirect.gather [hbm4b:s4+s22], $0x40, s8, s22, $0xb8;
	[tilespmem:$0x10800] =	vst v63  }
0x77: {  	_ =	swait.ge [sflag:s26], $0x2000  }
0x78: {  	[sflag:s26] =	ssyncset.done $0x0  }
0x79: {  	s10 =	sadd.s32 $0xB480, s1;
	[sflag:s26] =	ssyncadd.s32 $0xFFFFE000  }
0x7a: {  	[spmem:s2] =	stream.indirect.scatter.add.f32 [tilespmem:s24], [sflag:$0x3], $0x40, s10, s22, $0xb8;
	[tilespmem:$0x10800] =	vst v63  }
0x7b: {  	_ =	swait.ge [sflag:s19], $0x2000  }
0x7c: {  	[sflag:s19] =	ssyncset.done $0x0  }
0x7d: {  	[sflag:s19] =	ssyncadd.s32 $0xFFFFE000  }
0x7e: {  	[tilespmem:s24], [sflag:$0x2] =	stream.indirect.gather [hbm4b:s4+s22], $0x40, s28, s22, $0xb8;
	[tilespmem:$0x10800] =	vst v63  }
0x7f: {  	_ =	swait.ge [sflag:s25], $0x2000  }
0x80: {  	[sflag:s25] =	ssyncset.done $0x0  }
0x81: {  	[sflag:s25] =	ssyncadd.s32 $0xFFFFE000  }
0x82: {  	[spmem:s2] =	stream.indirect.scatter.add.f32 [tilespmem:s23], [sflag:$0x3], $0x40, s29, s22, $0xb8;
	[tilespmem:$0x10800] =	vst v63  }
0x83: {  	_ =	swait.ge [sflag:s19], $0x2000  }
0x84: {  	[sflag:s19] =	ssyncset.done $0x0  }
0x85: {  	[sflag:s19] =	ssyncadd.s32 $0xFFFFE000  }
0x86: {  	_ =	swait.ge [sflag:s26], $0x2000  }
0x87: {  	[sflag:s26] =	ssyncset.done $0x0  }
0x88: {  	[sflag:s26] =	ssyncadd.s32 $0xFFFFE000  }
0x89: {  	[spmem:s2] =	stream.indirect.scatter.add.f32 [tilespmem:s24], [sflag:$0x3], $0x40, s30, s22, $0xb8;
	[tilespmem:$0x10800] =	vst v63  }
0x8a: {  	_ =	swait.ge [sflag:s19], $0x2000  }
0x8b: {  	[sflag:s19] =	ssyncset.done $0x0  }
0x8c: {  	s11 =	simm.s32 $0x0;
	[sflag:s19] =	ssyncadd.s32 $0xFFFFE000  }
0x8d: {  	[tilespmem:s20], [sflag:$0x3] =	stream.linear.gather [hbm4b:s16+s11], $0x1400, $0x38;
	[tilespmem:$0x10800] =	vst v63  }
0x8e: {  	_ =	swait.ge [sflag:s19], $0x1400  }
0x8f: {  	[sflag:s19] =	ssyncset.done $0x0  }
0x90: {  	[sflag:s19] =	ssyncadd.s32 $0xFFFFEC00  }
0x91: {  	[tilespmem:s21], [sflag:$0x3] =	stream.linear.gather [hbm4b:s17+s11], $0x1400, $0x38;
	[tilespmem:$0x10800] =	vst v63  }
0x92: {  	_ =	swait.ge [sflag:s19], $0x1400  }
0x93: {  	[sflag:s19] =	ssyncset.done $0x0  }
0x94: {  	[sflag:s19] =	ssyncadd.s32 $0xFFFFEC00  }
0x95: {  	[tilespmem:s23], [sflag:$0x1] =	stream.indirect.gather [hbm4b:s4+s22], $0x40, s20, s22, $0xb8;
	[tilespmem:$0x10800] =	vst v63  }
0x96: {  	s7 =	simm.s32 $0xA080  }
0x97: {  	[tilespmem:s24], [sflag:$0x2] =	stream.indirect.gather [hbm4b:s4+s22], $0x40, s7, s22, $0xb8;
	[tilespmem:$0x10800] =	vst v63  }
0x98: {  	_ =	swait.ge [sflag:s25], $0x2000  }
0x99: {  	[sflag:s25] =	ssyncset.done $0x0  }
0x9a: {  	s8 =	simm.s32 $0xB400;
	[sflag:s25] =	ssyncadd.s32 $0xFFFFE000  }
0x9b: {  	[spmem:s2] =	stream.indirect.scatter.add.f32 [tilespmem:s23], [sflag:$0x3], $0x40, s8, s22, $0xb8;
	[tilespmem:$0x10800] =	vst v63  }
0x9c: {  	_ =	swait.ge [sflag:s19], $0x2000  }
0x9d: {  	[sflag:s19] =	ssyncset.done $0x0  }
0x9e: {  	s10 =	simm.s32 $0xA100;
	[sflag:s19] =	ssyncadd.s32 $0xFFFFE000  }
0x9f: {  	[tilespmem:s23], [sflag:$0x1] =	stream.indirect.gather [hbm4b:s4+s22], $0x40, s10, s22, $0xb8;
	[tilespmem:$0x10800] =	vst v63  }
0xa0: {  	_ =	swait.ge [sflag:s26], $0x2000  }
0xa1: {  	[sflag:s26] =	ssyncset.done $0x0  }
0xa2: {  	s11 =	simm.s32 $0xB480;
	[sflag:s26] =	ssyncadd.s32 $0xFFFFE000  }
0xa3: {  	[spmem:s2] =	stream.indirect.scatter.add.f32 [tilespmem:s24], [sflag:$0x3], $0x40, s11, s22, $0xb8;
	[tilespmem:$0x10800] =	vst v63  }
0xa4: {  	_ =	swait.ge [sflag:s19], $0x2000  }
0xa5: {  	s1 =	simm.s32 $0x100;
	s10 =	simm.s32 $0x800;
	[sflag:s19] =	ssyncset.done $0x0  }
.LBB2_5:
0xa6: {  	s7 =	sadd.s32 $0xA080, s1  }
0xa7: {  	[sflag:s19] =	ssyncadd.s32 $0xFFFFE000;
	s8 =	smov.u32 s10;
	s11 =	sadd.s32 $0x400, s10  }
0xa8: {  	[tilespmem:s24], [sflag:$0x2] =	stream.indirect.gather [hbm4b:s4+s22], $0x40, s7, s22, $0xb8;
	[tilespmem:$0x10800] =	vst v63  }
0xa9: {  	p1 =	sne.s32 s10, $0x4800;
	_ =	swait.ge [sflag:s25], $0x2000  }
0xaa: {  	[sflag:s25] =	ssyncset.done $0x0  }
0xab: {  	s7 =	sadd.s32 $0xB400, s1;
	[sflag:s25] =	ssyncadd.s32 $0xFFFFE000  }
0xac: {  	[spmem:s2] =	stream.indirect.scatter.add.f32 [tilespmem:s23], [sflag:$0x3], $0x40, s7, s22, $0xb8;
	[tilespmem:$0x10800] =	vst v63  }
0xad: {  	_ =	swait.ge [sflag:s19], $0x2000  }
0xae: {  	[sflag:s19] =	ssyncset.done $0x0  }
0xaf: {  	s7 =	sadd.s32 $0xA100, s1;
	[sflag:s19] =	ssyncadd.s32 $0xFFFFE000  }
0xb0: {  	[tilespmem:s23], [sflag:$0x1] =	stream.indirect.gather [hbm4b:s4+s22], $0x40, s7, s22, $0xb8;
	[tilespmem:$0x10800] =	vst v63  }
0xb1: {  	_ =	swait.ge [sflag:s26], $0x2000  }
.Ltmp4:
0xb2: {  	[sflag:s26] =	ssyncset.done $0x0;
	(pc) =	sbr.rel @p1 .LBB2_5-.Ltmp4, $4  }
0xb3: {  	s1 =	sadd.s32 $0xB480, s1;
	[sflag:s26] =	ssyncadd.s32 $0xFFFFE000  }
0xb4: {  	[spmem:s2] =	stream.indirect.scatter.add.f32 [tilespmem:s24], [sflag:$0x3], $0x40, s1, s22, $0xb8;
	[tilespmem:$0x10800] =	vst v63  }
0xb5: {  	_ =	swait.ge [sflag:s19], $0x2000  }
0xb6: {  	s10 =	smov.u32 s11;
	s1 =	sshra.s32 s8, $0x2;
	[sflag:s19] =	ssyncset.done $0x0  }
0xb7: {  	s7 =	sadd.s32 $0xA080, s1;
	[sflag:s19] =	ssyncadd.s32 $0xFFFFE000  }
0xb8: {  	[tilespmem:s24], [sflag:$0x2] =	stream.indirect.gather [hbm4b:s4+s22], $0x40, s7, s22, $0xb8;
	[tilespmem:$0x10800] =	vst v63  }
0xb9: {  	_ =	swait.ge [sflag:s25], $0x2000  }
0xba: {  	[sflag:s25] =	ssyncset.done $0x0  }
0xbb: {  	s8 =	sadd.s32 $0xB400, s1;
	[sflag:s25] =	ssyncadd.s32 $0xFFFFE000  }
0xbc: {  	[spmem:s2] =	stream.indirect.scatter.add.f32 [tilespmem:s23], [sflag:$0x3], $0x40, s8, s22, $0xb8;
	[tilespmem:$0x10800] =	vst v63  }
0xbd: {  	_ =	swait.ge [sflag:s19], $0x2000  }
0xbe: {  	[sflag:s19] =	ssyncset.done $0x0  }
0xbf: {  	s10 =	sadd.s32 $0xA100, s1;
	[sflag:s19] =	ssyncadd.s32 $0xFFFFE000  }
0xc0: {  	[tilespmem:s23], [sflag:$0x1] =	stream.indirect.gather [hbm4b:s4+s22], $0x40, s10, s22, $0xb8;
	[tilespmem:$0x10800] =	vst v63  }
0xc1: {  	_ =	swait.ge [sflag:s26], $0x2000  }
0xc2: {  	[sflag:s26] =	ssyncset.done $0x0  }
0xc3: {  	s11 =	sadd.s32 $0xB480, s1;
	[sflag:s26] =	ssyncadd.s32 $0xFFFFE000  }
0xc4: {  	[spmem:s2] =	stream.indirect.scatter.add.f32 [tilespmem:s24], [sflag:$0x3], $0x40, s11, s22, $0xb8;
	[tilespmem:$0x10800] =	vst v63  }
0xc5: {  	_ =	swait.ge [sflag:s19], $0x2000  }
0xc6: {  	[sflag:s19] =	ssyncset.done $0x0  }
0xc7: {  	[sflag:s19] =	ssyncadd.s32 $0xFFFFE000  }
0xc8: {  	[tilespmem:s24], [sflag:$0x2] =	stream.indirect.gather [hbm4b:s4+s22], $0x40, s28, s22, $0xb8;
	[tilespmem:$0x10800] =	vst v63  }
0xc9: {  	_ =	swait.ge [sflag:s25], $0x2000  }
0xca: {  	[sflag:s25] =	ssyncset.done $0x0  }
0xcb: {  	[sflag:s25] =	ssyncadd.s32 $0xFFFFE000  }
0xcc: {  	[spmem:s2] =	stream.indirect.scatter.add.f32 [tilespmem:s23], [sflag:$0x3], $0x40, s29, s22, $0xb8;
	[tilespmem:$0x10800] =	vst v63  }
0xcd: {  	_ =	swait.ge [sflag:s19], $0x2000  }
0xce: {  	[sflag:s19] =	ssyncset.done $0x0  }
0xcf: {  	[sflag:s19] =	ssyncadd.s32 $0xFFFFE000  }
0xd0: {  	_ =	swait.ge [sflag:s26], $0x2000  }
0xd1: {  	[sflag:s26] =	ssyncset.done $0x0  }
.Ltmp5:
0xd2: {  	[sflag:s26] =	ssyncadd.s32 $0xFFFFE000;
	(pc) =	sbr.rel .LBB2_12-.Ltmp5, $4  }
0xd3: {  	[spmem:s2] =	stream.indirect.scatter.add.f32 [tilespmem:s24], [sflag:$0x3], $0x40, s30, s22, $0xb8;
	[tilespmem:$0x10800] =	vst v63  }
0xd4: {  	_ =	swait.ge [sflag:s19], $0x2000  }
0xd5: {  	[sflag:s19] =	ssyncset.done $0x0  }
0xd6: {  	s1 =	rddreg [dreg:$0x5];
	[sflag:s19] =	ssyncadd.s32 $0xFFFFE000  }
.LBB2_7:
0xd7: {  	s7 =	rddreg [dreg:$0x6]  }
0xd8: {  	[tilespmem:s20], [sflag:$0x3] =	stream.linear.gather [hbm4b:s7+s1], $0x1400, $0x38;
	[tilespmem:$0x10800] =	vst v63  }
0xd9: {  	_ =	swait.ge [sflag:s19], $0x1400  }
0xda: {  	[sflag:s19] =	ssyncset.done $0x0  }
0xdb: {  	s11 =	rddreg [dreg:$0x7];
	[sflag:s19] =	ssyncadd.s32 $0xFFFFEC00  }
0xdc: {  	[tilespmem:s21], [sflag:$0x3] =	stream.linear.gather [hbm4b:s11+s1], $0x1400, $0x38;
	[tilespmem:$0x10800] =	vst v63  }
0xdd: {  	_ =	swait.ge [sflag:s19], $0x1400  }
0xde: {  	[sflag:s19] =	ssyncset.done $0x0  }
0xdf: {  	[sflag:s19] =	ssyncadd.s32 $0xFFFFEC00  }
0xe0: {  	[tilespmem:s23], [sflag:$0x1] =	stream.indirect.gather [hbm4b:s4+s22], $0x40, s20, s22, $0xb8;
	[tilespmem:$0x10800] =	vst v63  }
0xe1: {  	s7 =	simm.s32 $0xA080  }
0xe2: {  	[tilespmem:s24], [sflag:$0x2] =	stream.indirect.gather [hbm4b:s4+s22], $0x40, s7, s22, $0xb8;
	[tilespmem:$0x10800] =	vst v63  }
0xe3: {  	_ =	swait.ge [sflag:s25], $0x2000  }
0xe4: {  	[sflag:s25] =	ssyncset.done $0x0  }
0xe5: {  	s8 =	simm.s32 $0xB400;
	[sflag:s25] =	ssyncadd.s32 $0xFFFFE000  }
0xe6: {  	[spmem:s2] =	stream.indirect.scatter.add.f32 [tilespmem:s23], [sflag:$0x3], $0x40, s8, s22, $0xb8;
	[tilespmem:$0x10800] =	vst v63  }
0xe7: {  	_ =	swait.ge [sflag:s19], $0x2000  }
0xe8: {  	[sflag:s19] =	ssyncset.done $0x0  }
0xe9: {  	s10 =	simm.s32 $0xA100;
	[sflag:s19] =	ssyncadd.s32 $0xFFFFE000  }
0xea: {  	[tilespmem:s23], [sflag:$0x1] =	stream.indirect.gather [hbm4b:s4+s22], $0x40, s10, s22, $0xb8;
	[tilespmem:$0x10800] =	vst v63  }
0xeb: {  	_ =	swait.ge [sflag:s26], $0x2000  }
0xec: {  	[sflag:s26] =	ssyncset.done $0x0  }
0xed: {  	s11 =	simm.s32 $0xB480;
	[sflag:s26] =	ssyncadd.s32 $0xFFFFE000  }
0xee: {  	[spmem:s2] =	stream.indirect.scatter.add.f32 [tilespmem:s24], [sflag:$0x3], $0x40, s11, s22, $0xb8;
	[tilespmem:$0x10800] =	vst v63  }
0xef: {  	_ =	swait.ge [sflag:s19], $0x2000  }
0xf0: {  	s1 =	simm.s32 $0x100;
	s10 =	simm.s32 $0x800;
	[sflag:s19] =	ssyncset.done $0x0  }
.LBB2_8:
0xf1: {  	s7 =	sadd.s32 $0xA080, s1  }
0xf2: {  	[sflag:s19] =	ssyncadd.s32 $0xFFFFE000;
	s8 =	smov.u32 s10;
	s11 =	sadd.s32 $0x400, s10  }
0xf3: {  	[tilespmem:s24], [sflag:$0x2] =	stream.indirect.gather [hbm4b:s4+s22], $0x40, s7, s22, $0xb8;
	[tilespmem:$0x10800] =	vst v63  }
0xf4: {  	p1 =	sne.s32 s10, $0x4800;
	_ =	swait.ge [sflag:s25], $0x2000  }
0xf5: {  	[sflag:s25] =	ssyncset.done $0x0  }
0xf6: {  	s7 =	sadd.s32 $0xB400, s1;
	[sflag:s25] =	ssyncadd.s32 $0xFFFFE000  }
0xf7: {  	[spmem:s2] =	stream.indirect.scatter.add.f32 [tilespmem:s23], [sflag:$0x3], $0x40, s7, s22, $0xb8;
	[tilespmem:$0x10800] =	vst v63  }
0xf8: {  	_ =	swait.ge [sflag:s19], $0x2000  }
0xf9: {  	[sflag:s19] =	ssyncset.done $0x0  }
0xfa: {  	s7 =	sadd.s32 $0xA100, s1;
	[sflag:s19] =	ssyncadd.s32 $0xFFFFE000  }
0xfb: {  	[tilespmem:s23], [sflag:$0x1] =	stream.indirect.gather [hbm4b:s4+s22], $0x40, s7, s22, $0xb8;
	[tilespmem:$0x10800] =	vst v63  }
0xfc: {  	_ =	swait.ge [sflag:s26], $0x2000  }
.Ltmp6:
0xfd: {  	[sflag:s26] =	ssyncset.done $0x0;
	(pc) =	sbr.rel @p1 .LBB2_8-.Ltmp6, $4  }
0xfe: {  	s1 =	sadd.s32 $0xB480, s1;
	[sflag:s26] =	ssyncadd.s32 $0xFFFFE000  }
0xff: {  	[spmem:s2] =	stream.indirect.scatter.add.f32 [tilespmem:s24], [sflag:$0x3], $0x40, s1, s22, $0xb8;
	[tilespmem:$0x10800] =	vst v63  }
0x100: {  	_ =	swait.ge [sflag:s19], $0x2000  }
0x101: {  	s10 =	smov.u32 s11;
	s1 =	sshra.s32 s8, $0x2;
	[sflag:s19] =	ssyncset.done $0x0  }
0x102: {  	s7 =	sadd.s32 $0xA080, s1;
	[sflag:s19] =	ssyncadd.s32 $0xFFFFE000  }
0x103: {  	[tilespmem:s24], [sflag:$0x2] =	stream.indirect.gather [hbm4b:s4+s22], $0x40, s7, s22, $0xb8;
	[tilespmem:$0x10800] =	vst v63  }
0x104: {  	_ =	swait.ge [sflag:s25], $0x2000  }
0x105: {  	[sflag:s25] =	ssyncset.done $0x0  }
0x106: {  	s11 =	sadd.s32 $0xB400, s1;
	[sflag:s25] =	ssyncadd.s32 $0xFFFFE000  }
0x107: {  	[spmem:s2] =	stream.indirect.scatter.add.f32 [tilespmem:s23], [sflag:$0x3], $0x40, s11, s22, $0xb8;
	[tilespmem:$0x10800] =	vst v63  }
0x108: {  	_ =	swait.ge [sflag:s19], $0x2000  }
0x109: {  	[sflag:s19] =	ssyncset.done $0x0  }
0x10a: {  	s8 =	sadd.s32 $0xA100, s1;
	[sflag:s19] =	ssyncadd.s32 $0xFFFFE000  }
0x10b: {  	[tilespmem:s23], [sflag:$0x1] =	stream.indirect.gather [hbm4b:s4+s22], $0x40, s8, s22, $0xb8;
	[tilespmem:$0x10800] =	vst v63  }
0x10c: {  	_ =	swait.ge [sflag:s26], $0x2000  }
0x10d: {  	[sflag:s26] =	ssyncset.done $0x0  }
0x10e: {  	s10 =	sadd.s32 $0xB480, s1;
	[sflag:s26] =	ssyncadd.s32 $0xFFFFE000  }
0x10f: {  	[spmem:s2] =	stream.indirect.scatter.add.f32 [tilespmem:s24], [sflag:$0x3], $0x40, s10, s22, $0xb8;
	[tilespmem:$0x10800] =	vst v63  }
0x110: {  	_ =	swait.ge [sflag:s19], $0x2000  }
0x111: {  	[sflag:s19] =	ssyncset.done $0x0  }
0x112: {  	[sflag:s19] =	ssyncadd.s32 $0xFFFFE000  }
0x113: {  	[tilespmem:s24], [sflag:$0x2] =	stream.indirect.gather [hbm4b:s4+s22], $0x40, s28, s22, $0xb8;
	[tilespmem:$0x10800] =	vst v63  }
0x114: {  	_ =	swait.ge [sflag:s25], $0x2000  }
0x115: {  	[sflag:s25] =	ssyncset.done $0x0  }
0x116: {  	[sflag:s25] =	ssyncadd.s32 $0xFFFFE000  }
0x117: {  	[spmem:s2] =	stream.indirect.scatter.add.f32 [tilespmem:s23], [sflag:$0x3], $0x40, s29, s22, $0xb8;
	[tilespmem:$0x10800] =	vst v63  }
0x118: {  	_ =	swait.ge [sflag:s19], $0x2000  }
0x119: {  	[sflag:s19] =	ssyncset.done $0x0  }
0x11a: {  	[sflag:s19] =	ssyncadd.s32 $0xFFFFE000  }
0x11b: {  	_ =	swait.ge [sflag:s26], $0x2000  }
0x11c: {  	[sflag:s26] =	ssyncset.done $0x0  }
0x11d: {  	[sflag:s26] =	ssyncadd.s32 $0xFFFFE000  }
0x11e: {  	[spmem:s2] =	stream.indirect.scatter.add.f32 [tilespmem:s24], [sflag:$0x3], $0x40, s30, s22, $0xb8;
	[tilespmem:$0x10800] =	vst v63  }
0x11f: {  	_ =	swait.ge [sflag:s19], $0x2000  }
0x120: {  	[sflag:s19] =	ssyncset.done $0x0  }
0x121: {  	s11 =	simm.s32 $0x0;
	[sflag:s19] =	ssyncadd.s32 $0xFFFFE000  }
0x122: {  	[tilespmem:s20], [sflag:$0x3] =	stream.linear.gather [hbm4b:s12+s11], $0x1400, $0x38;
	[tilespmem:$0x10800] =	vst v63  }
0x123: {  	_ =	swait.ge [sflag:s19], $0x1400  }
0x124: {  	[sflag:s19] =	ssyncset.done $0x0  }
0x125: {  	[sflag:s19] =	ssyncadd.s32 $0xFFFFEC00  }
0x126: {  	[tilespmem:s21], [sflag:$0x3] =	stream.linear.gather [hbm4b:s13+s11], $0x1400, $0x38;
	[tilespmem:$0x10800] =	vst v63  }
0x127: {  	_ =	swait.ge [sflag:s19], $0x1400  }
0x128: {  	[sflag:s19] =	ssyncset.done $0x0  }
0x129: {  	[sflag:s19] =	ssyncadd.s32 $0xFFFFEC00  }
0x12a: {  	[tilespmem:s23], [sflag:$0x1] =	stream.indirect.gather [hbm4b:s4+s22], $0x40, s20, s22, $0xb8;
	[tilespmem:$0x10800] =	vst v63  }
0x12b: {  	s7 =	simm.s32 $0xA080  }
0x12c: {  	[tilespmem:s24], [sflag:$0x2] =	stream.indirect.gather [hbm4b:s4+s22], $0x40, s7, s22, $0xb8;
	[tilespmem:$0x10800] =	vst v63  }
0x12d: {  	_ =	swait.ge [sflag:s25], $0x2000  }
0x12e: {  	[sflag:s25] =	ssyncset.done $0x0  }
0x12f: {  	s8 =	simm.s32 $0xB400;
	[sflag:s25] =	ssyncadd.s32 $0xFFFFE000  }
0x130: {  	[spmem:s2] =	stream.indirect.scatter.add.f32 [tilespmem:s23], [sflag:$0x3], $0x40, s8, s22, $0xb8;
	[tilespmem:$0x10800] =	vst v63  }
0x131: {  	_ =	swait.ge [sflag:s19], $0x2000  }
0x132: {  	[sflag:s19] =	ssyncset.done $0x0  }
0x133: {  	s10 =	simm.s32 $0xA100;
	[sflag:s19] =	ssyncadd.s32 $0xFFFFE000  }
0x134: {  	[tilespmem:s23], [sflag:$0x1] =	stream.indirect.gather [hbm4b:s4+s22], $0x40, s10, s22, $0xb8;
	[tilespmem:$0x10800] =	vst v63  }
0x135: {  	_ =	swait.ge [sflag:s26], $0x2000  }
0x136: {  	[sflag:s26] =	ssyncset.done $0x0  }
0x137: {  	s11 =	simm.s32 $0xB480;
	[sflag:s26] =	ssyncadd.s32 $0xFFFFE000  }
0x138: {  	[spmem:s2] =	stream.indirect.scatter.add.f32 [tilespmem:s24], [sflag:$0x3], $0x40, s11, s22, $0xb8;
	[tilespmem:$0x10800] =	vst v63  }
0x139: {  	_ =	swait.ge [sflag:s19], $0x2000  }
0x13a: {  	s1 =	simm.s32 $0x100;
	s10 =	simm.s32 $0x800;
	[sflag:s19] =	ssyncset.done $0x0  }
.LBB2_10:
0x13b: {  	s7 =	sadd.s32 $0xA080, s1  }
0x13c: {  	[sflag:s19] =	ssyncadd.s32 $0xFFFFE000;
	s8 =	smov.u32 s10;
	s11 =	sadd.s32 $0x400, s10  }
0x13d: {  	[tilespmem:s24], [sflag:$0x2] =	stream.indirect.gather [hbm4b:s4+s22], $0x40, s7, s22, $0xb8;
	[tilespmem:$0x10800] =	vst v63  }
0x13e: {  	p1 =	sne.s32 s10, $0x4800;
	_ =	swait.ge [sflag:s25], $0x2000  }
0x13f: {  	[sflag:s25] =	ssyncset.done $0x0  }
0x140: {  	s7 =	sadd.s32 $0xB400, s1;
	[sflag:s25] =	ssyncadd.s32 $0xFFFFE000  }
0x141: {  	[spmem:s2] =	stream.indirect.scatter.add.f32 [tilespmem:s23], [sflag:$0x3], $0x40, s7, s22, $0xb8;
	[tilespmem:$0x10800] =	vst v63  }
0x142: {  	_ =	swait.ge [sflag:s19], $0x2000  }
0x143: {  	[sflag:s19] =	ssyncset.done $0x0  }
0x144: {  	s7 =	sadd.s32 $0xA100, s1;
	[sflag:s19] =	ssyncadd.s32 $0xFFFFE000  }
0x145: {  	[tilespmem:s23], [sflag:$0x1] =	stream.indirect.gather [hbm4b:s4+s22], $0x40, s7, s22, $0xb8;
	[tilespmem:$0x10800] =	vst v63  }
0x146: {  	_ =	swait.ge [sflag:s26], $0x2000  }
.Ltmp7:
0x147: {  	[sflag:s26] =	ssyncset.done $0x0;
	(pc) =	sbr.rel @p1 .LBB2_10-.Ltmp7, $4  }
0x148: {  	s1 =	sadd.s32 $0xB480, s1;
	[sflag:s26] =	ssyncadd.s32 $0xFFFFE000  }
0x149: {  	[spmem:s2] =	stream.indirect.scatter.add.f32 [tilespmem:s24], [sflag:$0x3], $0x40, s1, s22, $0xb8;
	[tilespmem:$0x10800] =	vst v63  }
0x14a: {  	_ =	swait.ge [sflag:s19], $0x2000  }
0x14b: {  	s10 =	smov.u32 s11;
	s1 =	sshra.s32 s8, $0x2;
	[sflag:s19] =	ssyncset.done $0x0  }
.Ltmp8:
0x14c: {  	_ = 	snop;
	(pc) =	sbr.rel .LBB2_11-.Ltmp8, $1  }
0x14d: {  	_ =	sdelay $0x3  }
.LBB2_13:
0x14e: {  	_ =	sfence.sel $0x180000  }
0x14f: {  	[bflag:$0x0] =	sbarrier.arrive $0xFFFF  }
0x150: {  	_ =	strace $0x90000050  }
0x151: {  	s0 =	stileid.u32;
	[bflag:$0x2] =	sbarrier.arrive $0xFFFF  }
0x152: {  	p0 =	sne.s32 s0, $0x0;
	s0 =	rddreg [dreg:$0x3]  }
0x153: {  	s0 =	sadd.s32 @!p0 $0x100000, s0  }
0x154: {  	[sflag:s0] =	ssyncadd.tile.s32 @!p0 $0x1;
	_ =	shalt  }
.Lfunc_end2:
_tile_overlayer_lowered:
.L_overlay_start_2:
0x155: {  	(tag) =	ssettag $0x2  }
0x156: {  	s0 =	rddreg [dreg:$0x0];
	s2 =	stileid.u32  }
0x157: {  	s1 =	rddreg [dreg:$0x1];
	p0 =	sne.s32 s2, $0x0  }
0x158: {  	s3 =	rddreg [dreg:$0x2];
	[bflag:$0x3] =	sbarrier.arrive $0xFFFF;
	s2 =	simm.s32 @!p0 $0x1C03  }
0x159: {  	[timem:s3], [sflag:s2] =	dma.local @!p0 [hbm:s0], s1  }
0x15a: {  	s0 =	simm.s32 @!p0 $0x3  }
0x15b: {  	_ =	swait.ge @!p0 [sflag:s0], s1  }
0x15c: {  	s1 =	ssub.s32 @!p0 $0x0, s1;
	[sflag:s0] =	ssyncset.done @!p0 $0x0  }
0x15d: {  	[sflag:s0] =	ssyncadd.s32 @!p0 s1  }
0x15e: {  	[bflag:$0x3] =	sbarrier.arrive $0xFFFF  }
0x15f: {  	_ =	shalt  }

</sc_bundles>
